<compile_context>
chip_gen: v7x
topology: tpu7x:2x2x1
jax: 0.10.2.dev20260603
libtpu: 0.0.44.dev20260713+nightly
codegen_flags: <defaults>
</compile_context>

<pallas_src>
import functools

import jax
import jax.numpy as jnp
from jax import lax
from jax.experimental import pallas as pl
from jax.experimental.pallas import tpu as pltpu
from jax.experimental.pallas import tpu_sc as plsc

B = 8
N = 512 * 512
BINS = 32
NBINS2 = BINS * BINS

_info = plsc.get_sparse_core_info()
NC = _info.num_cores
NS = _info.num_subcores
NW = NC * NS
L = _info.num_lanes
ROWS = 512
COLS = 512
RPW = ROWS // NW
VPR = COLS // L


def _sc_hist_body(x_hbm, y_hbm, out_hbm, xv, yv, hist, semx, semy):
    wid = lax.axis_index("c") * NS + lax.axis_index("s")
    row0 = wid * RPW

    zeros = jnp.zeros((L,), jnp.float32)
    ones = jnp.ones((L,), jnp.float32)

    for zb in range(B):

        @plsc.parallel_loop(0, NBINS2 // L, unroll=8)
        def _zero(i):
            hist[zb, i // 2, pl.ds((i % 2) * L, L)] = zeros

    cpx = pltpu.async_copy(x_hbm.at[0, 0, pl.ds(row0, RPW), :], xv.at[0], semx)
    cpy = pltpu.async_copy(y_hbm.at[0, 0, pl.ds(row0, RPW), :], yv.at[0], semy)
    for b in range(B):
        cur = b & 1
        cpx.wait()
        cpy.wait()
        if b + 1 < B:
            cpx = pltpu.async_copy(
                x_hbm.at[b + 1, 0, pl.ds(row0, RPW), :], xv.at[1 - cur], semx
            )
            cpy = pltpu.async_copy(
                y_hbm.at[b + 1, 0, pl.ds(row0, RPW), :], yv.at[1 - cur], semy
            )
        bvec = jnp.full((L,), b, jnp.int32)

        @plsc.parallel_loop(0, RPW * VPR, unroll=4)
        def _points(i):
            r = i // VPR
            c = i % VPR
            xr = xv[cur, r, pl.ds(c * L, L)]
            yr = yv[cur, r, pl.ds(c * L, L)]
            vx = xr * 16.0 + 16.0
            vy = yr * 16.0 + 16.0
            bx = lax.bitcast_convert_type(vx, jnp.uint32)
            by = lax.bitcast_convert_type(vy, jnp.uint32)
            valid = jnp.maximum(bx, by) <= jnp.uint32(0x42000000)
            tx = jnp.minimum(vx, 31.0).astype(jnp.int32)
            ty = jnp.minimum(vy, 31.0).astype(jnp.int32)
            plsc.addupdate_scatter(hist, [bvec, tx, ty], ones, mask=valid)

    pltpu.sync_copy(hist, out_hbm.at[wid])


@functools.partial(
    pl.kernel,
    out_type=jax.ShapeDtypeStruct((NW, B, BINS, BINS), jnp.float32),
    mesh=plsc.VectorSubcoreMesh(core_axis_name="c", subcore_axis_name="s"),
    compiler_params=pltpu.CompilerParams(needs_layout_passes=False, use_tc_tiling_on_sc=True),
    scratch_types=[
        pltpu.VMEM((2, RPW, COLS), jnp.float32),
        pltpu.VMEM((2, RPW, COLS), jnp.float32),
        pltpu.VMEM((B, BINS, BINS), jnp.float32),
        pltpu.SemaphoreType.DMA,
        pltpu.SemaphoreType.DMA,
    ],
)
def _sc_hist(x_hbm, y_hbm, out_hbm, xv, yv, hist, semx, semy):
    _sc_hist_body(x_hbm, y_hbm, out_hbm, xv, yv, hist, semx, semy)


def _tc_mi_body(parts_ref, out_ref):
    h = jnp.sum(parts_ref[...], axis=0)
    px = jnp.sum(h, axis=2, keepdims=True)
    py = jnp.sum(h, axis=1, keepdims=True)
    tot = jnp.sum(py, axis=2, keepdims=True)
    hn = h / tot
    pxn = px / tot
    pyn = py / tot
    pxy = pxn * pyn
    mask = (hn > 0) & (pxn > 0) & (pyn > 0)
    safe_ratio = jnp.where(mask, hn / jnp.where(mask, pxy, 1.0), 1.0)
    mi = jnp.sum(jnp.where(mask, hn * jnp.log(safe_ratio), 0.0))
    out_ref[0, 0] = -mi / B


def kernel(input, target):
    parts = _sc_hist(input, target)
    out = pl.pallas_call(
        _tc_mi_body,
        out_shape=jax.ShapeDtypeStruct((1, 1), jnp.float32),
        out_specs=pl.BlockSpec(memory_space=pltpu.SMEM),
    )(parts)
    return out[0, 0]

# --- scband reference (transcript-rebuilt; emitter-appended) ---
"""Pipeline reference for scband-mutual-information2-d-38654705664143 (READ-ONLY COPY).

The authoritative reference and input builder live on the scoring server;
editing this copy changes nothing except your own understanding.
"""

import jax, jax.numpy as jnp
import numpy as np

BINS = 32


def _hist2d(x, y, bins):
    # Faithful to np.histogram2d(range=[[0,1],[0,1]]): values outside [0,1] are
    # excluded; values exactly equal to 1.0 fall into the last bin.
    valid = (x >= 0.0) & (x <= 1.0) & (y >= 0.0) & (y <= 1.0)
    ix = jnp.floor(x * bins).astype(jnp.int32)
    iy = jnp.floor(y * bins).astype(jnp.int32)
    ix = jnp.minimum(ix, bins - 1)
    iy = jnp.minimum(iy, bins - 1)
    ix = jnp.where(valid, ix, 0)
    iy = jnp.where(valid, iy, 0)
    flat = ix * bins + iy
    w = valid.astype(jnp.float32)
    h = jax.ops.segment_sum(w, flat, num_segments=bins * bins)
    return h.reshape(bins, bins)


def _compute_mi_kde(x, y, bins):
    hist_2d = _hist2d(x, y, bins)
    px = jnp.sum(hist_2d, axis=1)
    py = jnp.sum(hist_2d, axis=0)
    hist_2d = hist_2d / jnp.sum(hist_2d)
    px = px / jnp.sum(px)
    py = py / jnp.sum(py)
    pxy = px[:, None] * py[None, :]
    mask = (hist_2d > 0) & (px[:, None] > 0) & (py[None, :] > 0)
    safe_ratio = jnp.where(mask, hist_2d / jnp.where(mask, pxy, 1.0), 1.0)
    mi = jnp.sum(jnp.where(mask, hist_2d * jnp.log(safe_ratio), 0.0))
    return mi


def setup_inputs(seed: int = 0) -> dict:
    key = jax.random.key(seed)
    k1, k2 = jax.random.split(key)
    shape = (8, 1, 512, 512)
    return {
        "input": jax.random.normal(k1, shape, dtype=jnp.float32),
        "target": jax.random.normal(k2, shape, dtype=jnp.float32),
    }


def reference(input, target):
    B = input.shape[0]
    input_flat = (input.reshape(B, -1) + 1.0) / 2.0
    target_flat = (target.reshape(B, -1) + 1.0) / 2.0
    mis = jax.vmap(lambda x, y: _compute_mi_kde(x, y, BINS))(input_flat, target_flat)
    total_mi = jnp.sum(mis)
    return -total_mi / B

if __name__ == "__main__":
    import jax
    _d = setup_inputs()
    print(jax.jit(kernel)(*tuple(_d.values())))

</pallas_src>

<mosaic_0001>
#map = affine_map<(d0, d1) -> (0, 0, 0, 0)>
module attributes {stable_mosaic.version = 14 : i64} {
  func.func @_sc_hist(%arg0: i32, %arg1: i32, %arg2: memref<8x1x512x512xf32, #tpu.memory_space<hbm>>, %arg3: memref<8x1x512x512xf32, #tpu.memory_space<hbm>>, %arg4: memref<32x8x32x32xf32, #tpu.memory_space<hbm>>, %arg5: memref<2x16x512xf32, #tpu.memory_space<vmem>>, %arg6: memref<2x16x512xf32, #tpu.memory_space<vmem>>, %arg7: memref<8x32x32xf32, #tpu.memory_space<vmem>>, %arg8: memref<!tpu.dma_semaphore, #tpu.memory_space<semaphore_mem>>, %arg9: memref<!tpu.dma_semaphore, #tpu.memory_space<semaphore_mem>>) attributes {dimension_semantics = [#tpu.dimension_semantics<core_parallel>, #tpu.dimension_semantics<subcore_parallel>], iteration_bounds = array<i64: 2, 16>, scalar_prefetch = 0 : i64, scratch_operands = 5 : i64, tpu.core_type = #tpu.core_type<sc_vector_subcore>, window_params = [{transform_indices = #map}, {transform_indices = #map}, {transform_indices = #map}]} {
    %mul3A = arith.constant 16 : i32
    %mul3A_0 = arith.muli %arg0, %mul3A : i32
    %add3A = arith.addi %mul3A_0, %arg1 : i32
    %mul3A_1 = arith.constant 16 : i32
    %mul3A_2 = arith.muli %add3A, %mul3A_1 : i32
    %broadcast_in_dim3A = arith.constant 0.000000e+00 : f32
    %broadcast_in_dim3A_3 = vector.broadcast %broadcast_in_dim3A : f32 to vector<16xf32>
    %broadcast_in_dim3A_4 = arith.constant 1.000000e+00 : f32
    %broadcast_in_dim3A_5 = vector.broadcast %broadcast_in_dim3A_4 : f32 to vector<16xf32>
    %parallel_loop3A = arith.constant 0 : i32
    %parallel_loop3A_6 = arith.constant 64 : i32
    %parallel_loop3A_7 = arith.constant 1 : i32
    scf.for %parallel_loop3A_611 = %parallel_loop3A to %parallel_loop3A_6 step %parallel_loop3A_7  : i32 {
      %parallel_loop3A_612 = arith.constant 2 : i32
      %parallel_loop3A_613 = arith.divsi %parallel_loop3A_611, %parallel_loop3A_612 : i32
      %parallel_loop3A_614 = arith.constant 0 : i32
      %parallel_loop3A_615 = arith.cmpi sgt, %parallel_loop3A_611, %parallel_loop3A_614 : i32
      %parallel_loop3A_616 = arith.extui %parallel_loop3A_615 : i1 to i32
      %parallel_loop3A_617 = arith.constant 0 : i32
      %parallel_loop3A_618 = arith.cmpi slt, %parallel_loop3A_611, %parallel_loop3A_617 : i32
      %parallel_loop3A_619 = arith.extui %parallel_loop3A_618 : i1 to i32
      %parallel_loop3A_620 = arith.subi %parallel_loop3A_616, %parallel_loop3A_619 : i32
      %parallel_loop3A_621 = arith.constant 0 : i32
      %parallel_loop3A_622 = arith.cmpi sgt, %parallel_loop3A_612, %parallel_loop3A_621 : i32
      %parallel_loop3A_623 = arith.extui %parallel_loop3A_622 : i1 to i32
      %parallel_loop3A_624 = arith.constant 0 : i32
      %parallel_loop3A_625 = arith.cmpi slt, %parallel_loop3A_612, %parallel_loop3A_624 : i32
      %parallel_loop3A_626 = arith.extui %parallel_loop3A_625 : i1 to i32
      %parallel_loop3A_627 = arith.subi %parallel_loop3A_623, %parallel_loop3A_626 : i32
      %parallel_loop3A_628 = arith.cmpi ne, %parallel_loop3A_620, %parallel_loop3A_627 : i32
      %parallel_loop3A_629 = arith.remsi %parallel_loop3A_611, %parallel_loop3A_612 : i32
      %parallel_loop3A_630 = arith.constant 0 : i32
      %parallel_loop3A_631 = arith.cmpi ne, %parallel_loop3A_629, %parallel_loop3A_630 : i32
      %parallel_loop3A_632 = arith.andi %parallel_loop3A_628, %parallel_loop3A_631 : i1
      %parallel_loop3A_633 = arith.constant 1 : i32
      %parallel_loop3A_634 = arith.subi %parallel_loop3A_613, %parallel_loop3A_633 : i32
      %parallel_loop3A_635 = arith.select %parallel_loop3A_632, %parallel_loop3A_634, %parallel_loop3A_613 : i32
      %parallel_loop3A_636 = arith.constant 2 : i32
      %parallel_loop3A_637 = arith.constant 0 : i32
      %parallel_loop3A_638 = arith.cmpi eq, %parallel_loop3A_636, %parallel_loop3A_637 : i32
      %parallel_loop3A_639 = arith.constant 1 : i32
      %parallel_loop3A_640 = arith.select %parallel_loop3A_638, %parallel_loop3A_639, %parallel_loop3A_636 : i32
      %parallel_loop3A_641 = arith.remsi %parallel_loop3A_611, %parallel_loop3A_640 : i32
      %parallel_loop3A_642 = arith.constant 0 : i32
      %parallel_loop3A_643 = arith.cmpi ne, %parallel_loop3A_641, %parallel_loop3A_642 : i32
      %parallel_loop3A_644 = arith.constant 0 : i32
      %parallel_loop3A_645 = arith.cmpi slt, %parallel_loop3A_641, %parallel_loop3A_644 : i32
      %parallel_loop3A_646 = arith.constant 0 : i32
      %parallel_loop3A_647 = arith.cmpi slt, %parallel_loop3A_640, %parallel_loop3A_646 : i32
      %parallel_loop3A_648 = arith.xori %parallel_loop3A_645, %parallel_loop3A_647 : i1
      %parallel_loop3A_649 = arith.andi %parallel_loop3A_648, %parallel_loop3A_643 : i1
      %parallel_loop3A_650 = arith.addi %parallel_loop3A_641, %parallel_loop3A_640 : i32
      %parallel_loop3A_651 = arith.select %parallel_loop3A_649, %parallel_loop3A_650, %parallel_loop3A_641 : i32
      %parallel_loop3A_652 = arith.constant 16 : i32
      %parallel_loop3A_653 = arith.muli %parallel_loop3A_651, %parallel_loop3A_652 : i32
      %parallel_loop3A_654 = arith.constant 0 : i32
      %parallel_loop3A_655 = arith.index_cast %parallel_loop3A_654 : i32 to index
      %parallel_loop3A_656 = arith.index_cast %parallel_loop3A_635 : i32 to index
      %parallel_loop3A_657 = arith.index_cast %parallel_loop3A_653 : i32 to index
      %parallel_loop3A_658 = tpu.vector_load %arg7[%parallel_loop3A_655, %parallel_loop3A_656, %parallel_loop3A_657] {strides = array<i32>} : memref<8x32x32xf32, #tpu.memory_space<vmem>>, vector<16xf32>,
      tpu.vector_store %arg7[%parallel_loop3A_655, %parallel_loop3A_656, %parallel_loop3A_657], %broadcast_in_dim3A_3 {strides = array<i32>} : memref<8x32x32xf32, #tpu.memory_space<vmem>>, vector<16xf32>,
    } {sc.loop_unroll_factor = 8 : i64, sc.parallel_access}
    %parallel_loop3A_8 = arith.constant 0 : i32
    %parallel_loop3A_9 = arith.constant 64 : i32
    %parallel_loop3A_10 = arith.constant 1 : i32
    scf.for %parallel_loop3A_611 = %parallel_loop3A_8 to %parallel_loop3A_9 step %parallel_loop3A_10  : i32 {
      %parallel_loop3A_612 = arith.constant 2 : i32
      %parallel_loop3A_613 = arith.divsi %parallel_loop3A_611, %parallel_loop3A_612 : i32
      %parallel_loop3A_614 = arith.constant 0 : i32
      %parallel_loop3A_615 = arith.cmpi sgt, %parallel_loop3A_611, %parallel_loop3A_614 : i32
      %parallel_loop3A_616 = arith.extui %parallel_loop3A_615 : i1 to i32
      %parallel_loop3A_617 = arith.constant 0 : i32
      %parallel_loop3A_618 = arith.cmpi slt, %parallel_loop3A_611, %parallel_loop3A_617 : i32
      %parallel_loop3A_619 = arith.extui %parallel_loop3A_618 : i1 to i32
      %parallel_loop3A_620 = arith.subi %parallel_loop3A_616, %parallel_loop3A_619 : i32
      %parallel_loop3A_621 = arith.constant 0 : i32
      %parallel_loop3A_622 = arith.cmpi sgt, %parallel_loop3A_612, %parallel_loop3A_621 : i32
      %parallel_loop3A_623 = arith.extui %parallel_loop3A_622 : i1 to i32
      %parallel_loop3A_624 = arith.constant 0 : i32
      %parallel_loop3A_625 = arith.cmpi slt, %parallel_loop3A_612, %parallel_loop3A_624 : i32
      %parallel_loop3A_626 = arith.extui %parallel_loop3A_625 : i1 to i32
      %parallel_loop3A_627 = arith.subi %parallel_loop3A_623, %parallel_loop3A_626 : i32
      %parallel_loop3A_628 = arith.cmpi ne, %parallel_loop3A_620, %parallel_loop3A_627 : i32
      %parallel_loop3A_629 = arith.remsi %parallel_loop3A_611, %parallel_loop3A_612 : i32
      %parallel_loop3A_630 = arith.constant 0 : i32
      %parallel_loop3A_631 = arith.cmpi ne, %parallel_loop3A_629, %parallel_loop3A_630 : i32
      %parallel_loop3A_632 = arith.andi %parallel_loop3A_628, %parallel_loop3A_631 : i1
      %parallel_loop3A_633 = arith.constant 1 : i32
      %parallel_loop3A_634 = arith.subi %parallel_loop3A_613, %parallel_loop3A_633 : i32
      %parallel_loop3A_635 = arith.select %parallel_loop3A_632, %parallel_loop3A_634, %parallel_loop3A_613 : i32
      %parallel_loop3A_636 = arith.constant 2 : i32
      %parallel_loop3A_637 = arith.constant 0 : i32
      %parallel_loop3A_638 = arith.cmpi eq, %parallel_loop3A_636, %parallel_loop3A_637 : i32
      %parallel_loop3A_639 = arith.constant 1 : i32
      %parallel_loop3A_640 = arith.select %parallel_loop3A_638, %parallel_loop3A_639, %parallel_loop3A_636 : i32
      %parallel_loop3A_641 = arith.remsi %parallel_loop3A_611, %parallel_loop3A_640 : i32
      %parallel_loop3A_642 = arith.constant 0 : i32
      %parallel_loop3A_643 = arith.cmpi ne, %parallel_loop3A_641, %parallel_loop3A_642 : i32
      %parallel_loop3A_644 = arith.constant 0 : i32
      %parallel_loop3A_645 = arith.cmpi slt, %parallel_loop3A_641, %parallel_loop3A_644 : i32
      %parallel_loop3A_646 = arith.constant 0 : i32
      %parallel_loop3A_647 = arith.cmpi slt, %parallel_loop3A_640, %parallel_loop3A_646 : i32
      %parallel_loop3A_648 = arith.xori %parallel_loop3A_645, %parallel_loop3A_647 : i1
      %parallel_loop3A_649 = arith.andi %parallel_loop3A_648, %parallel_loop3A_643 : i1
      %parallel_loop3A_650 = arith.addi %parallel_loop3A_641, %parallel_loop3A_640 : i32
      %parallel_loop3A_651 = arith.select %parallel_loop3A_649, %parallel_loop3A_650, %parallel_loop3A_641 : i32
      %parallel_loop3A_652 = arith.constant 16 : i32
      %parallel_loop3A_653 = arith.muli %parallel_loop3A_651, %parallel_loop3A_652 : i32
      %parallel_loop3A_654 = arith.constant 1 : i32
      %parallel_loop3A_655 = arith.index_cast %parallel_loop3A_654 : i32 to index
      %parallel_loop3A_656 = arith.index_cast %parallel_loop3A_635 : i32 to index
      %parallel_loop3A_657 = arith.index_cast %parallel_loop3A_653 : i32 to index
      %parallel_loop3A_658 = tpu.vector_load %arg7[%parallel_loop3A_655, %parallel_loop3A_656, %parallel_loop3A_657] {strides = array<i32>} : memref<8x32x32xf32, #tpu.memory_space<vmem>>, vector<16xf32>,
      tpu.vector_store %arg7[%parallel_loop3A_655, %parallel_loop3A_656, %parallel_loop3A_657], %broadcast_in_dim3A_3 {strides = array<i32>} : memref<8x32x32xf32, #tpu.memory_space<vmem>>, vector<16xf32>,
    } {sc.loop_unroll_factor = 8 : i64, sc.parallel_access}
    %parallel_loop3A_11 = arith.constant 0 : i32
    %parallel_loop3A_12 = arith.constant 64 : i32
    %parallel_loop3A_13 = arith.constant 1 : i32
    scf.for %parallel_loop3A_611 = %parallel_loop3A_11 to %parallel_loop3A_12 step %parallel_loop3A_13  : i32 {
      %parallel_loop3A_612 = arith.constant 2 : i32
      %parallel_loop3A_613 = arith.divsi %parallel_loop3A_611, %parallel_loop3A_612 : i32
      %parallel_loop3A_614 = arith.constant 0 : i32
      %parallel_loop3A_615 = arith.cmpi sgt, %parallel_loop3A_611, %parallel_loop3A_614 : i32
      %parallel_loop3A_616 = arith.extui %parallel_loop3A_615 : i1 to i32
      %parallel_loop3A_617 = arith.constant 0 : i32
      %parallel_loop3A_618 = arith.cmpi slt, %parallel_loop3A_611, %parallel_loop3A_617 : i32
      %parallel_loop3A_619 = arith.extui %parallel_loop3A_618 : i1 to i32
      %parallel_loop3A_620 = arith.subi %parallel_loop3A_616, %parallel_loop3A_619 : i32
      %parallel_loop3A_621 = arith.constant 0 : i32
      %parallel_loop3A_622 = arith.cmpi sgt, %parallel_loop3A_612, %parallel_loop3A_621 : i32
      %parallel_loop3A_623 = arith.extui %parallel_loop3A_622 : i1 to i32
      %parallel_loop3A_624 = arith.constant 0 : i32
      %parallel_loop3A_625 = arith.cmpi slt, %parallel_loop3A_612, %parallel_loop3A_624 : i32
      %parallel_loop3A_626 = arith.extui %parallel_loop3A_625 : i1 to i32
      %parallel_loop3A_627 = arith.subi %parallel_loop3A_623, %parallel_loop3A_626 : i32
      %parallel_loop3A_628 = arith.cmpi ne, %parallel_loop3A_620, %parallel_loop3A_627 : i32
      %parallel_loop3A_629 = arith.remsi %parallel_loop3A_611, %parallel_loop3A_612 : i32
      %parallel_loop3A_630 = arith.constant 0 : i32
      %parallel_loop3A_631 = arith.cmpi ne, %parallel_loop3A_629, %parallel_loop3A_630 : i32
      %parallel_loop3A_632 = arith.andi %parallel_loop3A_628, %parallel_loop3A_631 : i1
      %parallel_loop3A_633 = arith.constant 1 : i32
      %parallel_loop3A_634 = arith.subi %parallel_loop3A_613, %parallel_loop3A_633 : i32
      %parallel_loop3A_635 = arith.select %parallel_loop3A_632, %parallel_loop3A_634, %parallel_loop3A_613 : i32
      %parallel_loop3A_636 = arith.constant 2 : i32
      %parallel_loop3A_637 = arith.constant 0 : i32
      %parallel_loop3A_638 = arith.cmpi eq, %parallel_loop3A_636, %parallel_loop3A_637 : i32
      %parallel_loop3A_639 = arith.constant 1 : i32
      %parallel_loop3A_640 = arith.select %parallel_loop3A_638, %parallel_loop3A_639, %parallel_loop3A_636 : i32
      %parallel_loop3A_641 = arith.remsi %parallel_loop3A_611, %parallel_loop3A_640 : i32
      %parallel_loop3A_642 = arith.constant 0 : i32
      %parallel_loop3A_643 = arith.cmpi ne, %parallel_loop3A_641, %parallel_loop3A_642 : i32
      %parallel_loop3A_644 = arith.constant 0 : i32
      %parallel_loop3A_645 = arith.cmpi slt, %parallel_loop3A_641, %parallel_loop3A_644 : i32
      %parallel_loop3A_646 = arith.constant 0 : i32
      %parallel_loop3A_647 = arith.cmpi slt, %parallel_loop3A_640, %parallel_loop3A_646 : i32
      %parallel_loop3A_648 = arith.xori %parallel_loop3A_645, %parallel_loop3A_647 : i1
      %parallel_loop3A_649 = arith.andi %parallel_loop3A_648, %parallel_loop3A_643 : i1
      %parallel_loop3A_650 = arith.addi %parallel_loop3A_641, %parallel_loop3A_640 : i32
      %parallel_loop3A_651 = arith.select %parallel_loop3A_649, %parallel_loop3A_650, %parallel_loop3A_641 : i32
      %parallel_loop3A_652 = arith.constant 16 : i32
      %parallel_loop3A_653 = arith.muli %parallel_loop3A_651, %parallel_loop3A_652 : i32
      %parallel_loop3A_654 = arith.constant 2 : i32
      %parallel_loop3A_655 = arith.index_cast %parallel_loop3A_654 : i32 to index
      %parallel_loop3A_656 = arith.index_cast %parallel_loop3A_635 : i32 to index
      %parallel_loop3A_657 = arith.index_cast %parallel_loop3A_653 : i32 to index
      %parallel_loop3A_658 = tpu.vector_load %arg7[%parallel_loop3A_655, %parallel_loop3A_656, %parallel_loop3A_657] {strides = array<i32>} : memref<8x32x32xf32, #tpu.memory_space<vmem>>, vector<16xf32>,
      tpu.vector_store %arg7[%parallel_loop3A_655, %parallel_loop3A_656, %parallel_loop3A_657], %broadcast_in_dim3A_3 {strides = array<i32>} : memref<8x32x32xf32, #tpu.memory_space<vmem>>, vector<16xf32>,
    } {sc.loop_unroll_factor = 8 : i64, sc.parallel_access}
    %parallel_loop3A_14 = arith.constant 0 : i32
    %parallel_loop3A_15 = arith.constant 64 : i32
    %parallel_loop3A_16 = arith.constant 1 : i32
    scf.for %parallel_loop3A_611 = %parallel_loop3A_14 to %parallel_loop3A_15 step %parallel_loop3A_16  : i32 {
      %parallel_loop3A_612 = arith.constant 2 : i32
      %parallel_loop3A_613 = arith.divsi %parallel_loop3A_611, %parallel_loop3A_612 : i32
      %parallel_loop3A_614 = arith.constant 0 : i32
      %parallel_loop3A_615 = arith.cmpi sgt, %parallel_loop3A_611, %parallel_loop3A_614 : i32
      %parallel_loop3A_616 = arith.extui %parallel_loop3A_615 : i1 to i32
      %parallel_loop3A_617 = arith.constant 0 : i32
      %parallel_loop3A_618 = arith.cmpi slt, %parallel_loop3A_611, %parallel_loop3A_617 : i32
      %parallel_loop3A_619 = arith.extui %parallel_loop3A_618 : i1 to i32
      %parallel_loop3A_620 = arith.subi %parallel_loop3A_616, %parallel_loop3A_619 : i32
      %parallel_loop3A_621 = arith.constant 0 : i32
      %parallel_loop3A_622 = arith.cmpi sgt, %parallel_loop3A_612, %parallel_loop3A_621 : i32
      %parallel_loop3A_623 = arith.extui %parallel_loop3A_622 : i1 to i32
      %parallel_loop3A_624 = arith.constant 0 : i32
      %parallel_loop3A_625 = arith.cmpi slt, %parallel_loop3A_612, %parallel_loop3A_624 : i32
      %parallel_loop3A_626 = arith.extui %parallel_loop3A_625 : i1 to i32
      %parallel_loop3A_627 = arith.subi %parallel_loop3A_623, %parallel_loop3A_626 : i32
      %parallel_loop3A_628 = arith.cmpi ne, %parallel_loop3A_620, %parallel_loop3A_627 : i32
      %parallel_loop3A_629 = arith.remsi %parallel_loop3A_611, %parallel_loop3A_612 : i32
      %parallel_loop3A_630 = arith.constant 0 : i32
      %parallel_loop3A_631 = arith.cmpi ne, %parallel_loop3A_629, %parallel_loop3A_630 : i32
      %parallel_loop3A_632 = arith.andi %parallel_loop3A_628, %parallel_loop3A_631 : i1
      %parallel_loop3A_633 = arith.constant 1 : i32
      %parallel_loop3A_634 = arith.subi %parallel_loop3A_613, %parallel_loop3A_633 : i32
      %parallel_loop3A_635 = arith.select %parallel_loop3A_632, %parallel_loop3A_634, %parallel_loop3A_613 : i32
      %parallel_loop3A_636 = arith.constant 2 : i32
      %parallel_loop3A_637 = arith.constant 0 : i32
      %parallel_loop3A_638 = arith.cmpi eq, %parallel_loop3A_636, %parallel_loop3A_637 : i32
      %parallel_loop3A_639 = arith.constant 1 : i32
      %parallel_loop3A_640 = arith.select %parallel_loop3A_638, %parallel_loop3A_639, %parallel_loop3A_636 : i32
      %parallel_loop3A_641 = arith.remsi %parallel_loop3A_611, %parallel_loop3A_640 : i32
      %parallel_loop3A_642 = arith.constant 0 : i32
      %parallel_loop3A_643 = arith.cmpi ne, %parallel_loop3A_641, %parallel_loop3A_642 : i32
      %parallel_loop3A_644 = arith.constant 0 : i32
      %parallel_loop3A_645 = arith.cmpi slt, %parallel_loop3A_641, %parallel_loop3A_644 : i32
      %parallel_loop3A_646 = arith.constant 0 : i32
      %parallel_loop3A_647 = arith.cmpi slt, %parallel_loop3A_640, %parallel_loop3A_646 : i32
      %parallel_loop3A_648 = arith.xori %parallel_loop3A_645, %parallel_loop3A_647 : i1
      %parallel_loop3A_649 = arith.andi %parallel_loop3A_648, %parallel_loop3A_643 : i1
      %parallel_loop3A_650 = arith.addi %parallel_loop3A_641, %parallel_loop3A_640 : i32
      %parallel_loop3A_651 = arith.select %parallel_loop3A_649, %parallel_loop3A_650, %parallel_loop3A_641 : i32
      %parallel_loop3A_652 = arith.constant 16 : i32
      %parallel_loop3A_653 = arith.muli %parallel_loop3A_651, %parallel_loop3A_652 : i32
      %parallel_loop3A_654 = arith.constant 3 : i32
      %parallel_loop3A_655 = arith.index_cast %parallel_loop3A_654 : i32 to index
      %parallel_loop3A_656 = arith.index_cast %parallel_loop3A_635 : i32 to index
      %parallel_loop3A_657 = arith.index_cast %parallel_loop3A_653 : i32 to index
      %parallel_loop3A_658 = tpu.vector_load %arg7[%parallel_loop3A_655, %parallel_loop3A_656, %parallel_loop3A_657] {strides = array<i32>} : memref<8x32x32xf32, #tpu.memory_space<vmem>>, vector<16xf32>,
      tpu.vector_store %arg7[%parallel_loop3A_655, %parallel_loop3A_656, %parallel_loop3A_657], %broadcast_in_dim3A_3 {strides = array<i32>} : memref<8x32x32xf32, #tpu.memory_space<vmem>>, vector<16xf32>,
    } {sc.loop_unroll_factor = 8 : i64, sc.parallel_access}
    %parallel_loop3A_17 = arith.constant 0 : i32
    %parallel_loop3A_18 = arith.constant 64 : i32
    %parallel_loop3A_19 = arith.constant 1 : i32
    scf.for %parallel_loop3A_611 = %parallel_loop3A_17 to %parallel_loop3A_18 step %parallel_loop3A_19  : i32 {
      %parallel_loop3A_612 = arith.constant 2 : i32
      %parallel_loop3A_613 = arith.divsi %parallel_loop3A_611, %parallel_loop3A_612 : i32
      %parallel_loop3A_614 = arith.constant 0 : i32
      %parallel_loop3A_615 = arith.cmpi sgt, %parallel_loop3A_611, %parallel_loop3A_614 : i32
      %parallel_loop3A_616 = arith.extui %parallel_loop3A_615 : i1 to i32
      %parallel_loop3A_617 = arith.constant 0 : i32
      %parallel_loop3A_618 = arith.cmpi slt, %parallel_loop3A_611, %parallel_loop3A_617 : i32
      %parallel_loop3A_619 = arith.extui %parallel_loop3A_618 : i1 to i32
      %parallel_loop3A_620 = arith.subi %parallel_loop3A_616, %parallel_loop3A_619 : i32
      %parallel_loop3A_621 = arith.constant 0 : i32
      %parallel_loop3A_622 = arith.cmpi sgt, %parallel_loop3A_612, %parallel_loop3A_621 : i32
      %parallel_loop3A_623 = arith.extui %parallel_loop3A_622 : i1 to i32
      %parallel_loop3A_624 = arith.constant 0 : i32
      %parallel_loop3A_625 = arith.cmpi slt, %parallel_loop3A_612, %parallel_loop3A_624 : i32
      %parallel_loop3A_626 = arith.extui %parallel_loop3A_625 : i1 to i32
      %parallel_loop3A_627 = arith.subi %parallel_loop3A_623, %parallel_loop3A_626 : i32
      %parallel_loop3A_628 = arith.cmpi ne, %parallel_loop3A_620, %parallel_loop3A_627 : i32
      %parallel_loop3A_629 = arith.remsi %parallel_loop3A_611, %parallel_loop3A_612 : i32
      %parallel_loop3A_630 = arith.constant 0 : i32
      %parallel_loop3A_631 = arith.cmpi ne, %parallel_loop3A_629, %parallel_loop3A_630 : i32
      %parallel_loop3A_632 = arith.andi %parallel_loop3A_628, %parallel_loop3A_631 : i1
      %parallel_loop3A_633 = arith.constant 1 : i32
      %parallel_loop3A_634 = arith.subi %parallel_loop3A_613, %parallel_loop3A_633 : i32
      %parallel_loop3A_635 = arith.select %parallel_loop3A_632, %parallel_loop3A_634, %parallel_loop3A_613 : i32
      %parallel_loop3A_636 = arith.constant 2 : i32
      %parallel_loop3A_637 = arith.constant 0 : i32
      %parallel_loop3A_638 = arith.cmpi eq, %parallel_loop3A_636, %parallel_loop3A_637 : i32
      %parallel_loop3A_639 = arith.constant 1 : i32
      %parallel_loop3A_640 = arith.select %parallel_loop3A_638, %parallel_loop3A_639, %parallel_loop3A_636 : i32
      %parallel_loop3A_641 = arith.remsi %parallel_loop3A_611, %parallel_loop3A_640 : i32
      %parallel_loop3A_642 = arith.constant 0 : i32
      %parallel_loop3A_643 = arith.cmpi ne, %parallel_loop3A_641, %parallel_loop3A_642 : i32
      %parallel_loop3A_644 = arith.constant 0 : i32
      %parallel_loop3A_645 = arith.cmpi slt, %parallel_loop3A_641, %parallel_loop3A_644 : i32
      %parallel_loop3A_646 = arith.constant 0 : i32
      %parallel_loop3A_647 = arith.cmpi slt, %parallel_loop3A_640, %parallel_loop3A_646 : i32
      %parallel_loop3A_648 = arith.xori %parallel_loop3A_645, %parallel_loop3A_647 : i1
      %parallel_loop3A_649 = arith.andi %parallel_loop3A_648, %parallel_loop3A_643 : i1
      %parallel_loop3A_650 = arith.addi %parallel_loop3A_641, %parallel_loop3A_640 : i32
      %parallel_loop3A_651 = arith.select %parallel_loop3A_649, %parallel_loop3A_650, %parallel_loop3A_641 : i32
      %parallel_loop3A_652 = arith.constant 16 : i32
      %parallel_loop3A_653 = arith.muli %parallel_loop3A_651, %parallel_loop3A_652 : i32
      %parallel_loop3A_654 = arith.constant 4 : i32
      %parallel_loop3A_655 = arith.index_cast %parallel_loop3A_654 : i32 to index
      %parallel_loop3A_656 = arith.index_cast %parallel_loop3A_635 : i32 to index
      %parallel_loop3A_657 = arith.index_cast %parallel_loop3A_653 : i32 to index
      %parallel_loop3A_658 = tpu.vector_load %arg7[%parallel_loop3A_655, %parallel_loop3A_656, %parallel_loop3A_657] {strides = array<i32>} : memref<8x32x32xf32, #tpu.memory_space<vmem>>, vector<16xf32>,
      tpu.vector_store %arg7[%parallel_loop3A_655, %parallel_loop3A_656, %parallel_loop3A_657], %broadcast_in_dim3A_3 {strides = array<i32>} : memref<8x32x32xf32, #tpu.memory_space<vmem>>, vector<16xf32>,
    } {sc.loop_unroll_factor = 8 : i64, sc.parallel_access}
    %parallel_loop3A_20 = arith.constant 0 : i32
    %parallel_loop3A_21 = arith.constant 64 : i32
    %parallel_loop3A_22 = arith.constant 1 : i32
    scf.for %parallel_loop3A_611 = %parallel_loop3A_20 to %parallel_loop3A_21 step %parallel_loop3A_22  : i32 {
      %parallel_loop3A_612 = arith.constant 2 : i32
      %parallel_loop3A_613 = arith.divsi %parallel_loop3A_611, %parallel_loop3A_612 : i32
      %parallel_loop3A_614 = arith.constant 0 : i32
      %parallel_loop3A_615 = arith.cmpi sgt, %parallel_loop3A_611, %parallel_loop3A_614 : i32
      %parallel_loop3A_616 = arith.extui %parallel_loop3A_615 : i1 to i32
      %parallel_loop3A_617 = arith.constant 0 : i32
      %parallel_loop3A_618 = arith.cmpi slt, %parallel_loop3A_611, %parallel_loop3A_617 : i32
      %parallel_loop3A_619 = arith.extui %parallel_loop3A_618 : i1 to i32
      %parallel_loop3A_620 = arith.subi %parallel_loop3A_616, %parallel_loop3A_619 : i32
      %parallel_loop3A_621 = arith.constant 0 : i32
      %parallel_loop3A_622 = arith.cmpi sgt, %parallel_loop3A_612, %parallel_loop3A_621 : i32
      %parallel_loop3A_623 = arith.extui %parallel_loop3A_622 : i1 to i32
      %parallel_loop3A_624 = arith.constant 0 : i32
      %parallel_loop3A_625 = arith.cmpi slt, %parallel_loop3A_612, %parallel_loop3A_624 : i32
      %parallel_loop3A_626 = arith.extui %parallel_loop3A_625 : i1 to i32
      %parallel_loop3A_627 = arith.subi %parallel_loop3A_623, %parallel_loop3A_626 : i32
      %parallel_loop3A_628 = arith.cmpi ne, %parallel_loop3A_620, %parallel_loop3A_627 : i32
      %parallel_loop3A_629 = arith.remsi %parallel_loop3A_611, %parallel_loop3A_612 : i32
      %parallel_loop3A_630 = arith.constant 0 : i32
      %parallel_loop3A_631 = arith.cmpi ne, %parallel_loop3A_629, %parallel_loop3A_630 : i32
      %parallel_loop3A_632 = arith.andi %parallel_loop3A_628, %parallel_loop3A_631 : i1
      %parallel_loop3A_633 = arith.constant 1 : i32
      %parallel_loop3A_634 = arith.subi %parallel_loop3A_613, %parallel_loop3A_633 : i32
      %parallel_loop3A_635 = arith.select %parallel_loop3A_632, %parallel_loop3A_634, %parallel_loop3A_613 : i32
      %parallel_loop3A_636 = arith.constant 2 : i32
      %parallel_loop3A_637 = arith.constant 0 : i32
      %parallel_loop3A_638 = arith.cmpi eq, %parallel_loop3A_636, %parallel_loop3A_637 : i32
      %parallel_loop3A_639 = arith.constant 1 : i32
      %parallel_loop3A_640 = arith.select %parallel_loop3A_638, %parallel_loop3A_639, %parallel_loop3A_636 : i32
      %parallel_loop3A_641 = arith.remsi %parallel_loop3A_611, %parallel_loop3A_640 : i32
      %parallel_loop3A_642 = arith.constant 0 : i32
      %parallel_loop3A_643 = arith.cmpi ne, %parallel_loop3A_641, %parallel_loop3A_642 : i32
      %parallel_loop3A_644 = arith.constant 0 : i32
      %parallel_loop3A_645 = arith.cmpi slt, %parallel_loop3A_641, %parallel_loop3A_644 : i32
      %parallel_loop3A_646 = arith.constant 0 : i32
      %parallel_loop3A_647 = arith.cmpi slt, %parallel_loop3A_640, %parallel_loop3A_646 : i32
      %parallel_loop3A_648 = arith.xori %parallel_loop3A_645, %parallel_loop3A_647 : i1
      %parallel_loop3A_649 = arith.andi %parallel_loop3A_648, %parallel_loop3A_643 : i1
      %parallel_loop3A_650 = arith.addi %parallel_loop3A_641, %parallel_loop3A_640 : i32
      %parallel_loop3A_651 = arith.select %parallel_loop3A_649, %parallel_loop3A_650, %parallel_loop3A_641 : i32
      %parallel_loop3A_652 = arith.constant 16 : i32
      %parallel_loop3A_653 = arith.muli %parallel_loop3A_651, %parallel_loop3A_652 : i32
      %parallel_loop3A_654 = arith.constant 5 : i32
      %parallel_loop3A_655 = arith.index_cast %parallel_loop3A_654 : i32 to index
      %parallel_loop3A_656 = arith.index_cast %parallel_loop3A_635 : i32 to index
      %parallel_loop3A_657 = arith.index_cast %parallel_loop3A_653 : i32 to index
      %parallel_loop3A_658 = tpu.vector_load %arg7[%parallel_loop3A_655, %parallel_loop3A_656, %parallel_loop3A_657] {strides = array<i32>} : memref<8x32x32xf32, #tpu.memory_space<vmem>>, vector<16xf32>,
      tpu.vector_store %arg7[%parallel_loop3A_655, %parallel_loop3A_656, %parallel_loop3A_657], %broadcast_in_dim3A_3 {strides = array<i32>} : memref<8x32x32xf32, #tpu.memory_space<vmem>>, vector<16xf32>,
    } {sc.loop_unroll_factor = 8 : i64, sc.parallel_access}
    %parallel_loop3A_23 = arith.constant 0 : i32
    %parallel_loop3A_24 = arith.constant 64 : i32
    %parallel_loop3A_25 = arith.constant 1 : i32
    scf.for %parallel_loop3A_611 = %parallel_loop3A_23 to %parallel_loop3A_24 step %parallel_loop3A_25  : i32 {
      %parallel_loop3A_612 = arith.constant 2 : i32
      %parallel_loop3A_613 = arith.divsi %parallel_loop3A_611, %parallel_loop3A_612 : i32
      %parallel_loop3A_614 = arith.constant 0 : i32
      %parallel_loop3A_615 = arith.cmpi sgt, %parallel_loop3A_611, %parallel_loop3A_614 : i32
      %parallel_loop3A_616 = arith.extui %parallel_loop3A_615 : i1 to i32
      %parallel_loop3A_617 = arith.constant 0 : i32
      %parallel_loop3A_618 = arith.cmpi slt, %parallel_loop3A_611, %parallel_loop3A_617 : i32
      %parallel_loop3A_619 = arith.extui %parallel_loop3A_618 : i1 to i32
      %parallel_loop3A_620 = arith.subi %parallel_loop3A_616, %parallel_loop3A_619 : i32
      %parallel_loop3A_621 = arith.constant 0 : i32
      %parallel_loop3A_622 = arith.cmpi sgt, %parallel_loop3A_612, %parallel_loop3A_621 : i32
      %parallel_loop3A_623 = arith.extui %parallel_loop3A_622 : i1 to i32
      %parallel_loop3A_624 = arith.constant 0 : i32
      %parallel_loop3A_625 = arith.cmpi slt, %parallel_loop3A_612, %parallel_loop3A_624 : i32
      %parallel_loop3A_626 = arith.extui %parallel_loop3A_625 : i1 to i32
      %parallel_loop3A_627 = arith.subi %parallel_loop3A_623, %parallel_loop3A_626 : i32
      %parallel_loop3A_628 = arith.cmpi ne, %parallel_loop3A_620, %parallel_loop3A_627 : i32
      %parallel_loop3A_629 = arith.remsi %parallel_loop3A_611, %parallel_loop3A_612 : i32
      %parallel_loop3A_630 = arith.constant 0 : i32
      %parallel_loop3A_631 = arith.cmpi ne, %parallel_loop3A_629, %parallel_loop3A_630 : i32
      %parallel_loop3A_632 = arith.andi %parallel_loop3A_628, %parallel_loop3A_631 : i1
      %parallel_loop3A_633 = arith.constant 1 : i32
      %parallel_loop3A_634 = arith.subi %parallel_loop3A_613, %parallel_loop3A_633 : i32
      %parallel_loop3A_635 = arith.select %parallel_loop3A_632, %parallel_loop3A_634, %parallel_loop3A_613 : i32
      %parallel_loop3A_636 = arith.constant 2 : i32
      %parallel_loop3A_637 = arith.constant 0 : i32
      %parallel_loop3A_638 = arith.cmpi eq, %parallel_loop3A_636, %parallel_loop3A_637 : i32
      %parallel_loop3A_639 = arith.constant 1 : i32
      %parallel_loop3A_640 = arith.select %parallel_loop3A_638, %parallel_loop3A_639, %parallel_loop3A_636 : i32
      %parallel_loop3A_641 = arith.remsi %parallel_loop3A_611, %parallel_loop3A_640 : i32
      %parallel_loop3A_642 = arith.constant 0 : i32
      %parallel_loop3A_643 = arith.cmpi ne, %parallel_loop3A_641, %parallel_loop3A_642 : i32
      %parallel_loop3A_644 = arith.constant 0 : i32
      %parallel_loop3A_645 = arith.cmpi slt, %parallel_loop3A_641, %parallel_loop3A_644 : i32
      %parallel_loop3A_646 = arith.constant 0 : i32
      %parallel_loop3A_647 = arith.cmpi slt, %parallel_loop3A_640, %parallel_loop3A_646 : i32
      %parallel_loop3A_648 = arith.xori %parallel_loop3A_645, %parallel_loop3A_647 : i1
      %parallel_loop3A_649 = arith.andi %parallel_loop3A_648, %parallel_loop3A_643 : i1
      %parallel_loop3A_650 = arith.addi %parallel_loop3A_641, %parallel_loop3A_640 : i32
      %parallel_loop3A_651 = arith.select %parallel_loop3A_649, %parallel_loop3A_650, %parallel_loop3A_641 : i32
      %parallel_loop3A_652 = arith.constant 16 : i32
      %parallel_loop3A_653 = arith.muli %parallel_loop3A_651, %parallel_loop3A_652 : i32
      %parallel_loop3A_654 = arith.constant 6 : i32
      %parallel_loop3A_655 = arith.index_cast %parallel_loop3A_654 : i32 to index
      %parallel_loop3A_656 = arith.index_cast %parallel_loop3A_635 : i32 to index
      %parallel_loop3A_657 = arith.index_cast %parallel_loop3A_653 : i32 to index
      %parallel_loop3A_658 = tpu.vector_load %arg7[%parallel_loop3A_655, %parallel_loop3A_656, %parallel_loop3A_657] {strides = array<i32>} : memref<8x32x32xf32, #tpu.memory_space<vmem>>, vector<16xf32>,
      tpu.vector_store %arg7[%parallel_loop3A_655, %parallel_loop3A_656, %parallel_loop3A_657], %broadcast_in_dim3A_3 {strides = array<i32>} : memref<8x32x32xf32, #tpu.memory_space<vmem>>, vector<16xf32>,
    } {sc.loop_unroll_factor = 8 : i64, sc.parallel_access}
    %parallel_loop3A_26 = arith.constant 0 : i32
    %parallel_loop3A_27 = arith.constant 64 : i32
    %parallel_loop3A_28 = arith.constant 1 : i32
    scf.for %parallel_loop3A_611 = %parallel_loop3A_26 to %parallel_loop3A_27 step %parallel_loop3A_28  : i32 {
      %parallel_loop3A_612 = arith.constant 2 : i32
      %parallel_loop3A_613 = arith.divsi %parallel_loop3A_611, %parallel_loop3A_612 : i32
      %parallel_loop3A_614 = arith.constant 0 : i32
      %parallel_loop3A_615 = arith.cmpi sgt, %parallel_loop3A_611, %parallel_loop3A_614 : i32
      %parallel_loop3A_616 = arith.extui %parallel_loop3A_615 : i1 to i32
      %parallel_loop3A_617 = arith.constant 0 : i32
      %parallel_loop3A_618 = arith.cmpi slt, %parallel_loop3A_611, %parallel_loop3A_617 : i32
      %parallel_loop3A_619 = arith.extui %parallel_loop3A_618 : i1 to i32
      %parallel_loop3A_620 = arith.subi %parallel_loop3A_616, %parallel_loop3A_619 : i32
      %parallel_loop3A_621 = arith.constant 0 : i32
      %parallel_loop3A_622 = arith.cmpi sgt, %parallel_loop3A_612, %parallel_loop3A_621 : i32
      %parallel_loop3A_623 = arith.extui %parallel_loop3A_622 : i1 to i32
      %parallel_loop3A_624 = arith.constant 0 : i32
      %parallel_loop3A_625 = arith.cmpi slt, %parallel_loop3A_612, %parallel_loop3A_624 : i32
      %parallel_loop3A_626 = arith.extui %parallel_loop3A_625 : i1 to i32
      %parallel_loop3A_627 = arith.subi %parallel_loop3A_623, %parallel_loop3A_626 : i32
      %parallel_loop3A_628 = arith.cmpi ne, %parallel_loop3A_620, %parallel_loop3A_627 : i32
      %parallel_loop3A_629 = arith.remsi %parallel_loop3A_611, %parallel_loop3A_612 : i32
      %parallel_loop3A_630 = arith.constant 0 : i32
      %parallel_loop3A_631 = arith.cmpi ne, %parallel_loop3A_629, %parallel_loop3A_630 : i32
      %parallel_loop3A_632 = arith.andi %parallel_loop3A_628, %parallel_loop3A_631 : i1
      %parallel_loop3A_633 = arith.constant 1 : i32
      %parallel_loop3A_634 = arith.subi %parallel_loop3A_613, %parallel_loop3A_633 : i32
      %parallel_loop3A_635 = arith.select %parallel_loop3A_632, %parallel_loop3A_634, %parallel_loop3A_613 : i32
      %parallel_loop3A_636 = arith.constant 2 : i32
      %parallel_loop3A_637 = arith.constant 0 : i32
      %parallel_loop3A_638 = arith.cmpi eq, %parallel_loop3A_636, %parallel_loop3A_637 : i32
      %parallel_loop3A_639 = arith.constant 1 : i32
      %parallel_loop3A_640 = arith.select %parallel_loop3A_638, %parallel_loop3A_639, %parallel_loop3A_636 : i32
      %parallel_loop3A_641 = arith.remsi %parallel_loop3A_611, %parallel_loop3A_640 : i32
      %parallel_loop3A_642 = arith.constant 0 : i32
      %parallel_loop3A_643 = arith.cmpi ne, %parallel_loop3A_641, %parallel_loop3A_642 : i32
      %parallel_loop3A_644 = arith.constant 0 : i32
      %parallel_loop3A_645 = arith.cmpi slt, %parallel_loop3A_641, %parallel_loop3A_644 : i32
      %parallel_loop3A_646 = arith.constant 0 : i32
      %parallel_loop3A_647 = arith.cmpi slt, %parallel_loop3A_640, %parallel_loop3A_646 : i32
      %parallel_loop3A_648 = arith.xori %parallel_loop3A_645, %parallel_loop3A_647 : i1
      %parallel_loop3A_649 = arith.andi %parallel_loop3A_648, %parallel_loop3A_643 : i1
      %parallel_loop3A_650 = arith.addi %parallel_loop3A_641, %parallel_loop3A_640 : i32
      %parallel_loop3A_651 = arith.select %parallel_loop3A_649, %parallel_loop3A_650, %parallel_loop3A_641 : i32
      %parallel_loop3A_652 = arith.constant 16 : i32
      %parallel_loop3A_653 = arith.muli %parallel_loop3A_651, %parallel_loop3A_652 : i32
      %parallel_loop3A_654 = arith.constant 7 : i32
      %parallel_loop3A_655 = arith.index_cast %parallel_loop3A_654 : i32 to index
      %parallel_loop3A_656 = arith.index_cast %parallel_loop3A_635 : i32 to index
      %parallel_loop3A_657 = arith.index_cast %parallel_loop3A_653 : i32 to index
      %parallel_loop3A_658 = tpu.vector_load %arg7[%parallel_loop3A_655, %parallel_loop3A_656, %parallel_loop3A_657] {strides = array<i32>} : memref<8x32x32xf32, #tpu.memory_space<vmem>>, vector<16xf32>,
      tpu.vector_store %arg7[%parallel_loop3A_655, %parallel_loop3A_656, %parallel_loop3A_657], %broadcast_in_dim3A_3 {strides = array<i32>} : memref<8x32x32xf32, #tpu.memory_space<vmem>>, vector<16xf32>,
    } {sc.loop_unroll_factor = 8 : i64, sc.parallel_access}
    %dma_start3A = arith.constant 0 : i32
    %dma_start3A_29 = arith.constant 0 : i32
    %dma_start3A_30 = arith.constant 0 : i32
    %dma_start3A_31 = arith.constant 0 : i32
    %dma_start3A_32 = arith.constant 0 : i32
    %dma_start3A_33 = tpu.memref_slice %arg5[%dma_start3A_30, %dma_start3A_31, %dma_start3A_32] : memref<2x16x512xf32, #tpu.memory_space<vmem>> -> memref<1x16x512xf32, #tpu.memory_space<vmem>>
    %dma_start3A_34 = tpu.memref_squeeze %dma_start3A_33 : memref<1x16x512xf32, #tpu.memory_space<vmem>> -> memref<16x512xf32, #tpu.memory_space<vmem>>
    %dma_start3A_35 = arith.constant 0 : i32
    %dma_start3A_36 = tpu.memref_slice %arg2[%dma_start3A, %dma_start3A_29, %mul3A_2, %dma_start3A_35] : memref<8x1x512x512xf32, #tpu.memory_space<hbm>> -> memref<1x1x16x512xf32, #tpu.memory_space<hbm>>
    %dma_start3A_37 = tpu.memref_squeeze %dma_start3A_36 : memref<1x1x16x512xf32, #tpu.memory_space<hbm>> -> memref<16x512xf32, #tpu.memory_space<hbm>>
    %dma_start3A_38 = arith.constant 0 : i32
    %dma_start3A_39 = arith.constant 0 : i32
    %dma_start3A_40 = tpu.memref_slice %arg5[%dma_start3A_30, %dma_start3A_38, %dma_start3A_39] : memref<2x16x512xf32, #tpu.memory_space<vmem>> -> memref<1x16x512xf32, #tpu.memory_space<vmem>>
    %dma_start3A_41 = tpu.memref_squeeze %dma_start3A_40 : memref<1x16x512xf32, #tpu.memory_space<vmem>> -> memref<16x512xf32, #tpu.memory_space<vmem>>
    %dma_start3A_42 = arith.constant 0 : i32
    %dma_start3A_43 = tpu.memref_slice %arg2[%dma_start3A, %dma_start3A_29, %mul3A_2, %dma_start3A_42] : memref<8x1x512x512xf32, #tpu.memory_space<hbm>> -> memref<1x1x16x512xf32, #tpu.memory_space<hbm>>
    %dma_start3A_44 = tpu.memref_squeeze %dma_start3A_43 : memref<1x1x16x512xf32, #tpu.memory_space<hbm>> -> memref<16x512xf32, #tpu.memory_space<hbm>>
    tpu.enqueue_dma source(%dma_start3A_44 : memref<16x512xf32, #tpu.memory_space<hbm>>) target(%dma_start3A_41 : memref<16x512xf32, #tpu.memory_space<vmem>>) target_semaphore(%arg8 : memref<!tpu.dma_semaphore, #tpu.memory_space<semaphore_mem>>)
    %dma_start3A_45 = arith.constant 0 : i32
    %dma_start3A_46 = arith.constant 0 : i32
    %dma_start3A_47 = arith.constant 0 : i32
    %dma_start3A_48 = arith.constant 0 : i32
    %dma_start3A_49 = arith.constant 0 : i32
    %dma_start3A_50 = tpu.memref_slice %arg6[%dma_start3A_47, %dma_start3A_48, %dma_start3A_49] : memref<2x16x512xf32, #tpu.memory_space<vmem>> -> memref<1x16x512xf32, #tpu.memory_space<vmem>>
    %dma_start3A_51 = tpu.memref_squeeze %dma_start3A_50 : memref<1x16x512xf32, #tpu.memory_space<vmem>> -> memref<16x512xf32, #tpu.memory_space<vmem>>
    %dma_start3A_52 = arith.constant 0 : i32
    %dma_start3A_53 = tpu.memref_slice %arg3[%dma_start3A_45, %dma_start3A_46, %mul3A_2, %dma_start3A_52] : memref<8x1x512x512xf32, #tpu.memory_space<hbm>> -> memref<1x1x16x512xf32, #tpu.memory_space<hbm>>
    %dma_start3A_54 = tpu.memref_squeeze %dma_start3A_53 : memref<1x1x16x512xf32, #tpu.memory_space<hbm>> -> memref<16x512xf32, #tpu.memory_space<hbm>>
    %dma_start3A_55 = arith.constant 0 : i32
    %dma_start3A_56 = arith.constant 0 : i32
    %dma_start3A_57 = tpu.memref_slice %arg6[%dma_start3A_47, %dma_start3A_55, %dma_start3A_56] : memref<2x16x512xf32, #tpu.memory_space<vmem>> -> memref<1x16x512xf32, #tpu.memory_space<vmem>>
    %dma_start3A_58 = tpu.memref_squeeze %dma_start3A_57 : memref<1x16x512xf32, #tpu.memory_space<vmem>> -> memref<16x512xf32, #tpu.memory_space<vmem>>
    %dma_start3A_59 = arith.constant 0 : i32
    %dma_start3A_60 = tpu.memref_slice %arg3[%dma_start3A_45, %dma_start3A_46, %mul3A_2, %dma_start3A_59] : memref<8x1x512x512xf32, #tpu.memory_space<hbm>> -> memref<1x1x16x512xf32, #tpu.memory_space<hbm>>
    %dma_start3A_61 = tpu.memref_squeeze %dma_start3A_60 : memref<1x1x16x512xf32, #tpu.memory_space<hbm>> -> memref<16x512xf32, #tpu.memory_space<hbm>>
    tpu.enqueue_dma source(%dma_start3A_61 : memref<16x512xf32, #tpu.memory_space<hbm>>) target(%dma_start3A_58 : memref<16x512xf32, #tpu.memory_space<vmem>>) target_semaphore(%arg9 : memref<!tpu.dma_semaphore, #tpu.memory_space<semaphore_mem>>)
    %dma_wait3A = arith.constant 0 : i32
    %dma_wait3A_62 = arith.constant 0 : i32
    %dma_wait3A_63 = arith.constant 0 : i32
    %dma_wait3A_64 = arith.constant 0 : i32
    %dma_wait3A_65 = arith.constant 0 : i32
    %dma_wait3A_66 = tpu.memref_slice %arg5[%dma_wait3A_63, %dma_wait3A_64, %dma_wait3A_65] : memref<2x16x512xf32, #tpu.memory_space<vmem>> -> memref<1x16x512xf32, #tpu.memory_space<vmem>>
    %dma_wait3A_67 = tpu.memref_squeeze %dma_wait3A_66 : memref<1x16x512xf32, #tpu.memory_space<vmem>> -> memref<16x512xf32, #tpu.memory_space<vmem>>
    %dma_wait3A_68 = arith.constant 0 : i32
    %dma_wait3A_69 = tpu.memref_slice %arg2[%dma_wait3A, %dma_wait3A_62, %mul3A_2, %dma_wait3A_68] : memref<8x1x512x512xf32, #tpu.memory_space<hbm>> -> memref<1x1x16x512xf32, #tpu.memory_space<hbm>>
    %dma_wait3A_70 = tpu.memref_squeeze %dma_wait3A_69 : memref<1x1x16x512xf32, #tpu.memory_space<hbm>> -> memref<16x512xf32, #tpu.memory_space<hbm>>
    %dma_wait3A_71 = arith.constant 0 : i32
    %dma_wait3A_72 = arith.constant 0 : i32
    %dma_wait3A_73 = tpu.memref_slice %arg5[%dma_wait3A_63, %dma_wait3A_71, %dma_wait3A_72] : memref<2x16x512xf32, #tpu.memory_space<vmem>> -> memref<1x16x512xf32, #tpu.memory_space<vmem>>
    %dma_wait3A_74 = tpu.memref_squeeze %dma_wait3A_73 : memref<1x16x512xf32, #tpu.memory_space<vmem>> -> memref<16x512xf32, #tpu.memory_space<vmem>>
    %dma_wait3A_75 = arith.constant 0 : i32
    %dma_wait3A_76 = tpu.memref_slice %arg2[%dma_wait3A, %dma_wait3A_62, %mul3A_2, %dma_wait3A_75] : memref<8x1x512x512xf32, #tpu.memory_space<hbm>> -> memref<1x1x16x512xf32, #tpu.memory_space<hbm>>
    %dma_wait3A_77 = tpu.memref_squeeze %dma_wait3A_76 : memref<1x1x16x512xf32, #tpu.memory_space<hbm>> -> memref<16x512xf32, #tpu.memory_space<hbm>>
    tpu.wait_dma2 semaphore(%arg8 : memref<!tpu.dma_semaphore, #tpu.memory_space<semaphore_mem>>) src(%dma_wait3A_77 : memref<16x512xf32, #tpu.memory_space<hbm>>) dst(%dma_wait3A_74 : memref<16x512xf32, #tpu.memory_space<vmem>>)
    %dma_wait3A_78 = arith.constant 0 : i32
    %dma_wait3A_79 = arith.constant 0 : i32
    %dma_wait3A_80 = arith.constant 0 : i32
    %dma_wait3A_81 = arith.constant 0 : i32
    %dma_wait3A_82 = arith.constant 0 : i32
    %dma_wait3A_83 = tpu.memref_slice %arg6[%dma_wait3A_80, %dma_wait3A_81, %dma_wait3A_82] : memref<2x16x512xf32, #tpu.memory_space<vmem>> -> memref<1x16x512xf32, #tpu.memory_space<vmem>>
    %dma_wait3A_84 = tpu.memref_squeeze %dma_wait3A_83 : memref<1x16x512xf32, #tpu.memory_space<vmem>> -> memref<16x512xf32, #tpu.memory_space<vmem>>
    %dma_wait3A_85 = arith.constant 0 : i32
    %dma_wait3A_86 = tpu.memref_slice %arg3[%dma_wait3A_78, %dma_wait3A_79, %mul3A_2, %dma_wait3A_85] : memref<8x1x512x512xf32, #tpu.memory_space<hbm>> -> memref<1x1x16x512xf32, #tpu.memory_space<hbm>>
    %dma_wait3A_87 = tpu.memref_squeeze %dma_wait3A_86 : memref<1x1x16x512xf32, #tpu.memory_space<hbm>> -> memref<16x512xf32, #tpu.memory_space<hbm>>
    %dma_wait3A_88 = arith.constant 0 : i32
    %dma_wait3A_89 = arith.constant 0 : i32
    %dma_wait3A_90 = tpu.memref_slice %arg6[%dma_wait3A_80, %dma_wait3A_88, %dma_wait3A_89] : memref<2x16x512xf32, #tpu.memory_space<vmem>> -> memref<1x16x512xf32, #tpu.memory_space<vmem>>
    %dma_wait3A_91 = tpu.memref_squeeze %dma_wait3A_90 : memref<1x16x512xf32, #tpu.memory_space<vmem>> -> memref<16x512xf32, #tpu.memory_space<vmem>>
    %dma_wait3A_92 = arith.constant 0 : i32
    %dma_wait3A_93 = tpu.memref_slice %arg3[%dma_wait3A_78, %dma_wait3A_79, %mul3A_2, %dma_wait3A_92] : memref<8x1x512x512xf32, #tpu.memory_space<hbm>> -> memref<1x1x16x512xf32, #tpu.memory_space<hbm>>
    %dma_wait3A_94 = tpu.memref_squeeze %dma_wait3A_93 : memref<1x1x16x512xf32, #tpu.memory_space<hbm>> -> memref<16x512xf32, #tpu.memory_space<hbm>>
    tpu.wait_dma2 semaphore(%arg9 : memref<!tpu.dma_semaphore, #tpu.memory_space<semaphore_mem>>) src(%dma_wait3A_94 : memref<16x512xf32, #tpu.memory_space<hbm>>) dst(%dma_wait3A_91 : memref<16x512xf32, #tpu.memory_space<vmem>>)
    %dma_start3A_95 = arith.constant 1 : i32
    %dma_start3A_96 = arith.constant 0 : i32
    %dma_start3A_97 = arith.constant 1 : i32
    %dma_start3A_98 = arith.constant 0 : i32
    %dma_start3A_99 = arith.constant 0 : i32
    %dma_start3A_100 = tpu.memref_slice %arg5[%dma_start3A_97, %dma_start3A_98, %dma_start3A_99] : memref<2x16x512xf32, #tpu.memory_space<vmem>> -> memref<1x16x512xf32, #tpu.memory_space<vmem>>
    %dma_start3A_101 = tpu.memref_squeeze %dma_start3A_100 : memref<1x16x512xf32, #tpu.memory_space<vmem>> -> memref<16x512xf32, #tpu.memory_space<vmem>>
    %dma_start3A_102 = arith.constant 0 : i32
    %dma_start3A_103 = tpu.memref_slice %arg2[%dma_start3A_95, %dma_start3A_96, %mul3A_2, %dma_start3A_102] : memref<8x1x512x512xf32, #tpu.memory_space<hbm>> -> memref<1x1x16x512xf32, #tpu.memory_space<hbm>>
    %dma_start3A_104 = tpu.memref_squeeze %dma_start3A_103 : memref<1x1x16x512xf32, #tpu.memory_space<hbm>> -> memref<16x512xf32, #tpu.memory_space<hbm>>
    %dma_start3A_105 = arith.constant 0 : i32
    %dma_start3A_106 = arith.constant 0 : i32
    %dma_start3A_107 = tpu.memref_slice %arg5[%dma_start3A_97, %dma_start3A_105, %dma_start3A_106] : memref<2x16x512xf32, #tpu.memory_space<vmem>> -> memref<1x16x512xf32, #tpu.memory_space<vmem>>
    %dma_start3A_108 = tpu.memref_squeeze %dma_start3A_107 : memref<1x16x512xf32, #tpu.memory_space<vmem>> -> memref<16x512xf32, #tpu.memory_space<vmem>>
    %dma_start3A_109 = arith.constant 0 : i32
    %dma_start3A_110 = tpu.memref_slice %arg2[%dma_start3A_95, %dma_start3A_96, %mul3A_2, %dma_start3A_109] : memref<8x1x512x512xf32, #tpu.memory_space<hbm>> -> memref<1x1x16x512xf32, #tpu.memory_space<hbm>>
    %dma_start3A_111 = tpu.memref_squeeze %dma_start3A_110 : memref<1x1x16x512xf32, #tpu.memory_space<hbm>> -> memref<16x512xf32, #tpu.memory_space<hbm>>
    tpu.enqueue_dma source(%dma_start3A_111 : memref<16x512xf32, #tpu.memory_space<hbm>>) target(%dma_start3A_108 : memref<16x512xf32, #tpu.memory_space<vmem>>) target_semaphore(%arg8 : memref<!tpu.dma_semaphore, #tpu.memory_space<semaphore_mem>>)
    %dma_start3A_112 = arith.constant 1 : i32
    %dma_start3A_113 = arith.constant 0 : i32
    %dma_start3A_114 = arith.constant 1 : i32
    %dma_start3A_115 = arith.constant 0 : i32
    %dma_start3A_116 = arith.constant 0 : i32
    %dma_start3A_117 = tpu.memref_slice %arg6[%dma_start3A_114, %dma_start3A_115, %dma_start3A_116] : memref<2x16x512xf32, #tpu.memory_space<vmem>> -> memref<1x16x512xf32, #tpu.memory_space<vmem>>
    %dma_start3A_118 = tpu.memref_squeeze %dma_start3A_117 : memref<1x16x512xf32, #tpu.memory_space<vmem>> -> memref<16x512xf32, #tpu.memory_space<vmem>>
    %dma_start3A_119 = arith.constant 0 : i32
    %dma_start3A_120 = tpu.memref_slice %arg3[%dma_start3A_112, %dma_start3A_113, %mul3A_2, %dma_start3A_119] : memref<8x1x512x512xf32, #tpu.memory_space<hbm>> -> memref<1x1x16x512xf32, #tpu.memory_space<hbm>>
    %dma_start3A_121 = tpu.memref_squeeze %dma_start3A_120 : memref<1x1x16x512xf32, #tpu.memory_space<hbm>> -> memref<16x512xf32, #tpu.memory_space<hbm>>
    %dma_start3A_122 = arith.constant 0 : i32
    %dma_start3A_123 = arith.constant 0 : i32
    %dma_start3A_124 = tpu.memref_slice %arg6[%dma_start3A_114, %dma_start3A_122, %dma_start3A_123] : memref<2x16x512xf32, #tpu.memory_space<vmem>> -> memref<1x16x512xf32, #tpu.memory_space<vmem>>
    %dma_start3A_125 = tpu.memref_squeeze %dma_start3A_124 : memref<1x16x512xf32, #tpu.memory_space<vmem>> -> memref<16x512xf32, #tpu.memory_space<vmem>>
    %dma_start3A_126 = arith.constant 0 : i32
    %dma_start3A_127 = tpu.memref_slice %arg3[%dma_start3A_112, %dma_start3A_113, %mul3A_2, %dma_start3A_126] : memref<8x1x512x512xf32, #tpu.memory_space<hbm>> -> memref<1x1x16x512xf32, #tpu.memory_space<hbm>>
    %dma_start3A_128 = tpu.memref_squeeze %dma_start3A_127 : memref<1x1x16x512xf32, #tpu.memory_space<hbm>> -> memref<16x512xf32, #tpu.memory_space<hbm>>
    tpu.enqueue_dma source(%dma_start3A_128 : memref<16x512xf32, #tpu.memory_space<hbm>>) target(%dma_start3A_125 : memref<16x512xf32, #tpu.memory_space<vmem>>) target_semaphore(%arg9 : memref<!tpu.dma_semaphore, #tpu.memory_space<semaphore_mem>>)
    %broadcast_in_dim3A_129 = arith.constant 0 : i32
    %broadcast_in_dim3A_130 = vector.broadcast %broadcast_in_dim3A_129 : i32 to vector<16xi32>
    %parallel_loop3A_131 = arith.constant 0 : i32
    %parallel_loop3A_132 = arith.constant 512 : i32
    %parallel_loop3A_133 = arith.constant 1 : i32
    scf.for %parallel_loop3A_611 = %parallel_loop3A_131 to %parallel_loop3A_132 step %parallel_loop3A_133  : i32 {
      %parallel_loop3A_612 = arith.constant 32 : i32
      %parallel_loop3A_613 = arith.divsi %parallel_loop3A_611, %parallel_loop3A_612 : i32
      %parallel_loop3A_614 = arith.constant 0 : i32
      %parallel_loop3A_615 = arith.cmpi sgt, %parallel_loop3A_611, %parallel_loop3A_614 : i32
      %parallel_loop3A_616 = arith.extui %parallel_loop3A_615 : i1 to i32
      %parallel_loop3A_617 = arith.constant 0 : i32
      %parallel_loop3A_618 = arith.cmpi slt, %parallel_loop3A_611, %parallel_loop3A_617 : i32
      %parallel_loop3A_619 = arith.extui %parallel_loop3A_618 : i1 to i32
      %parallel_loop3A_620 = arith.subi %parallel_loop3A_616, %parallel_loop3A_619 : i32
      %parallel_loop3A_621 = arith.constant 0 : i32
      %parallel_loop3A_622 = arith.cmpi sgt, %parallel_loop3A_612, %parallel_loop3A_621 : i32
      %parallel_loop3A_623 = arith.extui %parallel_loop3A_622 : i1 to i32
      %parallel_loop3A_624 = arith.constant 0 : i32
      %parallel_loop3A_625 = arith.cmpi slt, %parallel_loop3A_612, %parallel_loop3A_624 : i32
      %parallel_loop3A_626 = arith.extui %parallel_loop3A_625 : i1 to i32
      %parallel_loop3A_627 = arith.subi %parallel_loop3A_623, %parallel_loop3A_626 : i32
      %parallel_loop3A_628 = arith.cmpi ne, %parallel_loop3A_620, %parallel_loop3A_627 : i32
      %parallel_loop3A_629 = arith.remsi %parallel_loop3A_611, %parallel_loop3A_612 : i32
      %parallel_loop3A_630 = arith.constant 0 : i32
      %parallel_loop3A_631 = arith.cmpi ne, %parallel_loop3A_629, %parallel_loop3A_630 : i32
      %parallel_loop3A_632 = arith.andi %parallel_loop3A_628, %parallel_loop3A_631 : i1
      %parallel_loop3A_633 = arith.constant 1 : i32
      %parallel_loop3A_634 = arith.subi %parallel_loop3A_613, %parallel_loop3A_633 : i32
      %parallel_loop3A_635 = arith.select %parallel_loop3A_632, %parallel_loop3A_634, %parallel_loop3A_613 : i32
      %parallel_loop3A_636 = arith.constant 32 : i32
      %parallel_loop3A_637 = arith.constant 0 : i32
      %parallel_loop3A_638 = arith.cmpi eq, %parallel_loop3A_636, %parallel_loop3A_637 : i32
      %parallel_loop3A_639 = arith.constant 1 : i32
      %parallel_loop3A_640 = arith.select %parallel_loop3A_638, %parallel_loop3A_639, %parallel_loop3A_636 : i32
      %parallel_loop3A_641 = arith.remsi %parallel_loop3A_611, %parallel_loop3A_640 : i32
      %parallel_loop3A_642 = arith.constant 0 : i32
      %parallel_loop3A_643 = arith.cmpi ne, %parallel_loop3A_641, %parallel_loop3A_642 : i32
      %parallel_loop3A_644 = arith.constant 0 : i32
      %parallel_loop3A_645 = arith.cmpi slt, %parallel_loop3A_641, %parallel_loop3A_644 : i32
      %parallel_loop3A_646 = arith.constant 0 : i32
      %parallel_loop3A_647 = arith.cmpi slt, %parallel_loop3A_640, %parallel_loop3A_646 : i32
      %parallel_loop3A_648 = arith.xori %parallel_loop3A_645, %parallel_loop3A_647 : i1
      %parallel_loop3A_649 = arith.andi %parallel_loop3A_648, %parallel_loop3A_643 : i1
      %parallel_loop3A_650 = arith.addi %parallel_loop3A_641, %parallel_loop3A_640 : i32
      %parallel_loop3A_651 = arith.select %parallel_loop3A_649, %parallel_loop3A_650, %parallel_loop3A_641 : i32
      %parallel_loop3A_652 = arith.constant 16 : i32
      %parallel_loop3A_653 = arith.muli %parallel_loop3A_651, %parallel_loop3A_652 : i32
      %parallel_loop3A_654 = arith.constant 0 : i32
      %parallel_loop3A_655 = arith.index_cast %parallel_loop3A_654 : i32 to index
      %parallel_loop3A_656 = arith.index_cast %parallel_loop3A_635 : i32 to index
      %parallel_loop3A_657 = arith.index_cast %parallel_loop3A_653 : i32 to index
      %parallel_loop3A_658 = tpu.vector_load %arg5[%parallel_loop3A_655, %parallel_loop3A_656, %parallel_loop3A_657] {strides = array<i32>} : memref<2x16x512xf32, #tpu.memory_space<vmem>>, vector<16xf32>,
      %parallel_loop3A_659 = arith.constant 16 : i32
      %parallel_loop3A_660 = arith.muli %parallel_loop3A_651, %parallel_loop3A_659 : i32
      %parallel_loop3A_661 = arith.constant 0 : i32
      %parallel_loop3A_662 = arith.index_cast %parallel_loop3A_661 : i32 to index
      %parallel_loop3A_663 = arith.index_cast %parallel_loop3A_635 : i32 to index
      %parallel_loop3A_664 = arith.index_cast %parallel_loop3A_660 : i32 to index
      %parallel_loop3A_665 = tpu.vector_load %arg6[%parallel_loop3A_662, %parallel_loop3A_663, %parallel_loop3A_664] {strides = array<i32>} : memref<2x16x512xf32, #tpu.memory_space<vmem>>, vector<16xf32>,
      %parallel_loop3A_666 = arith.constant 1.600000e+01 : f32
      %parallel_loop3A_667 = vector.broadcast %parallel_loop3A_666 : f32 to vector<16xf32>
      %parallel_loop3A_668 = arith.mulf %parallel_loop3A_658, %parallel_loop3A_667 : vector<16xf32>
      %parallel_loop3A_669 = arith.constant 1.600000e+01 : f32
      %parallel_loop3A_670 = vector.broadcast %parallel_loop3A_669 : f32 to vector<16xf32>
      %parallel_loop3A_671 = arith.addf %parallel_loop3A_668, %parallel_loop3A_670 : vector<16xf32>
      %parallel_loop3A_672 = arith.constant 1.600000e+01 : f32
      %parallel_loop3A_673 = vector.broadcast %parallel_loop3A_672 : f32 to vector<16xf32>
      %parallel_loop3A_674 = arith.mulf %parallel_loop3A_665, %parallel_loop3A_673 : vector<16xf32>
      %parallel_loop3A_675 = arith.constant 1.600000e+01 : f32
      %parallel_loop3A_676 = vector.broadcast %parallel_loop3A_675 : f32 to vector<16xf32>
      %parallel_loop3A_677 = arith.addf %parallel_loop3A_674, %parallel_loop3A_676 : vector<16xf32>
      %parallel_loop3A_678 = tpu.bitcast %parallel_loop3A_671 : vector<16xf32> -> vector<16xi32>
      %parallel_loop3A_679 = tpu.bitcast %parallel_loop3A_677 : vector<16xf32> -> vector<16xi32>
      %parallel_loop3A_680 = arith.maxui %parallel_loop3A_678, %parallel_loop3A_679 : vector<16xi32>
      %parallel_loop3A_681 = arith.constant 1107296256 : i32
      %parallel_loop3A_682 = vector.broadcast %parallel_loop3A_681 : i32 to vector<16xi32>
      %parallel_loop3A_683 = arith.cmpi ule, %parallel_loop3A_680, %parallel_loop3A_682 : vector<16xi32>
      %parallel_loop3A_684 = arith.constant 3.100000e+01 : f32
      %parallel_loop3A_685 = vector.broadcast %parallel_loop3A_684 : f32 to vector<16xf32>
      %parallel_loop3A_686 = arith.minimumf %parallel_loop3A_671, %parallel_loop3A_685 : vector<16xf32>
      %parallel_loop3A_687 = arith.fptosi %parallel_loop3A_686 : vector<16xf32> to vector<16xi32>
      %parallel_loop3A_688 = arith.constant 3.100000e+01 : f32
      %parallel_loop3A_689 = vector.broadcast %parallel_loop3A_688 : f32 to vector<16xf32>
      %parallel_loop3A_690 = arith.minimumf %parallel_loop3A_677, %parallel_loop3A_689 : vector<16xf32>
      %parallel_loop3A_691 = arith.fptosi %parallel_loop3A_690 : vector<16xf32> to vector<16xi32>
      tpu.vector_store_idx %arg7[%broadcast_in_dim3A_130, %parallel_loop3A_687, %parallel_loop3A_691], %broadcast_in_dim3A_5 masked %parallel_loop3A_683 {add = true} : memref<8x32x32xf32, #tpu.memory_space<vmem>>[vector<16xi32>, vector<16xi32>, vector<16xi32>], vector<16xf32>, vector<16xi1>
    } {sc.loop_unroll_factor = 4 : i64, sc.parallel_access}
    %dma_wait3A_134 = arith.constant 1 : i32
    %dma_wait3A_135 = arith.constant 0 : i32
    %dma_wait3A_136 = arith.constant 1 : i32
    %dma_wait3A_137 = arith.constant 0 : i32
    %dma_wait3A_138 = arith.constant 0 : i32
    %dma_wait3A_139 = tpu.memref_slice %arg5[%dma_wait3A_136, %dma_wait3A_137, %dma_wait3A_138] : memref<2x16x512xf32, #tpu.memory_space<vmem>> -> memref<1x16x512xf32, #tpu.memory_space<vmem>>
    %dma_wait3A_140 = tpu.memref_squeeze %dma_wait3A_139 : memref<1x16x512xf32, #tpu.memory_space<vmem>> -> memref<16x512xf32, #tpu.memory_space<vmem>>
    %dma_wait3A_141 = arith.constant 0 : i32
    %dma_wait3A_142 = tpu.memref_slice %arg2[%dma_wait3A_134, %dma_wait3A_135, %mul3A_2, %dma_wait3A_141] : memref<8x1x512x512xf32, #tpu.memory_space<hbm>> -> memref<1x1x16x512xf32, #tpu.memory_space<hbm>>
    %dma_wait3A_143 = tpu.memref_squeeze %dma_wait3A_142 : memref<1x1x16x512xf32, #tpu.memory_space<hbm>> -> memref<16x512xf32, #tpu.memory_space<hbm>>
    %dma_wait3A_144 = arith.constant 0 : i32
    %dma_wait3A_145 = arith.constant 0 : i32
    %dma_wait3A_146 = tpu.memref_slice %arg5[%dma_wait3A_136, %dma_wait3A_144, %dma_wait3A_145] : memref<2x16x512xf32, #tpu.memory_space<vmem>> -> memref<1x16x512xf32, #tpu.memory_space<vmem>>
    %dma_wait3A_147 = tpu.memref_squeeze %dma_wait3A_146 : memref<1x16x512xf32, #tpu.memory_space<vmem>> -> memref<16x512xf32, #tpu.memory_space<vmem>>
    %dma_wait3A_148 = arith.constant 0 : i32
    %dma_wait3A_149 = tpu.memref_slice %arg2[%dma_wait3A_134, %dma_wait3A_135, %mul3A_2, %dma_wait3A_148] : memref<8x1x512x512xf32, #tpu.memory_space<hbm>> -> memref<1x1x16x512xf32, #tpu.memory_space<hbm>>
    %dma_wait3A_150 = tpu.memref_squeeze %dma_wait3A_149 : memref<1x1x16x512xf32, #tpu.memory_space<hbm>> -> memref<16x512xf32, #tpu.memory_space<hbm>>
    tpu.wait_dma2 semaphore(%arg8 : memref<!tpu.dma_semaphore, #tpu.memory_space<semaphore_mem>>) src(%dma_wait3A_150 : memref<16x512xf32, #tpu.memory_space<hbm>>) dst(%dma_wait3A_147 : memref<16x512xf32, #tpu.memory_space<vmem>>)
    %dma_wait3A_151 = arith.constant 1 : i32
    %dma_wait3A_152 = arith.constant 0 : i32
    %dma_wait3A_153 = arith.constant 1 : i32
    %dma_wait3A_154 = arith.constant 0 : i32
    %dma_wait3A_155 = arith.constant 0 : i32
    %dma_wait3A_156 = tpu.memref_slice %arg6[%dma_wait3A_153, %dma_wait3A_154, %dma_wait3A_155] : memref<2x16x512xf32, #tpu.memory_space<vmem>> -> memref<1x16x512xf32, #tpu.memory_space<vmem>>
    %dma_wait3A_157 = tpu.memref_squeeze %dma_wait3A_156 : memref<1x16x512xf32, #tpu.memory_space<vmem>> -> memref<16x512xf32, #tpu.memory_space<vmem>>
    %dma_wait3A_158 = arith.constant 0 : i32
    %dma_wait3A_159 = tpu.memref_slice %arg3[%dma_wait3A_151, %dma_wait3A_152, %mul3A_2, %dma_wait3A_158] : memref<8x1x512x512xf32, #tpu.memory_space<hbm>> -> memref<1x1x16x512xf32, #tpu.memory_space<hbm>>
    %dma_wait3A_160 = tpu.memref_squeeze %dma_wait3A_159 : memref<1x1x16x512xf32, #tpu.memory_space<hbm>> -> memref<16x512xf32, #tpu.memory_space<hbm>>
    %dma_wait3A_161 = arith.constant 0 : i32
    %dma_wait3A_162 = arith.constant 0 : i32
    %dma_wait3A_163 = tpu.memref_slice %arg6[%dma_wait3A_153, %dma_wait3A_161, %dma_wait3A_162] : memref<2x16x512xf32, #tpu.memory_space<vmem>> -> memref<1x16x512xf32, #tpu.memory_space<vmem>>
    %dma_wait3A_164 = tpu.memref_squeeze %dma_wait3A_163 : memref<1x16x512xf32, #tpu.memory_space<vmem>> -> memref<16x512xf32, #tpu.memory_space<vmem>>
    %dma_wait3A_165 = arith.constant 0 : i32
    %dma_wait3A_166 = tpu.memref_slice %arg3[%dma_wait3A_151, %dma_wait3A_152, %mul3A_2, %dma_wait3A_165] : memref<8x1x512x512xf32, #tpu.memory_space<hbm>> -> memref<1x1x16x512xf32, #tpu.memory_space<hbm>>
    %dma_wait3A_167 = tpu.memref_squeeze %dma_wait3A_166 : memref<1x1x16x512xf32, #tpu.memory_space<hbm>> -> memref<16x512xf32, #tpu.memory_space<hbm>>
    tpu.wait_dma2 semaphore(%arg9 : memref<!tpu.dma_semaphore, #tpu.memory_space<semaphore_mem>>) src(%dma_wait3A_167 : memref<16x512xf32, #tpu.memory_space<hbm>>) dst(%dma_wait3A_164 : memref<16x512xf32, #tpu.memory_space<vmem>>)
    %dma_start3A_168 = arith.constant 2 : i32
    %dma_start3A_169 = arith.constant 0 : i32
    %dma_start3A_170 = arith.constant 0 : i32
    %dma_start3A_171 = arith.constant 0 : i32
    %dma_start3A_172 = arith.constant 0 : i32
    %dma_start3A_173 = tpu.memref_slice %arg5[%dma_start3A_170, %dma_start3A_171, %dma_start3A_172] : memref<2x16x512xf32, #tpu.memory_space<vmem>> -> memref<1x16x512xf32, #tpu.memory_space<vmem>>
    %dma_start3A_174 = tpu.memref_squeeze %dma_start3A_173 : memref<1x16x512xf32, #tpu.memory_space<vmem>> -> memref<16x512xf32, #tpu.memory_space<vmem>>
    %dma_start3A_175 = arith.constant 0 : i32
    %dma_start3A_176 = tpu.memref_slice %arg2[%dma_start3A_168, %dma_start3A_169, %mul3A_2, %dma_start3A_175] : memref<8x1x512x512xf32, #tpu.memory_space<hbm>> -> memref<1x1x16x512xf32, #tpu.memory_space<hbm>>
    %dma_start3A_177 = tpu.memref_squeeze %dma_start3A_176 : memref<1x1x16x512xf32, #tpu.memory_space<hbm>> -> memref<16x512xf32, #tpu.memory_space<hbm>>
    %dma_start3A_178 = arith.constant 0 : i32
    %dma_start3A_179 = arith.constant 0 : i32
    %dma_start3A_180 = tpu.memref_slice %arg5[%dma_start3A_170, %dma_start3A_178, %dma_start3A_179] : memref<2x16x512xf32, #tpu.memory_space<vmem>> -> memref<1x16x512xf32, #tpu.memory_space<vmem>>
    %dma_start3A_181 = tpu.memref_squeeze %dma_start3A_180 : memref<1x16x512xf32, #tpu.memory_space<vmem>> -> memref<16x512xf32, #tpu.memory_space<vmem>>
    %dma_start3A_182 = arith.constant 0 : i32
    %dma_start3A_183 = tpu.memref_slice %arg2[%dma_start3A_168, %dma_start3A_169, %mul3A_2, %dma_start3A_182] : memref<8x1x512x512xf32, #tpu.memory_space<hbm>> -> memref<1x1x16x512xf32, #tpu.memory_space<hbm>>
    %dma_start3A_184 = tpu.memref_squeeze %dma_start3A_183 : memref<1x1x16x512xf32, #tpu.memory_space<hbm>> -> memref<16x512xf32, #tpu.memory_space<hbm>>
    tpu.enqueue_dma source(%dma_start3A_184 : memref<16x512xf32, #tpu.memory_space<hbm>>) target(%dma_start3A_181 : memref<16x512xf32, #tpu.memory_space<vmem>>) target_semaphore(%arg8 : memref<!tpu.dma_semaphore, #tpu.memory_space<semaphore_mem>>)
    %dma_start3A_185 = arith.constant 2 : i32
    %dma_start3A_186 = arith.constant 0 : i32
    %dma_start3A_187 = arith.constant 0 : i32
    %dma_start3A_188 = arith.constant 0 : i32
    %dma_start3A_189 = arith.constant 0 : i32
    %dma_start3A_190 = tpu.memref_slice %arg6[%dma_start3A_187, %dma_start3A_188, %dma_start3A_189] : memref<2x16x512xf32, #tpu.memory_space<vmem>> -> memref<1x16x512xf32, #tpu.memory_space<vmem>>
    %dma_start3A_191 = tpu.memref_squeeze %dma_start3A_190 : memref<1x16x512xf32, #tpu.memory_space<vmem>> -> memref<16x512xf32, #tpu.memory_space<vmem>>
    %dma_start3A_192 = arith.constant 0 : i32
    %dma_start3A_193 = tpu.memref_slice %arg3[%dma_start3A_185, %dma_start3A_186, %mul3A_2, %dma_start3A_192] : memref<8x1x512x512xf32, #tpu.memory_space<hbm>> -> memref<1x1x16x512xf32, #tpu.memory_space<hbm>>
    %dma_start3A_194 = tpu.memref_squeeze %dma_start3A_193 : memref<1x1x16x512xf32, #tpu.memory_space<hbm>> -> memref<16x512xf32, #tpu.memory_space<hbm>>
    %dma_start3A_195 = arith.constant 0 : i32
    %dma_start3A_196 = arith.constant 0 : i32
    %dma_start3A_197 = tpu.memref_slice %arg6[%dma_start3A_187, %dma_start3A_195, %dma_start3A_196] : memref<2x16x512xf32, #tpu.memory_space<vmem>> -> memref<1x16x512xf32, #tpu.memory_space<vmem>>
    %dma_start3A_198 = tpu.memref_squeeze %dma_start3A_197 : memref<1x16x512xf32, #tpu.memory_space<vmem>> -> memref<16x512xf32, #tpu.memory_space<vmem>>
    %dma_start3A_199 = arith.constant 0 : i32
    %dma_start3A_200 = tpu.memref_slice %arg3[%dma_start3A_185, %dma_start3A_186, %mul3A_2, %dma_start3A_199] : memref<8x1x512x512xf32, #tpu.memory_space<hbm>> -> memref<1x1x16x512xf32, #tpu.memory_space<hbm>>
    %dma_start3A_201 = tpu.memref_squeeze %dma_start3A_200 : memref<1x1x16x512xf32, #tpu.memory_space<hbm>> -> memref<16x512xf32, #tpu.memory_space<hbm>>
    tpu.enqueue_dma source(%dma_start3A_201 : memref<16x512xf32, #tpu.memory_space<hbm>>) target(%dma_start3A_198 : memref<16x512xf32, #tpu.memory_space<vmem>>) target_semaphore(%arg9 : memref<!tpu.dma_semaphore, #tpu.memory_space<semaphore_mem>>)
    %broadcast_in_dim3A_202 = arith.constant 1 : i32
    %broadcast_in_dim3A_203 = vector.broadcast %broadcast_in_dim3A_202 : i32 to vector<16xi32>
    %parallel_loop3A_204 = arith.constant 0 : i32
    %parallel_loop3A_205 = arith.constant 512 : i32
    %parallel_loop3A_206 = arith.constant 1 : i32
    scf.for %parallel_loop3A_611 = %parallel_loop3A_204 to %parallel_loop3A_205 step %parallel_loop3A_206  : i32 {
      %parallel_loop3A_612 = arith.constant 32 : i32
      %parallel_loop3A_613 = arith.divsi %parallel_loop3A_611, %parallel_loop3A_612 : i32
      %parallel_loop3A_614 = arith.constant 0 : i32
      %parallel_loop3A_615 = arith.cmpi sgt, %parallel_loop3A_611, %parallel_loop3A_614 : i32
      %parallel_loop3A_616 = arith.extui %parallel_loop3A_615 : i1 to i32
      %parallel_loop3A_617 = arith.constant 0 : i32
      %parallel_loop3A_618 = arith.cmpi slt, %parallel_loop3A_611, %parallel_loop3A_617 : i32
      %parallel_loop3A_619 = arith.extui %parallel_loop3A_618 : i1 to i32
      %parallel_loop3A_620 = arith.subi %parallel_loop3A_616, %parallel_loop3A_619 : i32
      %parallel_loop3A_621 = arith.constant 0 : i32
      %parallel_loop3A_622 = arith.cmpi sgt, %parallel_loop3A_612, %parallel_loop3A_621 : i32
      %parallel_loop3A_623 = arith.extui %parallel_loop3A_622 : i1 to i32
      %parallel_loop3A_624 = arith.constant 0 : i32
      %parallel_loop3A_625 = arith.cmpi slt, %parallel_loop3A_612, %parallel_loop3A_624 : i32
      %parallel_loop3A_626 = arith.extui %parallel_loop3A_625 : i1 to i32
      %parallel_loop3A_627 = arith.subi %parallel_loop3A_623, %parallel_loop3A_626 : i32
      %parallel_loop3A_628 = arith.cmpi ne, %parallel_loop3A_620, %parallel_loop3A_627 : i32
      %parallel_loop3A_629 = arith.remsi %parallel_loop3A_611, %parallel_loop3A_612 : i32
      %parallel_loop3A_630 = arith.constant 0 : i32
      %parallel_loop3A_631 = arith.cmpi ne, %parallel_loop3A_629, %parallel_loop3A_630 : i32
      %parallel_loop3A_632 = arith.andi %parallel_loop3A_628, %parallel_loop3A_631 : i1
      %parallel_loop3A_633 = arith.constant 1 : i32
      %parallel_loop3A_634 = arith.subi %parallel_loop3A_613, %parallel_loop3A_633 : i32
      %parallel_loop3A_635 = arith.select %parallel_loop3A_632, %parallel_loop3A_634, %parallel_loop3A_613 : i32
      %parallel_loop3A_636 = arith.constant 32 : i32
      %parallel_loop3A_637 = arith.constant 0 : i32
      %parallel_loop3A_638 = arith.cmpi eq, %parallel_loop3A_636, %parallel_loop3A_637 : i32
      %parallel_loop3A_639 = arith.constant 1 : i32
      %parallel_loop3A_640 = arith.select %parallel_loop3A_638, %parallel_loop3A_639, %parallel_loop3A_636 : i32
      %parallel_loop3A_641 = arith.remsi %parallel_loop3A_611, %parallel_loop3A_640 : i32
      %parallel_loop3A_642 = arith.constant 0 : i32
      %parallel_loop3A_643 = arith.cmpi ne, %parallel_loop3A_641, %parallel_loop3A_642 : i32
      %parallel_loop3A_644 = arith.constant 0 : i32
      %parallel_loop3A_645 = arith.cmpi slt, %parallel_loop3A_641, %parallel_loop3A_644 : i32
      %parallel_loop3A_646 = arith.constant 0 : i32
      %parallel_loop3A_647 = arith.cmpi slt, %parallel_loop3A_640, %parallel_loop3A_646 : i32
      %parallel_loop3A_648 = arith.xori %parallel_loop3A_645, %parallel_loop3A_647 : i1
      %parallel_loop3A_649 = arith.andi %parallel_loop3A_648, %parallel_loop3A_643 : i1
      %parallel_loop3A_650 = arith.addi %parallel_loop3A_641, %parallel_loop3A_640 : i32
      %parallel_loop3A_651 = arith.select %parallel_loop3A_649, %parallel_loop3A_650, %parallel_loop3A_641 : i32
      %parallel_loop3A_652 = arith.constant 16 : i32
      %parallel_loop3A_653 = arith.muli %parallel_loop3A_651, %parallel_loop3A_652 : i32
      %parallel_loop3A_654 = arith.constant 1 : i32
      %parallel_loop3A_655 = arith.index_cast %parallel_loop3A_654 : i32 to index
      %parallel_loop3A_656 = arith.index_cast %parallel_loop3A_635 : i32 to index
      %parallel_loop3A_657 = arith.index_cast %parallel_loop3A_653 : i32 to index
      %parallel_loop3A_658 = tpu.vector_load %arg5[%parallel_loop3A_655, %parallel_loop3A_656, %parallel_loop3A_657] {strides = array<i32>} : memref<2x16x512xf32, #tpu.memory_space<vmem>>, vector<16xf32>,
      %parallel_loop3A_659 = arith.constant 16 : i32
      %parallel_loop3A_660 = arith.muli %parallel_loop3A_651, %parallel_loop3A_659 : i32
      %parallel_loop3A_661 = arith.constant 1 : i32
      %parallel_loop3A_662 = arith.index_cast %parallel_loop3A_661 : i32 to index
      %parallel_loop3A_663 = arith.index_cast %parallel_loop3A_635 : i32 to index
      %parallel_loop3A_664 = arith.index_cast %parallel_loop3A_660 : i32 to index
      %parallel_loop3A_665 = tpu.vector_load %arg6[%parallel_loop3A_662, %parallel_loop3A_663, %parallel_loop3A_664] {strides = array<i32>} : memref<2x16x512xf32, #tpu.memory_space<vmem>>, vector<16xf32>,
      %parallel_loop3A_666 = arith.constant 1.600000e+01 : f32
      %parallel_loop3A_667 = vector.broadcast %parallel_loop3A_666 : f32 to vector<16xf32>
      %parallel_loop3A_668 = arith.mulf %parallel_loop3A_658, %parallel_loop3A_667 : vector<16xf32>
      %parallel_loop3A_669 = arith.constant 1.600000e+01 : f32
      %parallel_loop3A_670 = vector.broadcast %parallel_loop3A_669 : f32 to vector<16xf32>
      %parallel_loop3A_671 = arith.addf %parallel_loop3A_668, %parallel_loop3A_670 : vector<16xf32>
      %parallel_loop3A_672 = arith.constant 1.600000e+01 : f32
      %parallel_loop3A_673 = vector.broadcast %parallel_loop3A_672 : f32 to vector<16xf32>
      %parallel_loop3A_674 = arith.mulf %parallel_loop3A_665, %parallel_loop3A_673 : vector<16xf32>
      %parallel_loop3A_675 = arith.constant 1.600000e+01 : f32
      %parallel_loop3A_676 = vector.broadcast %parallel_loop3A_675 : f32 to vector<16xf32>
      %parallel_loop3A_677 = arith.addf %parallel_loop3A_674, %parallel_loop3A_676 : vector<16xf32>
      %parallel_loop3A_678 = tpu.bitcast %parallel_loop3A_671 : vector<16xf32> -> vector<16xi32>
      %parallel_loop3A_679 = tpu.bitcast %parallel_loop3A_677 : vector<16xf32> -> vector<16xi32>
      %parallel_loop3A_680 = arith.maxui %parallel_loop3A_678, %parallel_loop3A_679 : vector<16xi32>
      %parallel_loop3A_681 = arith.constant 1107296256 : i32
      %parallel_loop3A_682 = vector.broadcast %parallel_loop3A_681 : i32 to vector<16xi32>
      %parallel_loop3A_683 = arith.cmpi ule, %parallel_loop3A_680, %parallel_loop3A_682 : vector<16xi32>
      %parallel_loop3A_684 = arith.constant 3.100000e+01 : f32
      %parallel_loop3A_685 = vector.broadcast %parallel_loop3A_684 : f32 to vector<16xf32>
      %parallel_loop3A_686 = arith.minimumf %parallel_loop3A_671, %parallel_loop3A_685 : vector<16xf32>
      %parallel_loop3A_687 = arith.fptosi %parallel_loop3A_686 : vector<16xf32> to vector<16xi32>
      %parallel_loop3A_688 = arith.constant 3.100000e+01 : f32
      %parallel_loop3A_689 = vector.broadcast %parallel_loop3A_688 : f32 to vector<16xf32>
      %parallel_loop3A_690 = arith.minimumf %parallel_loop3A_677, %parallel_loop3A_689 : vector<16xf32>
      %parallel_loop3A_691 = arith.fptosi %parallel_loop3A_690 : vector<16xf32> to vector<16xi32>
      tpu.vector_store_idx %arg7[%broadcast_in_dim3A_203, %parallel_loop3A_687, %parallel_loop3A_691], %broadcast_in_dim3A_5 masked %parallel_loop3A_683 {add = true} : memref<8x32x32xf32, #tpu.memory_space<vmem>>[vector<16xi32>, vector<16xi32>, vector<16xi32>], vector<16xf32>, vector<16xi1>
    } {sc.loop_unroll_factor = 4 : i64, sc.parallel_access}
    %dma_wait3A_207 = arith.constant 2 : i32
    %dma_wait3A_208 = arith.constant 0 : i32
    %dma_wait3A_209 = arith.constant 0 : i32
    %dma_wait3A_210 = arith.constant 0 : i32
    %dma_wait3A_211 = arith.constant 0 : i32
    %dma_wait3A_212 = tpu.memref_slice %arg5[%dma_wait3A_209, %dma_wait3A_210, %dma_wait3A_211] : memref<2x16x512xf32, #tpu.memory_space<vmem>> -> memref<1x16x512xf32, #tpu.memory_space<vmem>>
    %dma_wait3A_213 = tpu.memref_squeeze %dma_wait3A_212 : memref<1x16x512xf32, #tpu.memory_space<vmem>> -> memref<16x512xf32, #tpu.memory_space<vmem>>
    %dma_wait3A_214 = arith.constant 0 : i32
    %dma_wait3A_215 = tpu.memref_slice %arg2[%dma_wait3A_207, %dma_wait3A_208, %mul3A_2, %dma_wait3A_214] : memref<8x1x512x512xf32, #tpu.memory_space<hbm>> -> memref<1x1x16x512xf32, #tpu.memory_space<hbm>>
    %dma_wait3A_216 = tpu.memref_squeeze %dma_wait3A_215 : memref<1x1x16x512xf32, #tpu.memory_space<hbm>> -> memref<16x512xf32, #tpu.memory_space<hbm>>
    %dma_wait3A_217 = arith.constant 0 : i32
    %dma_wait3A_218 = arith.constant 0 : i32
    %dma_wait3A_219 = tpu.memref_slice %arg5[%dma_wait3A_209, %dma_wait3A_217, %dma_wait3A_218] : memref<2x16x512xf32, #tpu.memory_space<vmem>> -> memref<1x16x512xf32, #tpu.memory_space<vmem>>
    %dma_wait3A_220 = tpu.memref_squeeze %dma_wait3A_219 : memref<1x16x512xf32, #tpu.memory_space<vmem>> -> memref<16x512xf32, #tpu.memory_space<vmem>>
    %dma_wait3A_221 = arith.constant 0 : i32
    %dma_wait3A_222 = tpu.memref_slice %arg2[%dma_wait3A_207, %dma_wait3A_208, %mul3A_2, %dma_wait3A_221] : memref<8x1x512x512xf32, #tpu.memory_space<hbm>> -> memref<1x1x16x512xf32, #tpu.memory_space<hbm>>
    %dma_wait3A_223 = tpu.memref_squeeze %dma_wait3A_222 : memref<1x1x16x512xf32, #tpu.memory_space<hbm>> -> memref<16x512xf32, #tpu.memory_space<hbm>>
    tpu.wait_dma2 semaphore(%arg8 : memref<!tpu.dma_semaphore, #tpu.memory_space<semaphore_mem>>) src(%dma_wait3A_223 : memref<16x512xf32, #tpu.memory_space<hbm>>) dst(%dma_wait3A_220 : memref<16x512xf32, #tpu.memory_space<vmem>>)
    %dma_wait3A_224 = arith.constant 2 : i32
    %dma_wait3A_225 = arith.constant 0 : i32
    %dma_wait3A_226 = arith.constant 0 : i32
    %dma_wait3A_227 = arith.constant 0 : i32
    %dma_wait3A_228 = arith.constant 0 : i32
    %dma_wait3A_229 = tpu.memref_slice %arg6[%dma_wait3A_226, %dma_wait3A_227, %dma_wait3A_228] : memref<2x16x512xf32, #tpu.memory_space<vmem>> -> memref<1x16x512xf32, #tpu.memory_space<vmem>>
    %dma_wait3A_230 = tpu.memref_squeeze %dma_wait3A_229 : memref<1x16x512xf32, #tpu.memory_space<vmem>> -> memref<16x512xf32, #tpu.memory_space<vmem>>
    %dma_wait3A_231 = arith.constant 0 : i32
    %dma_wait3A_232 = tpu.memref_slice %arg3[%dma_wait3A_224, %dma_wait3A_225, %mul3A_2, %dma_wait3A_231] : memref<8x1x512x512xf32, #tpu.memory_space<hbm>> -> memref<1x1x16x512xf32, #tpu.memory_space<hbm>>
    %dma_wait3A_233 = tpu.memref_squeeze %dma_wait3A_232 : memref<1x1x16x512xf32, #tpu.memory_space<hbm>> -> memref<16x512xf32, #tpu.memory_space<hbm>>
    %dma_wait3A_234 = arith.constant 0 : i32
    %dma_wait3A_235 = arith.constant 0 : i32
    %dma_wait3A_236 = tpu.memref_slice %arg6[%dma_wait3A_226, %dma_wait3A_234, %dma_wait3A_235] : memref<2x16x512xf32, #tpu.memory_space<vmem>> -> memref<1x16x512xf32, #tpu.memory_space<vmem>>
    %dma_wait3A_237 = tpu.memref_squeeze %dma_wait3A_236 : memref<1x16x512xf32, #tpu.memory_space<vmem>> -> memref<16x512xf32, #tpu.memory_space<vmem>>
    %dma_wait3A_238 = arith.constant 0 : i32
    %dma_wait3A_239 = tpu.memref_slice %arg3[%dma_wait3A_224, %dma_wait3A_225, %mul3A_2, %dma_wait3A_238] : memref<8x1x512x512xf32, #tpu.memory_space<hbm>> -> memref<1x1x16x512xf32, #tpu.memory_space<hbm>>
    %dma_wait3A_240 = tpu.memref_squeeze %dma_wait3A_239 : memref<1x1x16x512xf32, #tpu.memory_space<hbm>> -> memref<16x512xf32, #tpu.memory_space<hbm>>
    tpu.wait_dma2 semaphore(%arg9 : memref<!tpu.dma_semaphore, #tpu.memory_space<semaphore_mem>>) src(%dma_wait3A_240 : memref<16x512xf32, #tpu.memory_space<hbm>>) dst(%dma_wait3A_237 : memref<16x512xf32, #tpu.memory_space<vmem>>)
    %dma_start3A_241 = arith.constant 3 : i32
    %dma_start3A_242 = arith.constant 0 : i32
    %dma_start3A_243 = arith.constant 1 : i32
    %dma_start3A_244 = arith.constant 0 : i32
    %dma_start3A_245 = arith.constant 0 : i32
    %dma_start3A_246 = tpu.memref_slice %arg5[%dma_start3A_243, %dma_start3A_244, %dma_start3A_245] : memref<2x16x512xf32, #tpu.memory_space<vmem>> -> memref<1x16x512xf32, #tpu.memory_space<vmem>>
    %dma_start3A_247 = tpu.memref_squeeze %dma_start3A_246 : memref<1x16x512xf32, #tpu.memory_space<vmem>> -> memref<16x512xf32, #tpu.memory_space<vmem>>
    %dma_start3A_248 = arith.constant 0 : i32
    %dma_start3A_249 = tpu.memref_slice %arg2[%dma_start3A_241, %dma_start3A_242, %mul3A_2, %dma_start3A_248] : memref<8x1x512x512xf32, #tpu.memory_space<hbm>> -> memref<1x1x16x512xf32, #tpu.memory_space<hbm>>
    %dma_start3A_250 = tpu.memref_squeeze %dma_start3A_249 : memref<1x1x16x512xf32, #tpu.memory_space<hbm>> -> memref<16x512xf32, #tpu.memory_space<hbm>>
    %dma_start3A_251 = arith.constant 0 : i32
    %dma_start3A_252 = arith.constant 0 : i32
    %dma_start3A_253 = tpu.memref_slice %arg5[%dma_start3A_243, %dma_start3A_251, %dma_start3A_252] : memref<2x16x512xf32, #tpu.memory_space<vmem>> -> memref<1x16x512xf32, #tpu.memory_space<vmem>>
    %dma_start3A_254 = tpu.memref_squeeze %dma_start3A_253 : memref<1x16x512xf32, #tpu.memory_space<vmem>> -> memref<16x512xf32, #tpu.memory_space<vmem>>
    %dma_start3A_255 = arith.constant 0 : i32
    %dma_start3A_256 = tpu.memref_slice %arg2[%dma_start3A_241, %dma_start3A_242, %mul3A_2, %dma_start3A_255] : memref<8x1x512x512xf32, #tpu.memory_space<hbm>> -> memref<1x1x16x512xf32, #tpu.memory_space<hbm>>
    %dma_start3A_257 = tpu.memref_squeeze %dma_start3A_256 : memref<1x1x16x512xf32, #tpu.memory_space<hbm>> -> memref<16x512xf32, #tpu.memory_space<hbm>>
    tpu.enqueue_dma source(%dma_start3A_257 : memref<16x512xf32, #tpu.memory_space<hbm>>) target(%dma_start3A_254 : memref<16x512xf32, #tpu.memory_space<vmem>>) target_semaphore(%arg8 : memref<!tpu.dma_semaphore, #tpu.memory_space<semaphore_mem>>)
    %dma_start3A_258 = arith.constant 3 : i32
    %dma_start3A_259 = arith.constant 0 : i32
    %dma_start3A_260 = arith.constant 1 : i32
    %dma_start3A_261 = arith.constant 0 : i32
    %dma_start3A_262 = arith.constant 0 : i32
    %dma_start3A_263 = tpu.memref_slice %arg6[%dma_start3A_260, %dma_start3A_261, %dma_start3A_262] : memref<2x16x512xf32, #tpu.memory_space<vmem>> -> memref<1x16x512xf32, #tpu.memory_space<vmem>>
    %dma_start3A_264 = tpu.memref_squeeze %dma_start3A_263 : memref<1x16x512xf32, #tpu.memory_space<vmem>> -> memref<16x512xf32, #tpu.memory_space<vmem>>
    %dma_start3A_265 = arith.constant 0 : i32
    %dma_start3A_266 = tpu.memref_slice %arg3[%dma_start3A_258, %dma_start3A_259, %mul3A_2, %dma_start3A_265] : memref<8x1x512x512xf32, #tpu.memory_space<hbm>> -> memref<1x1x16x512xf32, #tpu.memory_space<hbm>>
    %dma_start3A_267 = tpu.memref_squeeze %dma_start3A_266 : memref<1x1x16x512xf32, #tpu.memory_space<hbm>> -> memref<16x512xf32, #tpu.memory_space<hbm>>
    %dma_start3A_268 = arith.constant 0 : i32
    %dma_start3A_269 = arith.constant 0 : i32
    %dma_start3A_270 = tpu.memref_slice %arg6[%dma_start3A_260, %dma_start3A_268, %dma_start3A_269] : memref<2x16x512xf32, #tpu.memory_space<vmem>> -> memref<1x16x512xf32, #tpu.memory_space<vmem>>
    %dma_start3A_271 = tpu.memref_squeeze %dma_start3A_270 : memref<1x16x512xf32, #tpu.memory_space<vmem>> -> memref<16x512xf32, #tpu.memory_space<vmem>>
    %dma_start3A_272 = arith.constant 0 : i32
    %dma_start3A_273 = tpu.memref_slice %arg3[%dma_start3A_258, %dma_start3A_259, %mul3A_2, %dma_start3A_272] : memref<8x1x512x512xf32, #tpu.memory_space<hbm>> -> memref<1x1x16x512xf32, #tpu.memory_space<hbm>>
    %dma_start3A_274 = tpu.memref_squeeze %dma_start3A_273 : memref<1x1x16x512xf32, #tpu.memory_space<hbm>> -> memref<16x512xf32, #tpu.memory_space<hbm>>
    tpu.enqueue_dma source(%dma_start3A_274 : memref<16x512xf32, #tpu.memory_space<hbm>>) target(%dma_start3A_271 : memref<16x512xf32, #tpu.memory_space<vmem>>) target_semaphore(%arg9 : memref<!tpu.dma_semaphore, #tpu.memory_space<semaphore_mem>>)
    %broadcast_in_dim3A_275 = arith.constant 2 : i32
    %broadcast_in_dim3A_276 = vector.broadcast %broadcast_in_dim3A_275 : i32 to vector<16xi32>
    %parallel_loop3A_277 = arith.constant 0 : i32
    %parallel_loop3A_278 = arith.constant 512 : i32
    %parallel_loop3A_279 = arith.constant 1 : i32
    scf.for %parallel_loop3A_611 = %parallel_loop3A_277 to %parallel_loop3A_278 step %parallel_loop3A_279  : i32 {
      %parallel_loop3A_612 = arith.constant 32 : i32
      %parallel_loop3A_613 = arith.divsi %parallel_loop3A_611, %parallel_loop3A_612 : i32
      %parallel_loop3A_614 = arith.constant 0 : i32
      %parallel_loop3A_615 = arith.cmpi sgt, %parallel_loop3A_611, %parallel_loop3A_614 : i32
      %parallel_loop3A_616 = arith.extui %parallel_loop3A_615 : i1 to i32
      %parallel_loop3A_617 = arith.constant 0 : i32
      %parallel_loop3A_618 = arith.cmpi slt, %parallel_loop3A_611, %parallel_loop3A_617 : i32
      %parallel_loop3A_619 = arith.extui %parallel_loop3A_618 : i1 to i32
      %parallel_loop3A_620 = arith.subi %parallel_loop3A_616, %parallel_loop3A_619 : i32
      %parallel_loop3A_621 = arith.constant 0 : i32
      %parallel_loop3A_622 = arith.cmpi sgt, %parallel_loop3A_612, %parallel_loop3A_621 : i32
      %parallel_loop3A_623 = arith.extui %parallel_loop3A_622 : i1 to i32
      %parallel_loop3A_624 = arith.constant 0 : i32
      %parallel_loop3A_625 = arith.cmpi slt, %parallel_loop3A_612, %parallel_loop3A_624 : i32
      %parallel_loop3A_626 = arith.extui %parallel_loop3A_625 : i1 to i32
      %parallel_loop3A_627 = arith.subi %parallel_loop3A_623, %parallel_loop3A_626 : i32
      %parallel_loop3A_628 = arith.cmpi ne, %parallel_loop3A_620, %parallel_loop3A_627 : i32
      %parallel_loop3A_629 = arith.remsi %parallel_loop3A_611, %parallel_loop3A_612 : i32
      %parallel_loop3A_630 = arith.constant 0 : i32
      %parallel_loop3A_631 = arith.cmpi ne, %parallel_loop3A_629, %parallel_loop3A_630 : i32
      %parallel_loop3A_632 = arith.andi %parallel_loop3A_628, %parallel_loop3A_631 : i1
      %parallel_loop3A_633 = arith.constant 1 : i32
      %parallel_loop3A_634 = arith.subi %parallel_loop3A_613, %parallel_loop3A_633 : i32
      %parallel_loop3A_635 = arith.select %parallel_loop3A_632, %parallel_loop3A_634, %parallel_loop3A_613 : i32
      %parallel_loop3A_636 = arith.constant 32 : i32
      %parallel_loop3A_637 = arith.constant 0 : i32
      %parallel_loop3A_638 = arith.cmpi eq, %parallel_loop3A_636, %parallel_loop3A_637 : i32
      %parallel_loop3A_639 = arith.constant 1 : i32
      %parallel_loop3A_640 = arith.select %parallel_loop3A_638, %parallel_loop3A_639, %parallel_loop3A_636 : i32
      %parallel_loop3A_641 = arith.remsi %parallel_loop3A_611, %parallel_loop3A_640 : i32
      %parallel_loop3A_642 = arith.constant 0 : i32
      %parallel_loop3A_643 = arith.cmpi ne, %parallel_loop3A_641, %parallel_loop3A_642 : i32
      %parallel_loop3A_644 = arith.constant 0 : i32
      %parallel_loop3A_645 = arith.cmpi slt, %parallel_loop3A_641, %parallel_loop3A_644 : i32
      %parallel_loop3A_646 = arith.constant 0 : i32
      %parallel_loop3A_647 = arith.cmpi slt, %parallel_loop3A_640, %parallel_loop3A_646 : i32
      %parallel_loop3A_648 = arith.xori %parallel_loop3A_645, %parallel_loop3A_647 : i1
      %parallel_loop3A_649 = arith.andi %parallel_loop3A_648, %parallel_loop3A_643 : i1
      %parallel_loop3A_650 = arith.addi %parallel_loop3A_641, %parallel_loop3A_640 : i32
      %parallel_loop3A_651 = arith.select %parallel_loop3A_649, %parallel_loop3A_650, %parallel_loop3A_641 : i32
      %parallel_loop3A_652 = arith.constant 16 : i32
      %parallel_loop3A_653 = arith.muli %parallel_loop3A_651, %parallel_loop3A_652 : i32
      %parallel_loop3A_654 = arith.constant 0 : i32
      %parallel_loop3A_655 = arith.index_cast %parallel_loop3A_654 : i32 to index
      %parallel_loop3A_656 = arith.index_cast %parallel_loop3A_635 : i32 to index
      %parallel_loop3A_657 = arith.index_cast %parallel_loop3A_653 : i32 to index
      %parallel_loop3A_658 = tpu.vector_load %arg5[%parallel_loop3A_655, %parallel_loop3A_656, %parallel_loop3A_657] {strides = array<i32>} : memref<2x16x512xf32, #tpu.memory_space<vmem>>, vector<16xf32>,
      %parallel_loop3A_659 = arith.constant 16 : i32
      %parallel_loop3A_660 = arith.muli %parallel_loop3A_651, %parallel_loop3A_659 : i32
      %parallel_loop3A_661 = arith.constant 0 : i32
      %parallel_loop3A_662 = arith.index_cast %parallel_loop3A_661 : i32 to index
      %parallel_loop3A_663 = arith.index_cast %parallel_loop3A_635 : i32 to index
      %parallel_loop3A_664 = arith.index_cast %parallel_loop3A_660 : i32 to index
      %parallel_loop3A_665 = tpu.vector_load %arg6[%parallel_loop3A_662, %parallel_loop3A_663, %parallel_loop3A_664] {strides = array<i32>} : memref<2x16x512xf32, #tpu.memory_space<vmem>>, vector<16xf32>,
      %parallel_loop3A_666 = arith.constant 1.600000e+01 : f32
      %parallel_loop3A_667 = vector.broadcast %parallel_loop3A_666 : f32 to vector<16xf32>
      %parallel_loop3A_668 = arith.mulf %parallel_loop3A_658, %parallel_loop3A_667 : vector<16xf32>
      %parallel_loop3A_669 = arith.constant 1.600000e+01 : f32
      %parallel_loop3A_670 = vector.broadcast %parallel_loop3A_669 : f32 to vector<16xf32>
      %parallel_loop3A_671 = arith.addf %parallel_loop3A_668, %parallel_loop3A_670 : vector<16xf32>
      %parallel_loop3A_672 = arith.constant 1.600000e+01 : f32
      %parallel_loop3A_673 = vector.broadcast %parallel_loop3A_672 : f32 to vector<16xf32>
      %parallel_loop3A_674 = arith.mulf %parallel_loop3A_665, %parallel_loop3A_673 : vector<16xf32>
      %parallel_loop3A_675 = arith.constant 1.600000e+01 : f32
      %parallel_loop3A_676 = vector.broadcast %parallel_loop3A_675 : f32 to vector<16xf32>
      %parallel_loop3A_677 = arith.addf %parallel_loop3A_674, %parallel_loop3A_676 : vector<16xf32>
      %parallel_loop3A_678 = tpu.bitcast %parallel_loop3A_671 : vector<16xf32> -> vector<16xi32>
      %parallel_loop3A_679 = tpu.bitcast %parallel_loop3A_677 : vector<16xf32> -> vector<16xi32>
      %parallel_loop3A_680 = arith.maxui %parallel_loop3A_678, %parallel_loop3A_679 : vector<16xi32>
      %parallel_loop3A_681 = arith.constant 1107296256 : i32
      %parallel_loop3A_682 = vector.broadcast %parallel_loop3A_681 : i32 to vector<16xi32>
      %parallel_loop3A_683 = arith.cmpi ule, %parallel_loop3A_680, %parallel_loop3A_682 : vector<16xi32>
      %parallel_loop3A_684 = arith.constant 3.100000e+01 : f32
      %parallel_loop3A_685 = vector.broadcast %parallel_loop3A_684 : f32 to vector<16xf32>
      %parallel_loop3A_686 = arith.minimumf %parallel_loop3A_671, %parallel_loop3A_685 : vector<16xf32>
      %parallel_loop3A_687 = arith.fptosi %parallel_loop3A_686 : vector<16xf32> to vector<16xi32>
      %parallel_loop3A_688 = arith.constant 3.100000e+01 : f32
      %parallel_loop3A_689 = vector.broadcast %parallel_loop3A_688 : f32 to vector<16xf32>
      %parallel_loop3A_690 = arith.minimumf %parallel_loop3A_677, %parallel_loop3A_689 : vector<16xf32>
      %parallel_loop3A_691 = arith.fptosi %parallel_loop3A_690 : vector<16xf32> to vector<16xi32>
      tpu.vector_store_idx %arg7[%broadcast_in_dim3A_276, %parallel_loop3A_687, %parallel_loop3A_691], %broadcast_in_dim3A_5 masked %parallel_loop3A_683 {add = true} : memref<8x32x32xf32, #tpu.memory_space<vmem>>[vector<16xi32>, vector<16xi32>, vector<16xi32>], vector<16xf32>, vector<16xi1>
    } {sc.loop_unroll_factor = 4 : i64, sc.parallel_access}
    %dma_wait3A_280 = arith.constant 3 : i32
    %dma_wait3A_281 = arith.constant 0 : i32
    %dma_wait3A_282 = arith.constant 1 : i32
    %dma_wait3A_283 = arith.constant 0 : i32
    %dma_wait3A_284 = arith.constant 0 : i32
    %dma_wait3A_285 = tpu.memref_slice %arg5[%dma_wait3A_282, %dma_wait3A_283, %dma_wait3A_284] : memref<2x16x512xf32, #tpu.memory_space<vmem>> -> memref<1x16x512xf32, #tpu.memory_space<vmem>>
    %dma_wait3A_286 = tpu.memref_squeeze %dma_wait3A_285 : memref<1x16x512xf32, #tpu.memory_space<vmem>> -> memref<16x512xf32, #tpu.memory_space<vmem>>
    %dma_wait3A_287 = arith.constant 0 : i32
    %dma_wait3A_288 = tpu.memref_slice %arg2[%dma_wait3A_280, %dma_wait3A_281, %mul3A_2, %dma_wait3A_287] : memref<8x1x512x512xf32, #tpu.memory_space<hbm>> -> memref<1x1x16x512xf32, #tpu.memory_space<hbm>>
    %dma_wait3A_289 = tpu.memref_squeeze %dma_wait3A_288 : memref<1x1x16x512xf32, #tpu.memory_space<hbm>> -> memref<16x512xf32, #tpu.memory_space<hbm>>
    %dma_wait3A_290 = arith.constant 0 : i32
    %dma_wait3A_291 = arith.constant 0 : i32
    %dma_wait3A_292 = tpu.memref_slice %arg5[%dma_wait3A_282, %dma_wait3A_290, %dma_wait3A_291] : memref<2x16x512xf32, #tpu.memory_space<vmem>> -> memref<1x16x512xf32, #tpu.memory_space<vmem>>
    %dma_wait3A_293 = tpu.memref_squeeze %dma_wait3A_292 : memref<1x16x512xf32, #tpu.memory_space<vmem>> -> memref<16x512xf32, #tpu.memory_space<vmem>>
    %dma_wait3A_294 = arith.constant 0 : i32
    %dma_wait3A_295 = tpu.memref_slice %arg2[%dma_wait3A_280, %dma_wait3A_281, %mul3A_2, %dma_wait3A_294] : memref<8x1x512x512xf32, #tpu.memory_space<hbm>> -> memref<1x1x16x512xf32, #tpu.memory_space<hbm>>
    %dma_wait3A_296 = tpu.memref_squeeze %dma_wait3A_295 : memref<1x1x16x512xf32, #tpu.memory_space<hbm>> -> memref<16x512xf32, #tpu.memory_space<hbm>>
    tpu.wait_dma2 semaphore(%arg8 : memref<!tpu.dma_semaphore, #tpu.memory_space<semaphore_mem>>) src(%dma_wait3A_296 : memref<16x512xf32, #tpu.memory_space<hbm>>) dst(%dma_wait3A_293 : memref<16x512xf32, #tpu.memory_space<vmem>>)
    %dma_wait3A_297 = arith.constant 3 : i32
    %dma_wait3A_298 = arith.constant 0 : i32
    %dma_wait3A_299 = arith.constant 1 : i32
    %dma_wait3A_300 = arith.constant 0 : i32
    %dma_wait3A_301 = arith.constant 0 : i32
    %dma_wait3A_302 = tpu.memref_slice %arg6[%dma_wait3A_299, %dma_wait3A_300, %dma_wait3A_301] : memref<2x16x512xf32, #tpu.memory_space<vmem>> -> memref<1x16x512xf32, #tpu.memory_space<vmem>>
    %dma_wait3A_303 = tpu.memref_squeeze %dma_wait3A_302 : memref<1x16x512xf32, #tpu.memory_space<vmem>> -> memref<16x512xf32, #tpu.memory_space<vmem>>
    %dma_wait3A_304 = arith.constant 0 : i32
    %dma_wait3A_305 = tpu.memref_slice %arg3[%dma_wait3A_297, %dma_wait3A_298, %mul3A_2, %dma_wait3A_304] : memref<8x1x512x512xf32, #tpu.memory_space<hbm>> -> memref<1x1x16x512xf32, #tpu.memory_space<hbm>>
    %dma_wait3A_306 = tpu.memref_squeeze %dma_wait3A_305 : memref<1x1x16x512xf32, #tpu.memory_space<hbm>> -> memref<16x512xf32, #tpu.memory_space<hbm>>
    %dma_wait3A_307 = arith.constant 0 : i32
    %dma_wait3A_308 = arith.constant 0 : i32
    %dma_wait3A_309 = tpu.memref_slice %arg6[%dma_wait3A_299, %dma_wait3A_307, %dma_wait3A_308] : memref<2x16x512xf32, #tpu.memory_space<vmem>> -> memref<1x16x512xf32, #tpu.memory_space<vmem>>
    %dma_wait3A_310 = tpu.memref_squeeze %dma_wait3A_309 : memref<1x16x512xf32, #tpu.memory_space<vmem>> -> memref<16x512xf32, #tpu.memory_space<vmem>>
    %dma_wait3A_311 = arith.constant 0 : i32
    %dma_wait3A_312 = tpu.memref_slice %arg3[%dma_wait3A_297, %dma_wait3A_298, %mul3A_2, %dma_wait3A_311] : memref<8x1x512x512xf32, #tpu.memory_space<hbm>> -> memref<1x1x16x512xf32, #tpu.memory_space<hbm>>
    %dma_wait3A_313 = tpu.memref_squeeze %dma_wait3A_312 : memref<1x1x16x512xf32, #tpu.memory_space<hbm>> -> memref<16x512xf32, #tpu.memory_space<hbm>>
    tpu.wait_dma2 semaphore(%arg9 : memref<!tpu.dma_semaphore, #tpu.memory_space<semaphore_mem>>) src(%dma_wait3A_313 : memref<16x512xf32, #tpu.memory_space<hbm>>) dst(%dma_wait3A_310 : memref<16x512xf32, #tpu.memory_space<vmem>>)
    %dma_start3A_314 = arith.constant 4 : i32
    %dma_start3A_315 = arith.constant 0 : i32
    %dma_start3A_316 = arith.constant 0 : i32
    %dma_start3A_317 = arith.constant 0 : i32
    %dma_start3A_318 = arith.constant 0 : i32
    %dma_start3A_319 = tpu.memref_slice %arg5[%dma_start3A_316, %dma_start3A_317, %dma_start3A_318] : memref<2x16x512xf32, #tpu.memory_space<vmem>> -> memref<1x16x512xf32, #tpu.memory_space<vmem>>
    %dma_start3A_320 = tpu.memref_squeeze %dma_start3A_319 : memref<1x16x512xf32, #tpu.memory_space<vmem>> -> memref<16x512xf32, #tpu.memory_space<vmem>>
    %dma_start3A_321 = arith.constant 0 : i32
    %dma_start3A_322 = tpu.memref_slice %arg2[%dma_start3A_314, %dma_start3A_315, %mul3A_2, %dma_start3A_321] : memref<8x1x512x512xf32, #tpu.memory_space<hbm>> -> memref<1x1x16x512xf32, #tpu.memory_space<hbm>>
    %dma_start3A_323 = tpu.memref_squeeze %dma_start3A_322 : memref<1x1x16x512xf32, #tpu.memory_space<hbm>> -> memref<16x512xf32, #tpu.memory_space<hbm>>
    %dma_start3A_324 = arith.constant 0 : i32
    %dma_start3A_325 = arith.constant 0 : i32
    %dma_start3A_326 = tpu.memref_slice %arg5[%dma_start3A_316, %dma_start3A_324, %dma_start3A_325] : memref<2x16x512xf32, #tpu.memory_space<vmem>> -> memref<1x16x512xf32, #tpu.memory_space<vmem>>
    %dma_start3A_327 = tpu.memref_squeeze %dma_start3A_326 : memref<1x16x512xf32, #tpu.memory_space<vmem>> -> memref<16x512xf32, #tpu.memory_space<vmem>>
    %dma_start3A_328 = arith.constant 0 : i32
    %dma_start3A_329 = tpu.memref_slice %arg2[%dma_start3A_314, %dma_start3A_315, %mul3A_2, %dma_start3A_328] : memref<8x1x512x512xf32, #tpu.memory_space<hbm>> -> memref<1x1x16x512xf32, #tpu.memory_space<hbm>>
    %dma_start3A_330 = tpu.memref_squeeze %dma_start3A_329 : memref<1x1x16x512xf32, #tpu.memory_space<hbm>> -> memref<16x512xf32, #tpu.memory_space<hbm>>
    tpu.enqueue_dma source(%dma_start3A_330 : memref<16x512xf32, #tpu.memory_space<hbm>>) target(%dma_start3A_327 : memref<16x512xf32, #tpu.memory_space<vmem>>) target_semaphore(%arg8 : memref<!tpu.dma_semaphore, #tpu.memory_space<semaphore_mem>>)
    %dma_start3A_331 = arith.constant 4 : i32
    %dma_start3A_332 = arith.constant 0 : i32
    %dma_start3A_333 = arith.constant 0 : i32
    %dma_start3A_334 = arith.constant 0 : i32
    %dma_start3A_335 = arith.constant 0 : i32
    %dma_start3A_336 = tpu.memref_slice %arg6[%dma_start3A_333, %dma_start3A_334, %dma_start3A_335] : memref<2x16x512xf32, #tpu.memory_space<vmem>> -> memref<1x16x512xf32, #tpu.memory_space<vmem>>
    %dma_start3A_337 = tpu.memref_squeeze %dma_start3A_336 : memref<1x16x512xf32, #tpu.memory_space<vmem>> -> memref<16x512xf32, #tpu.memory_space<vmem>>
    %dma_start3A_338 = arith.constant 0 : i32
    %dma_start3A_339 = tpu.memref_slice %arg3[%dma_start3A_331, %dma_start3A_332, %mul3A_2, %dma_start3A_338] : memref<8x1x512x512xf32, #tpu.memory_space<hbm>> -> memref<1x1x16x512xf32, #tpu.memory_space<hbm>>
    %dma_start3A_340 = tpu.memref_squeeze %dma_start3A_339 : memref<1x1x16x512xf32, #tpu.memory_space<hbm>> -> memref<16x512xf32, #tpu.memory_space<hbm>>
    %dma_start3A_341 = arith.constant 0 : i32
    %dma_start3A_342 = arith.constant 0 : i32
    %dma_start3A_343 = tpu.memref_slice %arg6[%dma_start3A_333, %dma_start3A_341, %dma_start3A_342] : memref<2x16x512xf32, #tpu.memory_space<vmem>> -> memref<1x16x512xf32, #tpu.memory_space<vmem>>
    %dma_start3A_344 = tpu.memref_squeeze %dma_start3A_343 : memref<1x16x512xf32, #tpu.memory_space<vmem>> -> memref<16x512xf32, #tpu.memory_space<vmem>>
    %dma_start3A_345 = arith.constant 0 : i32
    %dma_start3A_346 = tpu.memref_slice %arg3[%dma_start3A_331, %dma_start3A_332, %mul3A_2, %dma_start3A_345] : memref<8x1x512x512xf32, #tpu.memory_space<hbm>> -> memref<1x1x16x512xf32, #tpu.memory_space<hbm>>
    %dma_start3A_347 = tpu.memref_squeeze %dma_start3A_346 : memref<1x1x16x512xf32, #tpu.memory_space<hbm>> -> memref<16x512xf32, #tpu.memory_space<hbm>>
    tpu.enqueue_dma source(%dma_start3A_347 : memref<16x512xf32, #tpu.memory_space<hbm>>) target(%dma_start3A_344 : memref<16x512xf32, #tpu.memory_space<vmem>>) target_semaphore(%arg9 : memref<!tpu.dma_semaphore, #tpu.memory_space<semaphore_mem>>)
    %broadcast_in_dim3A_348 = arith.constant 3 : i32
    %broadcast_in_dim3A_349 = vector.broadcast %broadcast_in_dim3A_348 : i32 to vector<16xi32>
    %parallel_loop3A_350 = arith.constant 0 : i32
    %parallel_loop3A_351 = arith.constant 512 : i32
    %parallel_loop3A_352 = arith.constant 1 : i32
    scf.for %parallel_loop3A_611 = %parallel_loop3A_350 to %parallel_loop3A_351 step %parallel_loop3A_352  : i32 {
      %parallel_loop3A_612 = arith.constant 32 : i32
      %parallel_loop3A_613 = arith.divsi %parallel_loop3A_611, %parallel_loop3A_612 : i32
      %parallel_loop3A_614 = arith.constant 0 : i32
      %parallel_loop3A_615 = arith.cmpi sgt, %parallel_loop3A_611, %parallel_loop3A_614 : i32
      %parallel_loop3A_616 = arith.extui %parallel_loop3A_615 : i1 to i32
      %parallel_loop3A_617 = arith.constant 0 : i32
      %parallel_loop3A_618 = arith.cmpi slt, %parallel_loop3A_611, %parallel_loop3A_617 : i32
      %parallel_loop3A_619 = arith.extui %parallel_loop3A_618 : i1 to i32
      %parallel_loop3A_620 = arith.subi %parallel_loop3A_616, %parallel_loop3A_619 : i32
      %parallel_loop3A_621 = arith.constant 0 : i32
      %parallel_loop3A_622 = arith.cmpi sgt, %parallel_loop3A_612, %parallel_loop3A_621 : i32
      %parallel_loop3A_623 = arith.extui %parallel_loop3A_622 : i1 to i32
      %parallel_loop3A_624 = arith.constant 0 : i32
      %parallel_loop3A_625 = arith.cmpi slt, %parallel_loop3A_612, %parallel_loop3A_624 : i32
      %parallel_loop3A_626 = arith.extui %parallel_loop3A_625 : i1 to i32
      %parallel_loop3A_627 = arith.subi %parallel_loop3A_623, %parallel_loop3A_626 : i32
      %parallel_loop3A_628 = arith.cmpi ne, %parallel_loop3A_620, %parallel_loop3A_627 : i32
      %parallel_loop3A_629 = arith.remsi %parallel_loop3A_611, %parallel_loop3A_612 : i32
      %parallel_loop3A_630 = arith.constant 0 : i32
      %parallel_loop3A_631 = arith.cmpi ne, %parallel_loop3A_629, %parallel_loop3A_630 : i32
      %parallel_loop3A_632 = arith.andi %parallel_loop3A_628, %parallel_loop3A_631 : i1
      %parallel_loop3A_633 = arith.constant 1 : i32
      %parallel_loop3A_634 = arith.subi %parallel_loop3A_613, %parallel_loop3A_633 : i32
      %parallel_loop3A_635 = arith.select %parallel_loop3A_632, %parallel_loop3A_634, %parallel_loop3A_613 : i32
      %parallel_loop3A_636 = arith.constant 32 : i32
      %parallel_loop3A_637 = arith.constant 0 : i32
      %parallel_loop3A_638 = arith.cmpi eq, %parallel_loop3A_636, %parallel_loop3A_637 : i32
      %parallel_loop3A_639 = arith.constant 1 : i32
      %parallel_loop3A_640 = arith.select %parallel_loop3A_638, %parallel_loop3A_639, %parallel_loop3A_636 : i32
      %parallel_loop3A_641 = arith.remsi %parallel_loop3A_611, %parallel_loop3A_640 : i32
      %parallel_loop3A_642 = arith.constant 0 : i32
      %parallel_loop3A_643 = arith.cmpi ne, %parallel_loop3A_641, %parallel_loop3A_642 : i32
      %parallel_loop3A_644 = arith.constant 0 : i32
      %parallel_loop3A_645 = arith.cmpi slt, %parallel_loop3A_641, %parallel_loop3A_644 : i32
      %parallel_loop3A_646 = arith.constant 0 : i32
      %parallel_loop3A_647 = arith.cmpi slt, %parallel_loop3A_640, %parallel_loop3A_646 : i32
      %parallel_loop3A_648 = arith.xori %parallel_loop3A_645, %parallel_loop3A_647 : i1
      %parallel_loop3A_649 = arith.andi %parallel_loop3A_648, %parallel_loop3A_643 : i1
      %parallel_loop3A_650 = arith.addi %parallel_loop3A_641, %parallel_loop3A_640 : i32
      %parallel_loop3A_651 = arith.select %parallel_loop3A_649, %parallel_loop3A_650, %parallel_loop3A_641 : i32
      %parallel_loop3A_652 = arith.constant 16 : i32
      %parallel_loop3A_653 = arith.muli %parallel_loop3A_651, %parallel_loop3A_652 : i32
      %parallel_loop3A_654 = arith.constant 1 : i32
      %parallel_loop3A_655 = arith.index_cast %parallel_loop3A_654 : i32 to index
      %parallel_loop3A_656 = arith.index_cast %parallel_loop3A_635 : i32 to index
      %parallel_loop3A_657 = arith.index_cast %parallel_loop3A_653 : i32 to index
      %parallel_loop3A_658 = tpu.vector_load %arg5[%parallel_loop3A_655, %parallel_loop3A_656, %parallel_loop3A_657] {strides = array<i32>} : memref<2x16x512xf32, #tpu.memory_space<vmem>>, vector<16xf32>,
      %parallel_loop3A_659 = arith.constant 16 : i32
      %parallel_loop3A_660 = arith.muli %parallel_loop3A_651, %parallel_loop3A_659 : i32
      %parallel_loop3A_661 = arith.constant 1 : i32
      %parallel_loop3A_662 = arith.index_cast %parallel_loop3A_661 : i32 to index
      %parallel_loop3A_663 = arith.index_cast %parallel_loop3A_635 : i32 to index
      %parallel_loop3A_664 = arith.index_cast %parallel_loop3A_660 : i32 to index
      %parallel_loop3A_665 = tpu.vector_load %arg6[%parallel_loop3A_662, %parallel_loop3A_663, %parallel_loop3A_664] {strides = array<i32>} : memref<2x16x512xf32, #tpu.memory_space<vmem>>, vector<16xf32>,
      %parallel_loop3A_666 = arith.constant 1.600000e+01 : f32
      %parallel_loop3A_667 = vector.broadcast %parallel_loop3A_666 : f32 to vector<16xf32>
      %parallel_loop3A_668 = arith.mulf %parallel_loop3A_658, %parallel_loop3A_667 : vector<16xf32>
      %parallel_loop3A_669 = arith.constant 1.600000e+01 : f32
      %parallel_loop3A_670 = vector.broadcast %parallel_loop3A_669 : f32 to vector<16xf32>
      %parallel_loop3A_671 = arith.addf %parallel_loop3A_668, %parallel_loop3A_670 : vector<16xf32>
      %parallel_loop3A_672 = arith.constant 1.600000e+01 : f32
      %parallel_loop3A_673 = vector.broadcast %parallel_loop3A_672 : f32 to vector<16xf32>
      %parallel_loop3A_674 = arith.mulf %parallel_loop3A_665, %parallel_loop3A_673 : vector<16xf32>
      %parallel_loop3A_675 = arith.constant 1.600000e+01 : f32
      %parallel_loop3A_676 = vector.broadcast %parallel_loop3A_675 : f32 to vector<16xf32>
      %parallel_loop3A_677 = arith.addf %parallel_loop3A_674, %parallel_loop3A_676 : vector<16xf32>
      %parallel_loop3A_678 = tpu.bitcast %parallel_loop3A_671 : vector<16xf32> -> vector<16xi32>
      %parallel_loop3A_679 = tpu.bitcast %parallel_loop3A_677 : vector<16xf32> -> vector<16xi32>
      %parallel_loop3A_680 = arith.maxui %parallel_loop3A_678, %parallel_loop3A_679 : vector<16xi32>
      %parallel_loop3A_681 = arith.constant 1107296256 : i32
      %parallel_loop3A_682 = vector.broadcast %parallel_loop3A_681 : i32 to vector<16xi32>
      %parallel_loop3A_683 = arith.cmpi ule, %parallel_loop3A_680, %parallel_loop3A_682 : vector<16xi32>
      %parallel_loop3A_684 = arith.constant 3.100000e+01 : f32
      %parallel_loop3A_685 = vector.broadcast %parallel_loop3A_684 : f32 to vector<16xf32>
      %parallel_loop3A_686 = arith.minimumf %parallel_loop3A_671, %parallel_loop3A_685 : vector<16xf32>
      %parallel_loop3A_687 = arith.fptosi %parallel_loop3A_686 : vector<16xf32> to vector<16xi32>
      %parallel_loop3A_688 = arith.constant 3.100000e+01 : f32
      %parallel_loop3A_689 = vector.broadcast %parallel_loop3A_688 : f32 to vector<16xf32>
      %parallel_loop3A_690 = arith.minimumf %parallel_loop3A_677, %parallel_loop3A_689 : vector<16xf32>
      %parallel_loop3A_691 = arith.fptosi %parallel_loop3A_690 : vector<16xf32> to vector<16xi32>
      tpu.vector_store_idx %arg7[%broadcast_in_dim3A_349, %parallel_loop3A_687, %parallel_loop3A_691], %broadcast_in_dim3A_5 masked %parallel_loop3A_683 {add = true} : memref<8x32x32xf32, #tpu.memory_space<vmem>>[vector<16xi32>, vector<16xi32>, vector<16xi32>], vector<16xf32>, vector<16xi1>
    } {sc.loop_unroll_factor = 4 : i64, sc.parallel_access}
    %dma_wait3A_353 = arith.constant 4 : i32
    %dma_wait3A_354 = arith.constant 0 : i32
    %dma_wait3A_355 = arith.constant 0 : i32
    %dma_wait3A_356 = arith.constant 0 : i32
    %dma_wait3A_357 = arith.constant 0 : i32
    %dma_wait3A_358 = tpu.memref_slice %arg5[%dma_wait3A_355, %dma_wait3A_356, %dma_wait3A_357] : memref<2x16x512xf32, #tpu.memory_space<vmem>> -> memref<1x16x512xf32, #tpu.memory_space<vmem>>
    %dma_wait3A_359 = tpu.memref_squeeze %dma_wait3A_358 : memref<1x16x512xf32, #tpu.memory_space<vmem>> -> memref<16x512xf32, #tpu.memory_space<vmem>>
    %dma_wait3A_360 = arith.constant 0 : i32
    %dma_wait3A_361 = tpu.memref_slice %arg2[%dma_wait3A_353, %dma_wait3A_354, %mul3A_2, %dma_wait3A_360] : memref<8x1x512x512xf32, #tpu.memory_space<hbm>> -> memref<1x1x16x512xf32, #tpu.memory_space<hbm>>
    %dma_wait3A_362 = tpu.memref_squeeze %dma_wait3A_361 : memref<1x1x16x512xf32, #tpu.memory_space<hbm>> -> memref<16x512xf32, #tpu.memory_space<hbm>>
    %dma_wait3A_363 = arith.constant 0 : i32
    %dma_wait3A_364 = arith.constant 0 : i32
    %dma_wait3A_365 = tpu.memref_slice %arg5[%dma_wait3A_355, %dma_wait3A_363, %dma_wait3A_364] : memref<2x16x512xf32, #tpu.memory_space<vmem>> -> memref<1x16x512xf32, #tpu.memory_space<vmem>>
    %dma_wait3A_366 = tpu.memref_squeeze %dma_wait3A_365 : memref<1x16x512xf32, #tpu.memory_space<vmem>> -> memref<16x512xf32, #tpu.memory_space<vmem>>
    %dma_wait3A_367 = arith.constant 0 : i32
    %dma_wait3A_368 = tpu.memref_slice %arg2[%dma_wait3A_353, %dma_wait3A_354, %mul3A_2, %dma_wait3A_367] : memref<8x1x512x512xf32, #tpu.memory_space<hbm>> -> memref<1x1x16x512xf32, #tpu.memory_space<hbm>>
    %dma_wait3A_369 = tpu.memref_squeeze %dma_wait3A_368 : memref<1x1x16x512xf32, #tpu.memory_space<hbm>> -> memref<16x512xf32, #tpu.memory_space<hbm>>
    tpu.wait_dma2 semaphore(%arg8 : memref<!tpu.dma_semaphore, #tpu.memory_space<semaphore_mem>>) src(%dma_wait3A_369 : memref<16x512xf32, #tpu.memory_space<hbm>>) dst(%dma_wait3A_366 : memref<16x512xf32, #tpu.memory_space<vmem>>)
    %dma_wait3A_370 = arith.constant 4 : i32
    %dma_wait3A_371 = arith.constant 0 : i32
    %dma_wait3A_372 = arith.constant 0 : i32
    %dma_wait3A_373 = arith.constant 0 : i32
    %dma_wait3A_374 = arith.constant 0 : i32
    %dma_wait3A_375 = tpu.memref_slice %arg6[%dma_wait3A_372, %dma_wait3A_373, %dma_wait3A_374] : memref<2x16x512xf32, #tpu.memory_space<vmem>> -> memref<1x16x512xf32, #tpu.memory_space<vmem>>
    %dma_wait3A_376 = tpu.memref_squeeze %dma_wait3A_375 : memref<1x16x512xf32, #tpu.memory_space<vmem>> -> memref<16x512xf32, #tpu.memory_space<vmem>>
    %dma_wait3A_377 = arith.constant 0 : i32
    %dma_wait3A_378 = tpu.memref_slice %arg3[%dma_wait3A_370, %dma_wait3A_371, %mul3A_2, %dma_wait3A_377] : memref<8x1x512x512xf32, #tpu.memory_space<hbm>> -> memref<1x1x16x512xf32, #tpu.memory_space<hbm>>
    %dma_wait3A_379 = tpu.memref_squeeze %dma_wait3A_378 : memref<1x1x16x512xf32, #tpu.memory_space<hbm>> -> memref<16x512xf32, #tpu.memory_space<hbm>>
    %dma_wait3A_380 = arith.constant 0 : i32
    %dma_wait3A_381 = arith.constant 0 : i32
    %dma_wait3A_382 = tpu.memref_slice %arg6[%dma_wait3A_372, %dma_wait3A_380, %dma_wait3A_381] : memref<2x16x512xf32, #tpu.memory_space<vmem>> -> memref<1x16x512xf32, #tpu.memory_space<vmem>>
    %dma_wait3A_383 = tpu.memref_squeeze %dma_wait3A_382 : memref<1x16x512xf32, #tpu.memory_space<vmem>> -> memref<16x512xf32, #tpu.memory_space<vmem>>
    %dma_wait3A_384 = arith.constant 0 : i32
    %dma_wait3A_385 = tpu.memref_slice %arg3[%dma_wait3A_370, %dma_wait3A_371, %mul3A_2, %dma_wait3A_384] : memref<8x1x512x512xf32, #tpu.memory_space<hbm>> -> memref<1x1x16x512xf32, #tpu.memory_space<hbm>>
    %dma_wait3A_386 = tpu.memref_squeeze %dma_wait3A_385 : memref<1x1x16x512xf32, #tpu.memory_space<hbm>> -> memref<16x512xf32, #tpu.memory_space<hbm>>
    tpu.wait_dma2 semaphore(%arg9 : memref<!tpu.dma_semaphore, #tpu.memory_space<semaphore_mem>>) src(%dma_wait3A_386 : memref<16x512xf32, #tpu.memory_space<hbm>>) dst(%dma_wait3A_383 : memref<16x512xf32, #tpu.memory_space<vmem>>)
    %dma_start3A_387 = arith.constant 5 : i32
    %dma_start3A_388 = arith.constant 0 : i32
    %dma_start3A_389 = arith.constant 1 : i32
    %dma_start3A_390 = arith.constant 0 : i32
    %dma_start3A_391 = arith.constant 0 : i32
    %dma_start3A_392 = tpu.memref_slice %arg5[%dma_start3A_389, %dma_start3A_390, %dma_start3A_391] : memref<2x16x512xf32, #tpu.memory_space<vmem>> -> memref<1x16x512xf32, #tpu.memory_space<vmem>>
    %dma_start3A_393 = tpu.memref_squeeze %dma_start3A_392 : memref<1x16x512xf32, #tpu.memory_space<vmem>> -> memref<16x512xf32, #tpu.memory_space<vmem>>
    %dma_start3A_394 = arith.constant 0 : i32
    %dma_start3A_395 = tpu.memref_slice %arg2[%dma_start3A_387, %dma_start3A_388, %mul3A_2, %dma_start3A_394] : memref<8x1x512x512xf32, #tpu.memory_space<hbm>> -> memref<1x1x16x512xf32, #tpu.memory_space<hbm>>
    %dma_start3A_396 = tpu.memref_squeeze %dma_start3A_395 : memref<1x1x16x512xf32, #tpu.memory_space<hbm>> -> memref<16x512xf32, #tpu.memory_space<hbm>>
    %dma_start3A_397 = arith.constant 0 : i32
    %dma_start3A_398 = arith.constant 0 : i32
    %dma_start3A_399 = tpu.memref_slice %arg5[%dma_start3A_389, %dma_start3A_397, %dma_start3A_398] : memref<2x16x512xf32, #tpu.memory_space<vmem>> -> memref<1x16x512xf32, #tpu.memory_space<vmem>>
    %dma_start3A_400 = tpu.memref_squeeze %dma_start3A_399 : memref<1x16x512xf32, #tpu.memory_space<vmem>> -> memref<16x512xf32, #tpu.memory_space<vmem>>
    %dma_start3A_401 = arith.constant 0 : i32
    %dma_start3A_402 = tpu.memref_slice %arg2[%dma_start3A_387, %dma_start3A_388, %mul3A_2, %dma_start3A_401] : memref<8x1x512x512xf32, #tpu.memory_space<hbm>> -> memref<1x1x16x512xf32, #tpu.memory_space<hbm>>
    %dma_start3A_403 = tpu.memref_squeeze %dma_start3A_402 : memref<1x1x16x512xf32, #tpu.memory_space<hbm>> -> memref<16x512xf32, #tpu.memory_space<hbm>>
    tpu.enqueue_dma source(%dma_start3A_403 : memref<16x512xf32, #tpu.memory_space<hbm>>) target(%dma_start3A_400 : memref<16x512xf32, #tpu.memory_space<vmem>>) target_semaphore(%arg8 : memref<!tpu.dma_semaphore, #tpu.memory_space<semaphore_mem>>)
    %dma_start3A_404 = arith.constant 5 : i32
    %dma_start3A_405 = arith.constant 0 : i32
    %dma_start3A_406 = arith.constant 1 : i32
    %dma_start3A_407 = arith.constant 0 : i32
    %dma_start3A_408 = arith.constant 0 : i32
    %dma_start3A_409 = tpu.memref_slice %arg6[%dma_start3A_406, %dma_start3A_407, %dma_start3A_408] : memref<2x16x512xf32, #tpu.memory_space<vmem>> -> memref<1x16x512xf32, #tpu.memory_space<vmem>>
    %dma_start3A_410 = tpu.memref_squeeze %dma_start3A_409 : memref<1x16x512xf32, #tpu.memory_space<vmem>> -> memref<16x512xf32, #tpu.memory_space<vmem>>
    %dma_start3A_411 = arith.constant 0 : i32
    %dma_start3A_412 = tpu.memref_slice %arg3[%dma_start3A_404, %dma_start3A_405, %mul3A_2, %dma_start3A_411] : memref<8x1x512x512xf32, #tpu.memory_space<hbm>> -> memref<1x1x16x512xf32, #tpu.memory_space<hbm>>
    %dma_start3A_413 = tpu.memref_squeeze %dma_start3A_412 : memref<1x1x16x512xf32, #tpu.memory_space<hbm>> -> memref<16x512xf32, #tpu.memory_space<hbm>>
    %dma_start3A_414 = arith.constant 0 : i32
    %dma_start3A_415 = arith.constant 0 : i32
    %dma_start3A_416 = tpu.memref_slice %arg6[%dma_start3A_406, %dma_start3A_414, %dma_start3A_415] : memref<2x16x512xf32, #tpu.memory_space<vmem>> -> memref<1x16x512xf32, #tpu.memory_space<vmem>>
    %dma_start3A_417 = tpu.memref_squeeze %dma_start3A_416 : memref<1x16x512xf32, #tpu.memory_space<vmem>> -> memref<16x512xf32, #tpu.memory_space<vmem>>
    %dma_start3A_418 = arith.constant 0 : i32
    %dma_start3A_419 = tpu.memref_slice %arg3[%dma_start3A_404, %dma_start3A_405, %mul3A_2, %dma_start3A_418] : memref<8x1x512x512xf32, #tpu.memory_space<hbm>> -> memref<1x1x16x512xf32, #tpu.memory_space<hbm>>
    %dma_start3A_420 = tpu.memref_squeeze %dma_start3A_419 : memref<1x1x16x512xf32, #tpu.memory_space<hbm>> -> memref<16x512xf32, #tpu.memory_space<hbm>>
    tpu.enqueue_dma source(%dma_start3A_420 : memref<16x512xf32, #tpu.memory_space<hbm>>) target(%dma_start3A_417 : memref<16x512xf32, #tpu.memory_space<vmem>>) target_semaphore(%arg9 : memref<!tpu.dma_semaphore, #tpu.memory_space<semaphore_mem>>)
    %broadcast_in_dim3A_421 = arith.constant 4 : i32
    %broadcast_in_dim3A_422 = vector.broadcast %broadcast_in_dim3A_421 : i32 to vector<16xi32>
    %parallel_loop3A_423 = arith.constant 0 : i32
    %parallel_loop3A_424 = arith.constant 512 : i32
    %parallel_loop3A_425 = arith.constant 1 : i32
    scf.for %parallel_loop3A_611 = %parallel_loop3A_423 to %parallel_loop3A_424 step %parallel_loop3A_425  : i32 {
      %parallel_loop3A_612 = arith.constant 32 : i32
      %parallel_loop3A_613 = arith.divsi %parallel_loop3A_611, %parallel_loop3A_612 : i32
      %parallel_loop3A_614 = arith.constant 0 : i32
      %parallel_loop3A_615 = arith.cmpi sgt, %parallel_loop3A_611, %parallel_loop3A_614 : i32
      %parallel_loop3A_616 = arith.extui %parallel_loop3A_615 : i1 to i32
      %parallel_loop3A_617 = arith.constant 0 : i32
      %parallel_loop3A_618 = arith.cmpi slt, %parallel_loop3A_611, %parallel_loop3A_617 : i32
      %parallel_loop3A_619 = arith.extui %parallel_loop3A_618 : i1 to i32
      %parallel_loop3A_620 = arith.subi %parallel_loop3A_616, %parallel_loop3A_619 : i32
      %parallel_loop3A_621 = arith.constant 0 : i32
      %parallel_loop3A_622 = arith.cmpi sgt, %parallel_loop3A_612, %parallel_loop3A_621 : i32
      %parallel_loop3A_623 = arith.extui %parallel_loop3A_622 : i1 to i32
      %parallel_loop3A_624 = arith.constant 0 : i32
      %parallel_loop3A_625 = arith.cmpi slt, %parallel_loop3A_612, %parallel_loop3A_624 : i32
      %parallel_loop3A_626 = arith.extui %parallel_loop3A_625 : i1 to i32
      %parallel_loop3A_627 = arith.subi %parallel_loop3A_623, %parallel_loop3A_626 : i32
      %parallel_loop3A_628 = arith.cmpi ne, %parallel_loop3A_620, %parallel_loop3A_627 : i32
      %parallel_loop3A_629 = arith.remsi %parallel_loop3A_611, %parallel_loop3A_612 : i32
      %parallel_loop3A_630 = arith.constant 0 : i32
      %parallel_loop3A_631 = arith.cmpi ne, %parallel_loop3A_629, %parallel_loop3A_630 : i32
      %parallel_loop3A_632 = arith.andi %parallel_loop3A_628, %parallel_loop3A_631 : i1
      %parallel_loop3A_633 = arith.constant 1 : i32
      %parallel_loop3A_634 = arith.subi %parallel_loop3A_613, %parallel_loop3A_633 : i32
      %parallel_loop3A_635 = arith.select %parallel_loop3A_632, %parallel_loop3A_634, %parallel_loop3A_613 : i32
      %parallel_loop3A_636 = arith.constant 32 : i32
      %parallel_loop3A_637 = arith.constant 0 : i32
      %parallel_loop3A_638 = arith.cmpi eq, %parallel_loop3A_636, %parallel_loop3A_637 : i32
      %parallel_loop3A_639 = arith.constant 1 : i32
      %parallel_loop3A_640 = arith.select %parallel_loop3A_638, %parallel_loop3A_639, %parallel_loop3A_636 : i32
      %parallel_loop3A_641 = arith.remsi %parallel_loop3A_611, %parallel_loop3A_640 : i32
      %parallel_loop3A_642 = arith.constant 0 : i32
      %parallel_loop3A_643 = arith.cmpi ne, %parallel_loop3A_641, %parallel_loop3A_642 : i32
      %parallel_loop3A_644 = arith.constant 0 : i32
      %parallel_loop3A_645 = arith.cmpi slt, %parallel_loop3A_641, %parallel_loop3A_644 : i32
      %parallel_loop3A_646 = arith.constant 0 : i32
      %parallel_loop3A_647 = arith.cmpi slt, %parallel_loop3A_640, %parallel_loop3A_646 : i32
      %parallel_loop3A_648 = arith.xori %parallel_loop3A_645, %parallel_loop3A_647 : i1
      %parallel_loop3A_649 = arith.andi %parallel_loop3A_648, %parallel_loop3A_643 : i1
      %parallel_loop3A_650 = arith.addi %parallel_loop3A_641, %parallel_loop3A_640 : i32
      %parallel_loop3A_651 = arith.select %parallel_loop3A_649, %parallel_loop3A_650, %parallel_loop3A_641 : i32
      %parallel_loop3A_652 = arith.constant 16 : i32
      %parallel_loop3A_653 = arith.muli %parallel_loop3A_651, %parallel_loop3A_652 : i32
      %parallel_loop3A_654 = arith.constant 0 : i32
      %parallel_loop3A_655 = arith.index_cast %parallel_loop3A_654 : i32 to index
      %parallel_loop3A_656 = arith.index_cast %parallel_loop3A_635 : i32 to index
      %parallel_loop3A_657 = arith.index_cast %parallel_loop3A_653 : i32 to index
      %parallel_loop3A_658 = tpu.vector_load %arg5[%parallel_loop3A_655, %parallel_loop3A_656, %parallel_loop3A_657] {strides = array<i32>} : memref<2x16x512xf32, #tpu.memory_space<vmem>>, vector<16xf32>,
      %parallel_loop3A_659 = arith.constant 16 : i32
      %parallel_loop3A_660 = arith.muli %parallel_loop3A_651, %parallel_loop3A_659 : i32
      %parallel_loop3A_661 = arith.constant 0 : i32
      %parallel_loop3A_662 = arith.index_cast %parallel_loop3A_661 : i32 to index
      %parallel_loop3A_663 = arith.index_cast %parallel_loop3A_635 : i32 to index
      %parallel_loop3A_664 = arith.index_cast %parallel_loop3A_660 : i32 to index
      %parallel_loop3A_665 = tpu.vector_load %arg6[%parallel_loop3A_662, %parallel_loop3A_663, %parallel_loop3A_664] {strides = array<i32>} : memref<2x16x512xf32, #tpu.memory_space<vmem>>, vector<16xf32>,
      %parallel_loop3A_666 = arith.constant 1.600000e+01 : f32
      %parallel_loop3A_667 = vector.broadcast %parallel_loop3A_666 : f32 to vector<16xf32>
      %parallel_loop3A_668 = arith.mulf %parallel_loop3A_658, %parallel_loop3A_667 : vector<16xf32>
      %parallel_loop3A_669 = arith.constant 1.600000e+01 : f32
      %parallel_loop3A_670 = vector.broadcast %parallel_loop3A_669 : f32 to vector<16xf32>
      %parallel_loop3A_671 = arith.addf %parallel_loop3A_668, %parallel_loop3A_670 : vector<16xf32>
      %parallel_loop3A_672 = arith.constant 1.600000e+01 : f32
      %parallel_loop3A_673 = vector.broadcast %parallel_loop3A_672 : f32 to vector<16xf32>
      %parallel_loop3A_674 = arith.mulf %parallel_loop3A_665, %parallel_loop3A_673 : vector<16xf32>
      %parallel_loop3A_675 = arith.constant 1.600000e+01 : f32
      %parallel_loop3A_676 = vector.broadcast %parallel_loop3A_675 : f32 to vector<16xf32>
      %parallel_loop3A_677 = arith.addf %parallel_loop3A_674, %parallel_loop3A_676 : vector<16xf32>
      %parallel_loop3A_678 = tpu.bitcast %parallel_loop3A_671 : vector<16xf32> -> vector<16xi32>
      %parallel_loop3A_679 = tpu.bitcast %parallel_loop3A_677 : vector<16xf32> -> vector<16xi32>
      %parallel_loop3A_680 = arith.maxui %parallel_loop3A_678, %parallel_loop3A_679 : vector<16xi32>
      %parallel_loop3A_681 = arith.constant 1107296256 : i32
      %parallel_loop3A_682 = vector.broadcast %parallel_loop3A_681 : i32 to vector<16xi32>
      %parallel_loop3A_683 = arith.cmpi ule, %parallel_loop3A_680, %parallel_loop3A_682 : vector<16xi32>
      %parallel_loop3A_684 = arith.constant 3.100000e+01 : f32
      %parallel_loop3A_685 = vector.broadcast %parallel_loop3A_684 : f32 to vector<16xf32>
      %parallel_loop3A_686 = arith.minimumf %parallel_loop3A_671, %parallel_loop3A_685 : vector<16xf32>
      %parallel_loop3A_687 = arith.fptosi %parallel_loop3A_686 : vector<16xf32> to vector<16xi32>
      %parallel_loop3A_688 = arith.constant 3.100000e+01 : f32
      %parallel_loop3A_689 = vector.broadcast %parallel_loop3A_688 : f32 to vector<16xf32>
      %parallel_loop3A_690 = arith.minimumf %parallel_loop3A_677, %parallel_loop3A_689 : vector<16xf32>
      %parallel_loop3A_691 = arith.fptosi %parallel_loop3A_690 : vector<16xf32> to vector<16xi32>
      tpu.vector_store_idx %arg7[%broadcast_in_dim3A_422, %parallel_loop3A_687, %parallel_loop3A_691], %broadcast_in_dim3A_5 masked %parallel_loop3A_683 {add = true} : memref<8x32x32xf32, #tpu.memory_space<vmem>>[vector<16xi32>, vector<16xi32>, vector<16xi32>], vector<16xf32>, vector<16xi1>
    } {sc.loop_unroll_factor = 4 : i64, sc.parallel_access}
    %dma_wait3A_426 = arith.constant 5 : i32
    %dma_wait3A_427 = arith.constant 0 : i32
    %dma_wait3A_428 = arith.constant 1 : i32
    %dma_wait3A_429 = arith.constant 0 : i32
    %dma_wait3A_430 = arith.constant 0 : i32
    %dma_wait3A_431 = tpu.memref_slice %arg5[%dma_wait3A_428, %dma_wait3A_429, %dma_wait3A_430] : memref<2x16x512xf32, #tpu.memory_space<vmem>> -> memref<1x16x512xf32, #tpu.memory_space<vmem>>
    %dma_wait3A_432 = tpu.memref_squeeze %dma_wait3A_431 : memref<1x16x512xf32, #tpu.memory_space<vmem>> -> memref<16x512xf32, #tpu.memory_space<vmem>>
    %dma_wait3A_433 = arith.constant 0 : i32
    %dma_wait3A_434 = tpu.memref_slice %arg2[%dma_wait3A_426, %dma_wait3A_427, %mul3A_2, %dma_wait3A_433] : memref<8x1x512x512xf32, #tpu.memory_space<hbm>> -> memref<1x1x16x512xf32, #tpu.memory_space<hbm>>
    %dma_wait3A_435 = tpu.memref_squeeze %dma_wait3A_434 : memref<1x1x16x512xf32, #tpu.memory_space<hbm>> -> memref<16x512xf32, #tpu.memory_space<hbm>>
    %dma_wait3A_436 = arith.constant 0 : i32
    %dma_wait3A_437 = arith.constant 0 : i32
    %dma_wait3A_438 = tpu.memref_slice %arg5[%dma_wait3A_428, %dma_wait3A_436, %dma_wait3A_437] : memref<2x16x512xf32, #tpu.memory_space<vmem>> -> memref<1x16x512xf32, #tpu.memory_space<vmem>>
    %dma_wait3A_439 = tpu.memref_squeeze %dma_wait3A_438 : memref<1x16x512xf32, #tpu.memory_space<vmem>> -> memref<16x512xf32, #tpu.memory_space<vmem>>
    %dma_wait3A_440 = arith.constant 0 : i32
    %dma_wait3A_441 = tpu.memref_slice %arg2[%dma_wait3A_426, %dma_wait3A_427, %mul3A_2, %dma_wait3A_440] : memref<8x1x512x512xf32, #tpu.memory_space<hbm>> -> memref<1x1x16x512xf32, #tpu.memory_space<hbm>>
    %dma_wait3A_442 = tpu.memref_squeeze %dma_wait3A_441 : memref<1x1x16x512xf32, #tpu.memory_space<hbm>> -> memref<16x512xf32, #tpu.memory_space<hbm>>
    tpu.wait_dma2 semaphore(%arg8 : memref<!tpu.dma_semaphore, #tpu.memory_space<semaphore_mem>>) src(%dma_wait3A_442 : memref<16x512xf32, #tpu.memory_space<hbm>>) dst(%dma_wait3A_439 : memref<16x512xf32, #tpu.memory_space<vmem>>)
    %dma_wait3A_443 = arith.constant 5 : i32
    %dma_wait3A_444 = arith.constant 0 : i32
    %dma_wait3A_445 = arith.constant 1 : i32
    %dma_wait3A_446 = arith.constant 0 : i32
    %dma_wait3A_447 = arith.constant 0 : i32
    %dma_wait3A_448 = tpu.memref_slice %arg6[%dma_wait3A_445, %dma_wait3A_446, %dma_wait3A_447] : memref<2x16x512xf32, #tpu.memory_space<vmem>> -> memref<1x16x512xf32, #tpu.memory_space<vmem>>
    %dma_wait3A_449 = tpu.memref_squeeze %dma_wait3A_448 : memref<1x16x512xf32, #tpu.memory_space<vmem>> -> memref<16x512xf32, #tpu.memory_space<vmem>>
    %dma_wait3A_450 = arith.constant 0 : i32
    %dma_wait3A_451 = tpu.memref_slice %arg3[%dma_wait3A_443, %dma_wait3A_444, %mul3A_2, %dma_wait3A_450] : memref<8x1x512x512xf32, #tpu.memory_space<hbm>> -> memref<1x1x16x512xf32, #tpu.memory_space<hbm>>
    %dma_wait3A_452 = tpu.memref_squeeze %dma_wait3A_451 : memref<1x1x16x512xf32, #tpu.memory_space<hbm>> -> memref<16x512xf32, #tpu.memory_space<hbm>>
    %dma_wait3A_453 = arith.constant 0 : i32
    %dma_wait3A_454 = arith.constant 0 : i32
    %dma_wait3A_455 = tpu.memref_slice %arg6[%dma_wait3A_445, %dma_wait3A_453, %dma_wait3A_454] : memref<2x16x512xf32, #tpu.memory_space<vmem>> -> memref<1x16x512xf32, #tpu.memory_space<vmem>>
    %dma_wait3A_456 = tpu.memref_squeeze %dma_wait3A_455 : memref<1x16x512xf32, #tpu.memory_space<vmem>> -> memref<16x512xf32, #tpu.memory_space<vmem>>
    %dma_wait3A_457 = arith.constant 0 : i32
    %dma_wait3A_458 = tpu.memref_slice %arg3[%dma_wait3A_443, %dma_wait3A_444, %mul3A_2, %dma_wait3A_457] : memref<8x1x512x512xf32, #tpu.memory_space<hbm>> -> memref<1x1x16x512xf32, #tpu.memory_space<hbm>>
    %dma_wait3A_459 = tpu.memref_squeeze %dma_wait3A_458 : memref<1x1x16x512xf32, #tpu.memory_space<hbm>> -> memref<16x512xf32, #tpu.memory_space<hbm>>
    tpu.wait_dma2 semaphore(%arg9 : memref<!tpu.dma_semaphore, #tpu.memory_space<semaphore_mem>>) src(%dma_wait3A_459 : memref<16x512xf32, #tpu.memory_space<hbm>>) dst(%dma_wait3A_456 : memref<16x512xf32, #tpu.memory_space<vmem>>)
    %dma_start3A_460 = arith.constant 6 : i32
    %dma_start3A_461 = arith.constant 0 : i32
    %dma_start3A_462 = arith.constant 0 : i32
    %dma_start3A_463 = arith.constant 0 : i32
    %dma_start3A_464 = arith.constant 0 : i32
    %dma_start3A_465 = tpu.memref_slice %arg5[%dma_start3A_462, %dma_start3A_463, %dma_start3A_464] : memref<2x16x512xf32, #tpu.memory_space<vmem>> -> memref<1x16x512xf32, #tpu.memory_space<vmem>>
    %dma_start3A_466 = tpu.memref_squeeze %dma_start3A_465 : memref<1x16x512xf32, #tpu.memory_space<vmem>> -> memref<16x512xf32, #tpu.memory_space<vmem>>
    %dma_start3A_467 = arith.constant 0 : i32
    %dma_start3A_468 = tpu.memref_slice %arg2[%dma_start3A_460, %dma_start3A_461, %mul3A_2, %dma_start3A_467] : memref<8x1x512x512xf32, #tpu.memory_space<hbm>> -> memref<1x1x16x512xf32, #tpu.memory_space<hbm>>
    %dma_start3A_469 = tpu.memref_squeeze %dma_start3A_468 : memref<1x1x16x512xf32, #tpu.memory_space<hbm>> -> memref<16x512xf32, #tpu.memory_space<hbm>>
    %dma_start3A_470 = arith.constant 0 : i32
    %dma_start3A_471 = arith.constant 0 : i32
    %dma_start3A_472 = tpu.memref_slice %arg5[%dma_start3A_462, %dma_start3A_470, %dma_start3A_471] : memref<2x16x512xf32, #tpu.memory_space<vmem>> -> memref<1x16x512xf32, #tpu.memory_space<vmem>>
    %dma_start3A_473 = tpu.memref_squeeze %dma_start3A_472 : memref<1x16x512xf32, #tpu.memory_space<vmem>> -> memref<16x512xf32, #tpu.memory_space<vmem>>
    %dma_start3A_474 = arith.constant 0 : i32
    %dma_start3A_475 = tpu.memref_slice %arg2[%dma_start3A_460, %dma_start3A_461, %mul3A_2, %dma_start3A_474] : memref<8x1x512x512xf32, #tpu.memory_space<hbm>> -> memref<1x1x16x512xf32, #tpu.memory_space<hbm>>
    %dma_start3A_476 = tpu.memref_squeeze %dma_start3A_475 : memref<1x1x16x512xf32, #tpu.memory_space<hbm>> -> memref<16x512xf32, #tpu.memory_space<hbm>>
    tpu.enqueue_dma source(%dma_start3A_476 : memref<16x512xf32, #tpu.memory_space<hbm>>) target(%dma_start3A_473 : memref<16x512xf32, #tpu.memory_space<vmem>>) target_semaphore(%arg8 : memref<!tpu.dma_semaphore, #tpu.memory_space<semaphore_mem>>)
    %dma_start3A_477 = arith.constant 6 : i32
    %dma_start3A_478 = arith.constant 0 : i32
    %dma_start3A_479 = arith.constant 0 : i32
    %dma_start3A_480 = arith.constant 0 : i32
    %dma_start3A_481 = arith.constant 0 : i32
    %dma_start3A_482 = tpu.memref_slice %arg6[%dma_start3A_479, %dma_start3A_480, %dma_start3A_481] : memref<2x16x512xf32, #tpu.memory_space<vmem>> -> memref<1x16x512xf32, #tpu.memory_space<vmem>>
    %dma_start3A_483 = tpu.memref_squeeze %dma_start3A_482 : memref<1x16x512xf32, #tpu.memory_space<vmem>> -> memref<16x512xf32, #tpu.memory_space<vmem>>
    %dma_start3A_484 = arith.constant 0 : i32
    %dma_start3A_485 = tpu.memref_slice %arg3[%dma_start3A_477, %dma_start3A_478, %mul3A_2, %dma_start3A_484] : memref<8x1x512x512xf32, #tpu.memory_space<hbm>> -> memref<1x1x16x512xf32, #tpu.memory_space<hbm>>
    %dma_start3A_486 = tpu.memref_squeeze %dma_start3A_485 : memref<1x1x16x512xf32, #tpu.memory_space<hbm>> -> memref<16x512xf32, #tpu.memory_space<hbm>>
    %dma_start3A_487 = arith.constant 0 : i32
    %dma_start3A_488 = arith.constant 0 : i32
    %dma_start3A_489 = tpu.memref_slice %arg6[%dma_start3A_479, %dma_start3A_487, %dma_start3A_488] : memref<2x16x512xf32, #tpu.memory_space<vmem>> -> memref<1x16x512xf32, #tpu.memory_space<vmem>>
    %dma_start3A_490 = tpu.memref_squeeze %dma_start3A_489 : memref<1x16x512xf32, #tpu.memory_space<vmem>> -> memref<16x512xf32, #tpu.memory_space<vmem>>
    %dma_start3A_491 = arith.constant 0 : i32
    %dma_start3A_492 = tpu.memref_slice %arg3[%dma_start3A_477, %dma_start3A_478, %mul3A_2, %dma_start3A_491] : memref<8x1x512x512xf32, #tpu.memory_space<hbm>> -> memref<1x1x16x512xf32, #tpu.memory_space<hbm>>
    %dma_start3A_493 = tpu.memref_squeeze %dma_start3A_492 : memref<1x1x16x512xf32, #tpu.memory_space<hbm>> -> memref<16x512xf32, #tpu.memory_space<hbm>>
    tpu.enqueue_dma source(%dma_start3A_493 : memref<16x512xf32, #tpu.memory_space<hbm>>) target(%dma_start3A_490 : memref<16x512xf32, #tpu.memory_space<vmem>>) target_semaphore(%arg9 : memref<!tpu.dma_semaphore, #tpu.memory_space<semaphore_mem>>)
    %broadcast_in_dim3A_494 = arith.constant 5 : i32
    %broadcast_in_dim3A_495 = vector.broadcast %broadcast_in_dim3A_494 : i32 to vector<16xi32>
    %parallel_loop3A_496 = arith.constant 0 : i32
    %parallel_loop3A_497 = arith.constant 512 : i32
    %parallel_loop3A_498 = arith.constant 1 : i32
    scf.for %parallel_loop3A_611 = %parallel_loop3A_496 to %parallel_loop3A_497 step %parallel_loop3A_498  : i32 {
      %parallel_loop3A_612 = arith.constant 32 : i32
      %parallel_loop3A_613 = arith.divsi %parallel_loop3A_611, %parallel_loop3A_612 : i32
      %parallel_loop3A_614 = arith.constant 0 : i32
      %parallel_loop3A_615 = arith.cmpi sgt, %parallel_loop3A_611, %parallel_loop3A_614 : i32
      %parallel_loop3A_616 = arith.extui %parallel_loop3A_615 : i1 to i32
      %parallel_loop3A_617 = arith.constant 0 : i32
      %parallel_loop3A_618 = arith.cmpi slt, %parallel_loop3A_611, %parallel_loop3A_617 : i32
      %parallel_loop3A_619 = arith.extui %parallel_loop3A_618 : i1 to i32
      %parallel_loop3A_620 = arith.subi %parallel_loop3A_616, %parallel_loop3A_619 : i32
      %parallel_loop3A_621 = arith.constant 0 : i32
      %parallel_loop3A_622 = arith.cmpi sgt, %parallel_loop3A_612, %parallel_loop3A_621 : i32
      %parallel_loop3A_623 = arith.extui %parallel_loop3A_622 : i1 to i32
      %parallel_loop3A_624 = arith.constant 0 : i32
      %parallel_loop3A_625 = arith.cmpi slt, %parallel_loop3A_612, %parallel_loop3A_624 : i32
      %parallel_loop3A_626 = arith.extui %parallel_loop3A_625 : i1 to i32
      %parallel_loop3A_627 = arith.subi %parallel_loop3A_623, %parallel_loop3A_626 : i32
      %parallel_loop3A_628 = arith.cmpi ne, %parallel_loop3A_620, %parallel_loop3A_627 : i32
      %parallel_loop3A_629 = arith.remsi %parallel_loop3A_611, %parallel_loop3A_612 : i32
      %parallel_loop3A_630 = arith.constant 0 : i32
      %parallel_loop3A_631 = arith.cmpi ne, %parallel_loop3A_629, %parallel_loop3A_630 : i32
      %parallel_loop3A_632 = arith.andi %parallel_loop3A_628, %parallel_loop3A_631 : i1
      %parallel_loop3A_633 = arith.constant 1 : i32
      %parallel_loop3A_634 = arith.subi %parallel_loop3A_613, %parallel_loop3A_633 : i32
      %parallel_loop3A_635 = arith.select %parallel_loop3A_632, %parallel_loop3A_634, %parallel_loop3A_613 : i32
      %parallel_loop3A_636 = arith.constant 32 : i32
      %parallel_loop3A_637 = arith.constant 0 : i32
      %parallel_loop3A_638 = arith.cmpi eq, %parallel_loop3A_636, %parallel_loop3A_637 : i32
      %parallel_loop3A_639 = arith.constant 1 : i32
      %parallel_loop3A_640 = arith.select %parallel_loop3A_638, %parallel_loop3A_639, %parallel_loop3A_636 : i32
      %parallel_loop3A_641 = arith.remsi %parallel_loop3A_611, %parallel_loop3A_640 : i32
      %parallel_loop3A_642 = arith.constant 0 : i32
      %parallel_loop3A_643 = arith.cmpi ne, %parallel_loop3A_641, %parallel_loop3A_642 : i32
      %parallel_loop3A_644 = arith.constant 0 : i32
      %parallel_loop3A_645 = arith.cmpi slt, %parallel_loop3A_641, %parallel_loop3A_644 : i32
      %parallel_loop3A_646 = arith.constant 0 : i32
      %parallel_loop3A_647 = arith.cmpi slt, %parallel_loop3A_640, %parallel_loop3A_646 : i32
      %parallel_loop3A_648 = arith.xori %parallel_loop3A_645, %parallel_loop3A_647 : i1
      %parallel_loop3A_649 = arith.andi %parallel_loop3A_648, %parallel_loop3A_643 : i1
      %parallel_loop3A_650 = arith.addi %parallel_loop3A_641, %parallel_loop3A_640 : i32
      %parallel_loop3A_651 = arith.select %parallel_loop3A_649, %parallel_loop3A_650, %parallel_loop3A_641 : i32
      %parallel_loop3A_652 = arith.constant 16 : i32
      %parallel_loop3A_653 = arith.muli %parallel_loop3A_651, %parallel_loop3A_652 : i32
      %parallel_loop3A_654 = arith.constant 1 : i32
      %parallel_loop3A_655 = arith.index_cast %parallel_loop3A_654 : i32 to index
      %parallel_loop3A_656 = arith.index_cast %parallel_loop3A_635 : i32 to index
      %parallel_loop3A_657 = arith.index_cast %parallel_loop3A_653 : i32 to index
      %parallel_loop3A_658 = tpu.vector_load %arg5[%parallel_loop3A_655, %parallel_loop3A_656, %parallel_loop3A_657] {strides = array<i32>} : memref<2x16x512xf32, #tpu.memory_space<vmem>>, vector<16xf32>,
      %parallel_loop3A_659 = arith.constant 16 : i32
      %parallel_loop3A_660 = arith.muli %parallel_loop3A_651, %parallel_loop3A_659 : i32
      %parallel_loop3A_661 = arith.constant 1 : i32
      %parallel_loop3A_662 = arith.index_cast %parallel_loop3A_661 : i32 to index
      %parallel_loop3A_663 = arith.index_cast %parallel_loop3A_635 : i32 to index
      %parallel_loop3A_664 = arith.index_cast %parallel_loop3A_660 : i32 to index
      %parallel_loop3A_665 = tpu.vector_load %arg6[%parallel_loop3A_662, %parallel_loop3A_663, %parallel_loop3A_664] {strides = array<i32>} : memref<2x16x512xf32, #tpu.memory_space<vmem>>, vector<16xf32>,
      %parallel_loop3A_666 = arith.constant 1.600000e+01 : f32
      %parallel_loop3A_667 = vector.broadcast %parallel_loop3A_666 : f32 to vector<16xf32>
      %parallel_loop3A_668 = arith.mulf %parallel_loop3A_658, %parallel_loop3A_667 : vector<16xf32>
      %parallel_loop3A_669 = arith.constant 1.600000e+01 : f32
      %parallel_loop3A_670 = vector.broadcast %parallel_loop3A_669 : f32 to vector<16xf32>
      %parallel_loop3A_671 = arith.addf %parallel_loop3A_668, %parallel_loop3A_670 : vector<16xf32>
      %parallel_loop3A_672 = arith.constant 1.600000e+01 : f32
      %parallel_loop3A_673 = vector.broadcast %parallel_loop3A_672 : f32 to vector<16xf32>
      %parallel_loop3A_674 = arith.mulf %parallel_loop3A_665, %parallel_loop3A_673 : vector<16xf32>
      %parallel_loop3A_675 = arith.constant 1.600000e+01 : f32
      %parallel_loop3A_676 = vector.broadcast %parallel_loop3A_675 : f32 to vector<16xf32>
      %parallel_loop3A_677 = arith.addf %parallel_loop3A_674, %parallel_loop3A_676 : vector<16xf32>
      %parallel_loop3A_678 = tpu.bitcast %parallel_loop3A_671 : vector<16xf32> -> vector<16xi32>
      %parallel_loop3A_679 = tpu.bitcast %parallel_loop3A_677 : vector<16xf32> -> vector<16xi32>
      %parallel_loop3A_680 = arith.maxui %parallel_loop3A_678, %parallel_loop3A_679 : vector<16xi32>
      %parallel_loop3A_681 = arith.constant 1107296256 : i32
      %parallel_loop3A_682 = vector.broadcast %parallel_loop3A_681 : i32 to vector<16xi32>
      %parallel_loop3A_683 = arith.cmpi ule, %parallel_loop3A_680, %parallel_loop3A_682 : vector<16xi32>
      %parallel_loop3A_684 = arith.constant 3.100000e+01 : f32
      %parallel_loop3A_685 = vector.broadcast %parallel_loop3A_684 : f32 to vector<16xf32>
      %parallel_loop3A_686 = arith.minimumf %parallel_loop3A_671, %parallel_loop3A_685 : vector<16xf32>
      %parallel_loop3A_687 = arith.fptosi %parallel_loop3A_686 : vector<16xf32> to vector<16xi32>
      %parallel_loop3A_688 = arith.constant 3.100000e+01 : f32
      %parallel_loop3A_689 = vector.broadcast %parallel_loop3A_688 : f32 to vector<16xf32>
      %parallel_loop3A_690 = arith.minimumf %parallel_loop3A_677, %parallel_loop3A_689 : vector<16xf32>
      %parallel_loop3A_691 = arith.fptosi %parallel_loop3A_690 : vector<16xf32> to vector<16xi32>
      tpu.vector_store_idx %arg7[%broadcast_in_dim3A_495, %parallel_loop3A_687, %parallel_loop3A_691], %broadcast_in_dim3A_5 masked %parallel_loop3A_683 {add = true} : memref<8x32x32xf32, #tpu.memory_space<vmem>>[vector<16xi32>, vector<16xi32>, vector<16xi32>], vector<16xf32>, vector<16xi1>
    } {sc.loop_unroll_factor = 4 : i64, sc.parallel_access}
    %dma_wait3A_499 = arith.constant 6 : i32
    %dma_wait3A_500 = arith.constant 0 : i32
    %dma_wait3A_501 = arith.constant 0 : i32
    %dma_wait3A_502 = arith.constant 0 : i32
    %dma_wait3A_503 = arith.constant 0 : i32
    %dma_wait3A_504 = tpu.memref_slice %arg5[%dma_wait3A_501, %dma_wait3A_502, %dma_wait3A_503] : memref<2x16x512xf32, #tpu.memory_space<vmem>> -> memref<1x16x512xf32, #tpu.memory_space<vmem>>
    %dma_wait3A_505 = tpu.memref_squeeze %dma_wait3A_504 : memref<1x16x512xf32, #tpu.memory_space<vmem>> -> memref<16x512xf32, #tpu.memory_space<vmem>>
    %dma_wait3A_506 = arith.constant 0 : i32
    %dma_wait3A_507 = tpu.memref_slice %arg2[%dma_wait3A_499, %dma_wait3A_500, %mul3A_2, %dma_wait3A_506] : memref<8x1x512x512xf32, #tpu.memory_space<hbm>> -> memref<1x1x16x512xf32, #tpu.memory_space<hbm>>
    %dma_wait3A_508 = tpu.memref_squeeze %dma_wait3A_507 : memref<1x1x16x512xf32, #tpu.memory_space<hbm>> -> memref<16x512xf32, #tpu.memory_space<hbm>>
    %dma_wait3A_509 = arith.constant 0 : i32
    %dma_wait3A_510 = arith.constant 0 : i32
    %dma_wait3A_511 = tpu.memref_slice %arg5[%dma_wait3A_501, %dma_wait3A_509, %dma_wait3A_510] : memref<2x16x512xf32, #tpu.memory_space<vmem>> -> memref<1x16x512xf32, #tpu.memory_space<vmem>>
    %dma_wait3A_512 = tpu.memref_squeeze %dma_wait3A_511 : memref<1x16x512xf32, #tpu.memory_space<vmem>> -> memref<16x512xf32, #tpu.memory_space<vmem>>
    %dma_wait3A_513 = arith.constant 0 : i32
    %dma_wait3A_514 = tpu.memref_slice %arg2[%dma_wait3A_499, %dma_wait3A_500, %mul3A_2, %dma_wait3A_513] : memref<8x1x512x512xf32, #tpu.memory_space<hbm>> -> memref<1x1x16x512xf32, #tpu.memory_space<hbm>>
    %dma_wait3A_515 = tpu.memref_squeeze %dma_wait3A_514 : memref<1x1x16x512xf32, #tpu.memory_space<hbm>> -> memref<16x512xf32, #tpu.memory_space<hbm>>
    tpu.wait_dma2 semaphore(%arg8 : memref<!tpu.dma_semaphore, #tpu.memory_space<semaphore_mem>>) src(%dma_wait3A_515 : memref<16x512xf32, #tpu.memory_space<hbm>>) dst(%dma_wait3A_512 : memref<16x512xf32, #tpu.memory_space<vmem>>)
    %dma_wait3A_516 = arith.constant 6 : i32
    %dma_wait3A_517 = arith.constant 0 : i32
    %dma_wait3A_518 = arith.constant 0 : i32
    %dma_wait3A_519 = arith.constant 0 : i32
    %dma_wait3A_520 = arith.constant 0 : i32
    %dma_wait3A_521 = tpu.memref_slice %arg6[%dma_wait3A_518, %dma_wait3A_519, %dma_wait3A_520] : memref<2x16x512xf32, #tpu.memory_space<vmem>> -> memref<1x16x512xf32, #tpu.memory_space<vmem>>
    %dma_wait3A_522 = tpu.memref_squeeze %dma_wait3A_521 : memref<1x16x512xf32, #tpu.memory_space<vmem>> -> memref<16x512xf32, #tpu.memory_space<vmem>>
    %dma_wait3A_523 = arith.constant 0 : i32
    %dma_wait3A_524 = tpu.memref_slice %arg3[%dma_wait3A_516, %dma_wait3A_517, %mul3A_2, %dma_wait3A_523] : memref<8x1x512x512xf32, #tpu.memory_space<hbm>> -> memref<1x1x16x512xf32, #tpu.memory_space<hbm>>
    %dma_wait3A_525 = tpu.memref_squeeze %dma_wait3A_524 : memref<1x1x16x512xf32, #tpu.memory_space<hbm>> -> memref<16x512xf32, #tpu.memory_space<hbm>>
    %dma_wait3A_526 = arith.constant 0 : i32
    %dma_wait3A_527 = arith.constant 0 : i32
    %dma_wait3A_528 = tpu.memref_slice %arg6[%dma_wait3A_518, %dma_wait3A_526, %dma_wait3A_527] : memref<2x16x512xf32, #tpu.memory_space<vmem>> -> memref<1x16x512xf32, #tpu.memory_space<vmem>>
    %dma_wait3A_529 = tpu.memref_squeeze %dma_wait3A_528 : memref<1x16x512xf32, #tpu.memory_space<vmem>> -> memref<16x512xf32, #tpu.memory_space<vmem>>
    %dma_wait3A_530 = arith.constant 0 : i32
    %dma_wait3A_531 = tpu.memref_slice %arg3[%dma_wait3A_516, %dma_wait3A_517, %mul3A_2, %dma_wait3A_530] : memref<8x1x512x512xf32, #tpu.memory_space<hbm>> -> memref<1x1x16x512xf32, #tpu.memory_space<hbm>>
    %dma_wait3A_532 = tpu.memref_squeeze %dma_wait3A_531 : memref<1x1x16x512xf32, #tpu.memory_space<hbm>> -> memref<16x512xf32, #tpu.memory_space<hbm>>
    tpu.wait_dma2 semaphore(%arg9 : memref<!tpu.dma_semaphore, #tpu.memory_space<semaphore_mem>>) src(%dma_wait3A_532 : memref<16x512xf32, #tpu.memory_space<hbm>>) dst(%dma_wait3A_529 : memref<16x512xf32, #tpu.memory_space<vmem>>)
    %dma_start3A_533 = arith.constant 7 : i32
    %dma_start3A_534 = arith.constant 0 : i32
    %dma_start3A_535 = arith.constant 1 : i32
    %dma_start3A_536 = arith.constant 0 : i32
    %dma_start3A_537 = arith.constant 0 : i32
    %dma_start3A_538 = tpu.memref_slice %arg5[%dma_start3A_535, %dma_start3A_536, %dma_start3A_537] : memref<2x16x512xf32, #tpu.memory_space<vmem>> -> memref<1x16x512xf32, #tpu.memory_space<vmem>>
    %dma_start3A_539 = tpu.memref_squeeze %dma_start3A_538 : memref<1x16x512xf32, #tpu.memory_space<vmem>> -> memref<16x512xf32, #tpu.memory_space<vmem>>
    %dma_start3A_540 = arith.constant 0 : i32
    %dma_start3A_541 = tpu.memref_slice %arg2[%dma_start3A_533, %dma_start3A_534, %mul3A_2, %dma_start3A_540] : memref<8x1x512x512xf32, #tpu.memory_space<hbm>> -> memref<1x1x16x512xf32, #tpu.memory_space<hbm>>
    %dma_start3A_542 = tpu.memref_squeeze %dma_start3A_541 : memref<1x1x16x512xf32, #tpu.memory_space<hbm>> -> memref<16x512xf32, #tpu.memory_space<hbm>>
    %dma_start3A_543 = arith.constant 0 : i32
    %dma_start3A_544 = arith.constant 0 : i32
    %dma_start3A_545 = tpu.memref_slice %arg5[%dma_start3A_535, %dma_start3A_543, %dma_start3A_544] : memref<2x16x512xf32, #tpu.memory_space<vmem>> -> memref<1x16x512xf32, #tpu.memory_space<vmem>>
    %dma_start3A_546 = tpu.memref_squeeze %dma_start3A_545 : memref<1x16x512xf32, #tpu.memory_space<vmem>> -> memref<16x512xf32, #tpu.memory_space<vmem>>
    %dma_start3A_547 = arith.constant 0 : i32
    %dma_start3A_548 = tpu.memref_slice %arg2[%dma_start3A_533, %dma_start3A_534, %mul3A_2, %dma_start3A_547] : memref<8x1x512x512xf32, #tpu.memory_space<hbm>> -> memref<1x1x16x512xf32, #tpu.memory_space<hbm>>
    %dma_start3A_549 = tpu.memref_squeeze %dma_start3A_548 : memref<1x1x16x512xf32, #tpu.memory_space<hbm>> -> memref<16x512xf32, #tpu.memory_space<hbm>>
    tpu.enqueue_dma source(%dma_start3A_549 : memref<16x512xf32, #tpu.memory_space<hbm>>) target(%dma_start3A_546 : memref<16x512xf32, #tpu.memory_space<vmem>>) target_semaphore(%arg8 : memref<!tpu.dma_semaphore, #tpu.memory_space<semaphore_mem>>)
    %dma_start3A_550 = arith.constant 7 : i32
    %dma_start3A_551 = arith.constant 0 : i32
    %dma_start3A_552 = arith.constant 1 : i32
    %dma_start3A_553 = arith.constant 0 : i32
    %dma_start3A_554 = arith.constant 0 : i32
    %dma_start3A_555 = tpu.memref_slice %arg6[%dma_start3A_552, %dma_start3A_553, %dma_start3A_554] : memref<2x16x512xf32, #tpu.memory_space<vmem>> -> memref<1x16x512xf32, #tpu.memory_space<vmem>>
    %dma_start3A_556 = tpu.memref_squeeze %dma_start3A_555 : memref<1x16x512xf32, #tpu.memory_space<vmem>> -> memref<16x512xf32, #tpu.memory_space<vmem>>
    %dma_start3A_557 = arith.constant 0 : i32
    %dma_start3A_558 = tpu.memref_slice %arg3[%dma_start3A_550, %dma_start3A_551, %mul3A_2, %dma_start3A_557] : memref<8x1x512x512xf32, #tpu.memory_space<hbm>> -> memref<1x1x16x512xf32, #tpu.memory_space<hbm>>
    %dma_start3A_559 = tpu.memref_squeeze %dma_start3A_558 : memref<1x1x16x512xf32, #tpu.memory_space<hbm>> -> memref<16x512xf32, #tpu.memory_space<hbm>>
    %dma_start3A_560 = arith.constant 0 : i32
    %dma_start3A_561 = arith.constant 0 : i32
    %dma_start3A_562 = tpu.memref_slice %arg6[%dma_start3A_552, %dma_start3A_560, %dma_start3A_561] : memref<2x16x512xf32, #tpu.memory_space<vmem>> -> memref<1x16x512xf32, #tpu.memory_space<vmem>>
    %dma_start3A_563 = tpu.memref_squeeze %dma_start3A_562 : memref<1x16x512xf32, #tpu.memory_space<vmem>> -> memref<16x512xf32, #tpu.memory_space<vmem>>
    %dma_start3A_564 = arith.constant 0 : i32
    %dma_start3A_565 = tpu.memref_slice %arg3[%dma_start3A_550, %dma_start3A_551, %mul3A_2, %dma_start3A_564] : memref<8x1x512x512xf32, #tpu.memory_space<hbm>> -> memref<1x1x16x512xf32, #tpu.memory_space<hbm>>
    %dma_start3A_566 = tpu.memref_squeeze %dma_start3A_565 : memref<1x1x16x512xf32, #tpu.memory_space<hbm>> -> memref<16x512xf32, #tpu.memory_space<hbm>>
    tpu.enqueue_dma source(%dma_start3A_566 : memref<16x512xf32, #tpu.memory_space<hbm>>) target(%dma_start3A_563 : memref<16x512xf32, #tpu.memory_space<vmem>>) target_semaphore(%arg9 : memref<!tpu.dma_semaphore, #tpu.memory_space<semaphore_mem>>)
    %broadcast_in_dim3A_567 = arith.constant 6 : i32
    %broadcast_in_dim3A_568 = vector.broadcast %broadcast_in_dim3A_567 : i32 to vector<16xi32>
    %parallel_loop3A_569 = arith.constant 0 : i32
    %parallel_loop3A_570 = arith.constant 512 : i32
    %parallel_loop3A_571 = arith.constant 1 : i32
    scf.for %parallel_loop3A_611 = %parallel_loop3A_569 to %parallel_loop3A_570 step %parallel_loop3A_571  : i32 {
      %parallel_loop3A_612 = arith.constant 32 : i32
      %parallel_loop3A_613 = arith.divsi %parallel_loop3A_611, %parallel_loop3A_612 : i32
      %parallel_loop3A_614 = arith.constant 0 : i32
      %parallel_loop3A_615 = arith.cmpi sgt, %parallel_loop3A_611, %parallel_loop3A_614 : i32
      %parallel_loop3A_616 = arith.extui %parallel_loop3A_615 : i1 to i32
      %parallel_loop3A_617 = arith.constant 0 : i32
      %parallel_loop3A_618 = arith.cmpi slt, %parallel_loop3A_611, %parallel_loop3A_617 : i32
      %parallel_loop3A_619 = arith.extui %parallel_loop3A_618 : i1 to i32
      %parallel_loop3A_620 = arith.subi %parallel_loop3A_616, %parallel_loop3A_619 : i32
      %parallel_loop3A_621 = arith.constant 0 : i32
      %parallel_loop3A_622 = arith.cmpi sgt, %parallel_loop3A_612, %parallel_loop3A_621 : i32
      %parallel_loop3A_623 = arith.extui %parallel_loop3A_622 : i1 to i32
      %parallel_loop3A_624 = arith.constant 0 : i32
      %parallel_loop3A_625 = arith.cmpi slt, %parallel_loop3A_612, %parallel_loop3A_624 : i32
      %parallel_loop3A_626 = arith.extui %parallel_loop3A_625 : i1 to i32
      %parallel_loop3A_627 = arith.subi %parallel_loop3A_623, %parallel_loop3A_626 : i32
      %parallel_loop3A_628 = arith.cmpi ne, %parallel_loop3A_620, %parallel_loop3A_627 : i32
      %parallel_loop3A_629 = arith.remsi %parallel_loop3A_611, %parallel_loop3A_612 : i32
      %parallel_loop3A_630 = arith.constant 0 : i32
      %parallel_loop3A_631 = arith.cmpi ne, %parallel_loop3A_629, %parallel_loop3A_630 : i32
      %parallel_loop3A_632 = arith.andi %parallel_loop3A_628, %parallel_loop3A_631 : i1
      %parallel_loop3A_633 = arith.constant 1 : i32
      %parallel_loop3A_634 = arith.subi %parallel_loop3A_613, %parallel_loop3A_633 : i32
      %parallel_loop3A_635 = arith.select %parallel_loop3A_632, %parallel_loop3A_634, %parallel_loop3A_613 : i32
      %parallel_loop3A_636 = arith.constant 32 : i32
      %parallel_loop3A_637 = arith.constant 0 : i32
      %parallel_loop3A_638 = arith.cmpi eq, %parallel_loop3A_636, %parallel_loop3A_637 : i32
      %parallel_loop3A_639 = arith.constant 1 : i32
      %parallel_loop3A_640 = arith.select %parallel_loop3A_638, %parallel_loop3A_639, %parallel_loop3A_636 : i32
      %parallel_loop3A_641 = arith.remsi %parallel_loop3A_611, %parallel_loop3A_640 : i32
      %parallel_loop3A_642 = arith.constant 0 : i32
      %parallel_loop3A_643 = arith.cmpi ne, %parallel_loop3A_641, %parallel_loop3A_642 : i32
      %parallel_loop3A_644 = arith.constant 0 : i32
      %parallel_loop3A_645 = arith.cmpi slt, %parallel_loop3A_641, %parallel_loop3A_644 : i32
      %parallel_loop3A_646 = arith.constant 0 : i32
      %parallel_loop3A_647 = arith.cmpi slt, %parallel_loop3A_640, %parallel_loop3A_646 : i32
      %parallel_loop3A_648 = arith.xori %parallel_loop3A_645, %parallel_loop3A_647 : i1
      %parallel_loop3A_649 = arith.andi %parallel_loop3A_648, %parallel_loop3A_643 : i1
      %parallel_loop3A_650 = arith.addi %parallel_loop3A_641, %parallel_loop3A_640 : i32
      %parallel_loop3A_651 = arith.select %parallel_loop3A_649, %parallel_loop3A_650, %parallel_loop3A_641 : i32
      %parallel_loop3A_652 = arith.constant 16 : i32
      %parallel_loop3A_653 = arith.muli %parallel_loop3A_651, %parallel_loop3A_652 : i32
      %parallel_loop3A_654 = arith.constant 0 : i32
      %parallel_loop3A_655 = arith.index_cast %parallel_loop3A_654 : i32 to index
      %parallel_loop3A_656 = arith.index_cast %parallel_loop3A_635 : i32 to index
      %parallel_loop3A_657 = arith.index_cast %parallel_loop3A_653 : i32 to index
      %parallel_loop3A_658 = tpu.vector_load %arg5[%parallel_loop3A_655, %parallel_loop3A_656, %parallel_loop3A_657] {strides = array<i32>} : memref<2x16x512xf32, #tpu.memory_space<vmem>>, vector<16xf32>,
      %parallel_loop3A_659 = arith.constant 16 : i32
      %parallel_loop3A_660 = arith.muli %parallel_loop3A_651, %parallel_loop3A_659 : i32
      %parallel_loop3A_661 = arith.constant 0 : i32
      %parallel_loop3A_662 = arith.index_cast %parallel_loop3A_661 : i32 to index
      %parallel_loop3A_663 = arith.index_cast %parallel_loop3A_635 : i32 to index
      %parallel_loop3A_664 = arith.index_cast %parallel_loop3A_660 : i32 to index
      %parallel_loop3A_665 = tpu.vector_load %arg6[%parallel_loop3A_662, %parallel_loop3A_663, %parallel_loop3A_664] {strides = array<i32>} : memref<2x16x512xf32, #tpu.memory_space<vmem>>, vector<16xf32>,
      %parallel_loop3A_666 = arith.constant 1.600000e+01 : f32
      %parallel_loop3A_667 = vector.broadcast %parallel_loop3A_666 : f32 to vector<16xf32>
      %parallel_loop3A_668 = arith.mulf %parallel_loop3A_658, %parallel_loop3A_667 : vector<16xf32>
      %parallel_loop3A_669 = arith.constant 1.600000e+01 : f32
      %parallel_loop3A_670 = vector.broadcast %parallel_loop3A_669 : f32 to vector<16xf32>
      %parallel_loop3A_671 = arith.addf %parallel_loop3A_668, %parallel_loop3A_670 : vector<16xf32>
      %parallel_loop3A_672 = arith.constant 1.600000e+01 : f32
      %parallel_loop3A_673 = vector.broadcast %parallel_loop3A_672 : f32 to vector<16xf32>
      %parallel_loop3A_674 = arith.mulf %parallel_loop3A_665, %parallel_loop3A_673 : vector<16xf32>
      %parallel_loop3A_675 = arith.constant 1.600000e+01 : f32
      %parallel_loop3A_676 = vector.broadcast %parallel_loop3A_675 : f32 to vector<16xf32>
      %parallel_loop3A_677 = arith.addf %parallel_loop3A_674, %parallel_loop3A_676 : vector<16xf32>
      %parallel_loop3A_678 = tpu.bitcast %parallel_loop3A_671 : vector<16xf32> -> vector<16xi32>
      %parallel_loop3A_679 = tpu.bitcast %parallel_loop3A_677 : vector<16xf32> -> vector<16xi32>
      %parallel_loop3A_680 = arith.maxui %parallel_loop3A_678, %parallel_loop3A_679 : vector<16xi32>
      %parallel_loop3A_681 = arith.constant 1107296256 : i32
      %parallel_loop3A_682 = vector.broadcast %parallel_loop3A_681 : i32 to vector<16xi32>
      %parallel_loop3A_683 = arith.cmpi ule, %parallel_loop3A_680, %parallel_loop3A_682 : vector<16xi32>
      %parallel_loop3A_684 = arith.constant 3.100000e+01 : f32
      %parallel_loop3A_685 = vector.broadcast %parallel_loop3A_684 : f32 to vector<16xf32>
      %parallel_loop3A_686 = arith.minimumf %parallel_loop3A_671, %parallel_loop3A_685 : vector<16xf32>
      %parallel_loop3A_687 = arith.fptosi %parallel_loop3A_686 : vector<16xf32> to vector<16xi32>
      %parallel_loop3A_688 = arith.constant 3.100000e+01 : f32
      %parallel_loop3A_689 = vector.broadcast %parallel_loop3A_688 : f32 to vector<16xf32>
      %parallel_loop3A_690 = arith.minimumf %parallel_loop3A_677, %parallel_loop3A_689 : vector<16xf32>
      %parallel_loop3A_691 = arith.fptosi %parallel_loop3A_690 : vector<16xf32> to vector<16xi32>
      tpu.vector_store_idx %arg7[%broadcast_in_dim3A_568, %parallel_loop3A_687, %parallel_loop3A_691], %broadcast_in_dim3A_5 masked %parallel_loop3A_683 {add = true} : memref<8x32x32xf32, #tpu.memory_space<vmem>>[vector<16xi32>, vector<16xi32>, vector<16xi32>], vector<16xf32>, vector<16xi1>
    } {sc.loop_unroll_factor = 4 : i64, sc.parallel_access}
    %dma_wait3A_572 = arith.constant 7 : i32
    %dma_wait3A_573 = arith.constant 0 : i32
    %dma_wait3A_574 = arith.constant 1 : i32
    %dma_wait3A_575 = arith.constant 0 : i32
    %dma_wait3A_576 = arith.constant 0 : i32
    %dma_wait3A_577 = tpu.memref_slice %arg5[%dma_wait3A_574, %dma_wait3A_575, %dma_wait3A_576] : memref<2x16x512xf32, #tpu.memory_space<vmem>> -> memref<1x16x512xf32, #tpu.memory_space<vmem>>
    %dma_wait3A_578 = tpu.memref_squeeze %dma_wait3A_577 : memref<1x16x512xf32, #tpu.memory_space<vmem>> -> memref<16x512xf32, #tpu.memory_space<vmem>>
    %dma_wait3A_579 = arith.constant 0 : i32
    %dma_wait3A_580 = tpu.memref_slice %arg2[%dma_wait3A_572, %dma_wait3A_573, %mul3A_2, %dma_wait3A_579] : memref<8x1x512x512xf32, #tpu.memory_space<hbm>> -> memref<1x1x16x512xf32, #tpu.memory_space<hbm>>
    %dma_wait3A_581 = tpu.memref_squeeze %dma_wait3A_580 : memref<1x1x16x512xf32, #tpu.memory_space<hbm>> -> memref<16x512xf32, #tpu.memory_space<hbm>>
    %dma_wait3A_582 = arith.constant 0 : i32
    %dma_wait3A_583 = arith.constant 0 : i32
    %dma_wait3A_584 = tpu.memref_slice %arg5[%dma_wait3A_574, %dma_wait3A_582, %dma_wait3A_583] : memref<2x16x512xf32, #tpu.memory_space<vmem>> -> memref<1x16x512xf32, #tpu.memory_space<vmem>>
    %dma_wait3A_585 = tpu.memref_squeeze %dma_wait3A_584 : memref<1x16x512xf32, #tpu.memory_space<vmem>> -> memref<16x512xf32, #tpu.memory_space<vmem>>
    %dma_wait3A_586 = arith.constant 0 : i32
    %dma_wait3A_587 = tpu.memref_slice %arg2[%dma_wait3A_572, %dma_wait3A_573, %mul3A_2, %dma_wait3A_586] : memref<8x1x512x512xf32, #tpu.memory_space<hbm>> -> memref<1x1x16x512xf32, #tpu.memory_space<hbm>>
    %dma_wait3A_588 = tpu.memref_squeeze %dma_wait3A_587 : memref<1x1x16x512xf32, #tpu.memory_space<hbm>> -> memref<16x512xf32, #tpu.memory_space<hbm>>
    tpu.wait_dma2 semaphore(%arg8 : memref<!tpu.dma_semaphore, #tpu.memory_space<semaphore_mem>>) src(%dma_wait3A_588 : memref<16x512xf32, #tpu.memory_space<hbm>>) dst(%dma_wait3A_585 : memref<16x512xf32, #tpu.memory_space<vmem>>)
    %dma_wait3A_589 = arith.constant 7 : i32
    %dma_wait3A_590 = arith.constant 0 : i32
    %dma_wait3A_591 = arith.constant 1 : i32
    %dma_wait3A_592 = arith.constant 0 : i32
    %dma_wait3A_593 = arith.constant 0 : i32
    %dma_wait3A_594 = tpu.memref_slice %arg6[%dma_wait3A_591, %dma_wait3A_592, %dma_wait3A_593] : memref<2x16x512xf32, #tpu.memory_space<vmem>> -> memref<1x16x512xf32, #tpu.memory_space<vmem>>
    %dma_wait3A_595 = tpu.memref_squeeze %dma_wait3A_594 : memref<1x16x512xf32, #tpu.memory_space<vmem>> -> memref<16x512xf32, #tpu.memory_space<vmem>>
    %dma_wait3A_596 = arith.constant 0 : i32
    %dma_wait3A_597 = tpu.memref_slice %arg3[%dma_wait3A_589, %dma_wait3A_590, %mul3A_2, %dma_wait3A_596] : memref<8x1x512x512xf32, #tpu.memory_space<hbm>> -> memref<1x1x16x512xf32, #tpu.memory_space<hbm>>
    %dma_wait3A_598 = tpu.memref_squeeze %dma_wait3A_597 : memref<1x1x16x512xf32, #tpu.memory_space<hbm>> -> memref<16x512xf32, #tpu.memory_space<hbm>>
    %dma_wait3A_599 = arith.constant 0 : i32
    %dma_wait3A_600 = arith.constant 0 : i32
    %dma_wait3A_601 = tpu.memref_slice %arg6[%dma_wait3A_591, %dma_wait3A_599, %dma_wait3A_600] : memref<2x16x512xf32, #tpu.memory_space<vmem>> -> memref<1x16x512xf32, #tpu.memory_space<vmem>>
    %dma_wait3A_602 = tpu.memref_squeeze %dma_wait3A_601 : memref<1x16x512xf32, #tpu.memory_space<vmem>> -> memref<16x512xf32, #tpu.memory_space<vmem>>
    %dma_wait3A_603 = arith.constant 0 : i32
    %dma_wait3A_604 = tpu.memref_slice %arg3[%dma_wait3A_589, %dma_wait3A_590, %mul3A_2, %dma_wait3A_603] : memref<8x1x512x512xf32, #tpu.memory_space<hbm>> -> memref<1x1x16x512xf32, #tpu.memory_space<hbm>>
    %dma_wait3A_605 = tpu.memref_squeeze %dma_wait3A_604 : memref<1x1x16x512xf32, #tpu.memory_space<hbm>> -> memref<16x512xf32, #tpu.memory_space<hbm>>
    tpu.wait_dma2 semaphore(%arg9 : memref<!tpu.dma_semaphore, #tpu.memory_space<semaphore_mem>>) src(%dma_wait3A_605 : memref<16x512xf32, #tpu.memory_space<hbm>>) dst(%dma_wait3A_602 : memref<16x512xf32, #tpu.memory_space<vmem>>)
    %broadcast_in_dim3A_606 = arith.constant 7 : i32
    %broadcast_in_dim3A_607 = vector.broadcast %broadcast_in_dim3A_606 : i32 to vector<16xi32>
    %parallel_loop3A_608 = arith.constant 0 : i32
    %parallel_loop3A_609 = arith.constant 512 : i32
    %parallel_loop3A_610 = arith.constant 1 : i32
    scf.for %parallel_loop3A_611 = %parallel_loop3A_608 to %parallel_loop3A_609 step %parallel_loop3A_610  : i32 {
      %parallel_loop3A_612 = arith.constant 32 : i32
      %parallel_loop3A_613 = arith.divsi %parallel_loop3A_611, %parallel_loop3A_612 : i32
      %parallel_loop3A_614 = arith.constant 0 : i32
      %parallel_loop3A_615 = arith.cmpi sgt, %parallel_loop3A_611, %parallel_loop3A_614 : i32
      %parallel_loop3A_616 = arith.extui %parallel_loop3A_615 : i1 to i32
      %parallel_loop3A_617 = arith.constant 0 : i32
      %parallel_loop3A_618 = arith.cmpi slt, %parallel_loop3A_611, %parallel_loop3A_617 : i32
      %parallel_loop3A_619 = arith.extui %parallel_loop3A_618 : i1 to i32
      %parallel_loop3A_620 = arith.subi %parallel_loop3A_616, %parallel_loop3A_619 : i32
      %parallel_loop3A_621 = arith.constant 0 : i32
      %parallel_loop3A_622 = arith.cmpi sgt, %parallel_loop3A_612, %parallel_loop3A_621 : i32
      %parallel_loop3A_623 = arith.extui %parallel_loop3A_622 : i1 to i32
      %parallel_loop3A_624 = arith.constant 0 : i32
      %parallel_loop3A_625 = arith.cmpi slt, %parallel_loop3A_612, %parallel_loop3A_624 : i32
      %parallel_loop3A_626 = arith.extui %parallel_loop3A_625 : i1 to i32
      %parallel_loop3A_627 = arith.subi %parallel_loop3A_623, %parallel_loop3A_626 : i32
      %parallel_loop3A_628 = arith.cmpi ne, %parallel_loop3A_620, %parallel_loop3A_627 : i32
      %parallel_loop3A_629 = arith.remsi %parallel_loop3A_611, %parallel_loop3A_612 : i32
      %parallel_loop3A_630 = arith.constant 0 : i32
      %parallel_loop3A_631 = arith.cmpi ne, %parallel_loop3A_629, %parallel_loop3A_630 : i32
      %parallel_loop3A_632 = arith.andi %parallel_loop3A_628, %parallel_loop3A_631 : i1
      %parallel_loop3A_633 = arith.constant 1 : i32
      %parallel_loop3A_634 = arith.subi %parallel_loop3A_613, %parallel_loop3A_633 : i32
      %parallel_loop3A_635 = arith.select %parallel_loop3A_632, %parallel_loop3A_634, %parallel_loop3A_613 : i32
      %parallel_loop3A_636 = arith.constant 32 : i32
      %parallel_loop3A_637 = arith.constant 0 : i32
      %parallel_loop3A_638 = arith.cmpi eq, %parallel_loop3A_636, %parallel_loop3A_637 : i32
      %parallel_loop3A_639 = arith.constant 1 : i32
      %parallel_loop3A_640 = arith.select %parallel_loop3A_638, %parallel_loop3A_639, %parallel_loop3A_636 : i32
      %parallel_loop3A_641 = arith.remsi %parallel_loop3A_611, %parallel_loop3A_640 : i32
      %parallel_loop3A_642 = arith.constant 0 : i32
      %parallel_loop3A_643 = arith.cmpi ne, %parallel_loop3A_641, %parallel_loop3A_642 : i32
      %parallel_loop3A_644 = arith.constant 0 : i32
      %parallel_loop3A_645 = arith.cmpi slt, %parallel_loop3A_641, %parallel_loop3A_644 : i32
      %parallel_loop3A_646 = arith.constant 0 : i32
      %parallel_loop3A_647 = arith.cmpi slt, %parallel_loop3A_640, %parallel_loop3A_646 : i32
      %parallel_loop3A_648 = arith.xori %parallel_loop3A_645, %parallel_loop3A_647 : i1
      %parallel_loop3A_649 = arith.andi %parallel_loop3A_648, %parallel_loop3A_643 : i1
      %parallel_loop3A_650 = arith.addi %parallel_loop3A_641, %parallel_loop3A_640 : i32
      %parallel_loop3A_651 = arith.select %parallel_loop3A_649, %parallel_loop3A_650, %parallel_loop3A_641 : i32
      %parallel_loop3A_652 = arith.constant 16 : i32
      %parallel_loop3A_653 = arith.muli %parallel_loop3A_651, %parallel_loop3A_652 : i32
      %parallel_loop3A_654 = arith.constant 1 : i32
      %parallel_loop3A_655 = arith.index_cast %parallel_loop3A_654 : i32 to index
      %parallel_loop3A_656 = arith.index_cast %parallel_loop3A_635 : i32 to index
      %parallel_loop3A_657 = arith.index_cast %parallel_loop3A_653 : i32 to index
      %parallel_loop3A_658 = tpu.vector_load %arg5[%parallel_loop3A_655, %parallel_loop3A_656, %parallel_loop3A_657] {strides = array<i32>} : memref<2x16x512xf32, #tpu.memory_space<vmem>>, vector<16xf32>,
      %parallel_loop3A_659 = arith.constant 16 : i32
      %parallel_loop3A_660 = arith.muli %parallel_loop3A_651, %parallel_loop3A_659 : i32
      %parallel_loop3A_661 = arith.constant 1 : i32
      %parallel_loop3A_662 = arith.index_cast %parallel_loop3A_661 : i32 to index
      %parallel_loop3A_663 = arith.index_cast %parallel_loop3A_635 : i32 to index
      %parallel_loop3A_664 = arith.index_cast %parallel_loop3A_660 : i32 to index
      %parallel_loop3A_665 = tpu.vector_load %arg6[%parallel_loop3A_662, %parallel_loop3A_663, %parallel_loop3A_664] {strides = array<i32>} : memref<2x16x512xf32, #tpu.memory_space<vmem>>, vector<16xf32>,
      %parallel_loop3A_666 = arith.constant 1.600000e+01 : f32
      %parallel_loop3A_667 = vector.broadcast %parallel_loop3A_666 : f32 to vector<16xf32>
      %parallel_loop3A_668 = arith.mulf %parallel_loop3A_658, %parallel_loop3A_667 : vector<16xf32>
      %parallel_loop3A_669 = arith.constant 1.600000e+01 : f32
      %parallel_loop3A_670 = vector.broadcast %parallel_loop3A_669 : f32 to vector<16xf32>
      %parallel_loop3A_671 = arith.addf %parallel_loop3A_668, %parallel_loop3A_670 : vector<16xf32>
      %parallel_loop3A_672 = arith.constant 1.600000e+01 : f32
      %parallel_loop3A_673 = vector.broadcast %parallel_loop3A_672 : f32 to vector<16xf32>
      %parallel_loop3A_674 = arith.mulf %parallel_loop3A_665, %parallel_loop3A_673 : vector<16xf32>
      %parallel_loop3A_675 = arith.constant 1.600000e+01 : f32
      %parallel_loop3A_676 = vector.broadcast %parallel_loop3A_675 : f32 to vector<16xf32>
      %parallel_loop3A_677 = arith.addf %parallel_loop3A_674, %parallel_loop3A_676 : vector<16xf32>
      %parallel_loop3A_678 = tpu.bitcast %parallel_loop3A_671 : vector<16xf32> -> vector<16xi32>
      %parallel_loop3A_679 = tpu.bitcast %parallel_loop3A_677 : vector<16xf32> -> vector<16xi32>
      %parallel_loop3A_680 = arith.maxui %parallel_loop3A_678, %parallel_loop3A_679 : vector<16xi32>
      %parallel_loop3A_681 = arith.constant 1107296256 : i32
      %parallel_loop3A_682 = vector.broadcast %parallel_loop3A_681 : i32 to vector<16xi32>
      %parallel_loop3A_683 = arith.cmpi ule, %parallel_loop3A_680, %parallel_loop3A_682 : vector<16xi32>
      %parallel_loop3A_684 = arith.constant 3.100000e+01 : f32
      %parallel_loop3A_685 = vector.broadcast %parallel_loop3A_684 : f32 to vector<16xf32>
      %parallel_loop3A_686 = arith.minimumf %parallel_loop3A_671, %parallel_loop3A_685 : vector<16xf32>
      %parallel_loop3A_687 = arith.fptosi %parallel_loop3A_686 : vector<16xf32> to vector<16xi32>
      %parallel_loop3A_688 = arith.constant 3.100000e+01 : f32
      %parallel_loop3A_689 = vector.broadcast %parallel_loop3A_688 : f32 to vector<16xf32>
      %parallel_loop3A_690 = arith.minimumf %parallel_loop3A_677, %parallel_loop3A_689 : vector<16xf32>
      %parallel_loop3A_691 = arith.fptosi %parallel_loop3A_690 : vector<16xf32> to vector<16xi32>
      tpu.vector_store_idx %arg7[%broadcast_in_dim3A_607, %parallel_loop3A_687, %parallel_loop3A_691], %broadcast_in_dim3A_5 masked %parallel_loop3A_683 {add = true} : memref<8x32x32xf32, #tpu.memory_space<vmem>>[vector<16xi32>, vector<16xi32>, vector<16xi32>], vector<16xf32>, vector<16xi1>
    } {sc.loop_unroll_factor = 4 : i64, sc.parallel_access}
    "tpu.region"() ({
      %run_scoped3A = tpu.sem_alloc : memref<!tpu.dma_semaphore, #tpu.memory_space<semaphore_mem>>
      %dma_start3A_611 = arith.constant 0 : i32
      %dma_start3A_612 = arith.constant 0 : i32
      %dma_start3A_613 = arith.constant 0 : i32
      %dma_start3A_614 = tpu.memref_slice %arg4[%add3A, %dma_start3A_611, %dma_start3A_612, %dma_start3A_613] : memref<32x8x32x32xf32, #tpu.memory_space<hbm>> -> memref<1x8x32x32xf32, #tpu.memory_space<hbm>>
      %dma_start3A_615 = tpu.memref_squeeze %dma_start3A_614 : memref<1x8x32x32xf32, #tpu.memory_space<hbm>> -> memref<8x32x32xf32, #tpu.memory_space<hbm>>
      %dma_start3A_616 = arith.constant 0 : i32
      %dma_start3A_617 = arith.constant 0 : i32
      %dma_start3A_618 = arith.constant 0 : i32
      %dma_start3A_619 = tpu.memref_slice %arg4[%add3A, %dma_start3A_616, %dma_start3A_617, %dma_start3A_618] : memref<32x8x32x32xf32, #tpu.memory_space<hbm>> -> memref<1x8x32x32xf32, #tpu.memory_space<hbm>>
      %dma_start3A_620 = tpu.memref_squeeze %dma_start3A_619 : memref<1x8x32x32xf32, #tpu.memory_space<hbm>> -> memref<8x32x32xf32, #tpu.memory_space<hbm>>
      tpu.enqueue_dma source(%arg7 : memref<8x32x32xf32, #tpu.memory_space<vmem>>) target(%dma_start3A_620 : memref<8x32x32xf32, #tpu.memory_space<hbm>>) target_semaphore(%run_scoped3A : memref<!tpu.dma_semaphore, #tpu.memory_space<semaphore_mem>>)
      %dma_wait3A_621 = arith.constant 0 : i32
      %dma_wait3A_622 = arith.constant 0 : i32
      %dma_wait3A_623 = arith.constant 0 : i32
      %dma_wait3A_624 = tpu.memref_slice %arg4[%add3A, %dma_wait3A_621, %dma_wait3A_622, %dma_wait3A_623] : memref<32x8x32x32xf32, #tpu.memory_space<hbm>> -> memref<1x8x32x32xf32, #tpu.memory_space<hbm>>
      %dma_wait3A_625 = tpu.memref_squeeze %dma_wait3A_624 : memref<1x8x32x32xf32, #tpu.memory_space<hbm>> -> memref<8x32x32xf32, #tpu.memory_space<hbm>>
      %dma_wait3A_626 = arith.constant 0 : i32
      %dma_wait3A_627 = arith.constant 0 : i32
      %dma_wait3A_628 = arith.constant 0 : i32
      %dma_wait3A_629 = tpu.memref_slice %arg4[%add3A, %dma_wait3A_626, %dma_wait3A_627, %dma_wait3A_628] : memref<32x8x32x32xf32, #tpu.memory_space<hbm>> -> memref<1x8x32x32xf32, #tpu.memory_space<hbm>>
      %dma_wait3A_630 = tpu.memref_squeeze %dma_wait3A_629 : memref<1x8x32x32xf32, #tpu.memory_space<hbm>> -> memref<8x32x32xf32, #tpu.memory_space<hbm>>
      tpu.wait_dma2 semaphore(%run_scoped3A : memref<!tpu.dma_semaphore, #tpu.memory_space<semaphore_mem>>) src(%arg7 : memref<8x32x32xf32, #tpu.memory_space<vmem>>) dst(%dma_wait3A_630 : memref<8x32x32xf32, #tpu.memory_space<hbm>>)
      tpu.yield
    }) : () -> ()
    return
  }
}

module attributes {stable_mosaic.version = 14 : i64} {
  func.func @_tc_mi_body(%arg0: memref<32x8x32x32xf32, #tpu.memory_space<vmem>>, %arg1: memref<1x1xf32, #tpu.memory_space<smem>>) attributes {dimension_semantics = [], scalar_prefetch = 0 : i64, scratch_operands = 0 : i64, tpu.core_type = #tpu.core_type<tc>} {
    %get3A = arith.constant 0 : index
    %get3A_0 = arith.constant 0 : index
    %get3A_1 = arith.constant 0 : index
    %get3A_2 = arith.constant 0 : index
    %get3A_3 = vector.load %arg0[%get3A, %get3A_0, %get3A_1, %get3A_2] : memref<32x8x32x32xf32, #tpu.memory_space<vmem>>, vector<32x8x32x32xf32>
    %reduce_sum3A = arith.constant dense<0.000000e+00> : vector<8x32x32xf32>
    %reduce_sum3A_4 = vector.multi_reduction <add>, %get3A_3, %reduce_sum3A [0] : vector<32x8x32x32xf32> to vector<8x32x32xf32>
    %reduce_sum3A_5 = arith.constant dense<0.000000e+00> : vector<8x32xf32>
    %reduce_sum3A_6 = vector.multi_reduction <add>, %reduce_sum3A_4, %reduce_sum3A_5 [2] : vector<8x32x32xf32> to vector<8x32xf32>
    %broadcast_in_dim3A = vector.shape_cast %reduce_sum3A_6 : vector<8x32xf32> to vector<8x32x1xf32>
    %reduce_sum3A_7 = arith.constant dense<0.000000e+00> : vector<8x32xf32>
    %reduce_sum3A_8 = vector.multi_reduction <add>, %reduce_sum3A_4, %reduce_sum3A_7 [1] : vector<8x32x32xf32> to vector<8x32xf32>
    %broadcast_in_dim3A_9 = vector.shape_cast %reduce_sum3A_8 : vector<8x32xf32> to vector<8x1x32xf32>
    %reduce_sum3A_10 = arith.constant dense<0.000000e+00> : vector<8x1xf32>
    %reduce_sum3A_11 = vector.multi_reduction <add>, %broadcast_in_dim3A_9, %reduce_sum3A_10 [2] : vector<8x1x32xf32> to vector<8x1xf32>
    %broadcast_in_dim3A_12 = vector.shape_cast %reduce_sum3A_11 : vector<8x1xf32> to vector<8x1x1xf32>
    %div3A = vector.broadcast %broadcast_in_dim3A_12 : vector<8x1x1xf32> to vector<8x32x32xf32>
    %div3A_13 = arith.divf %reduce_sum3A_4, %div3A : vector<8x32x32xf32>
    %div3A_14 = vector.broadcast %broadcast_in_dim3A_12 : vector<8x1x1xf32> to vector<8x32x1xf32>
    %div3A_15 = arith.divf %broadcast_in_dim3A, %div3A_14 : vector<8x32x1xf32>
    %div3A_16 = vector.broadcast %broadcast_in_dim3A_12 : vector<8x1x1xf32> to vector<8x1x32xf32>
    %div3A_17 = arith.divf %broadcast_in_dim3A_9, %div3A_16 : vector<8x1x32xf32>
    %mul3A = vector.broadcast %div3A_15 : vector<8x32x1xf32> to vector<8x32x32xf32>
    %mul3A_18 = vector.broadcast %div3A_17 : vector<8x1x32xf32> to vector<8x32x32xf32>
    %mul3A_19 = arith.mulf %mul3A, %mul3A_18 : vector<8x32x32xf32>
    %gt3A = arith.constant 0.000000e+00 : f32
    %gt3A_20 = vector.broadcast %gt3A : f32 to vector<8x32x32xf32>
    %gt3A_21 = arith.cmpf ogt, %div3A_13, %gt3A_20 : vector<8x32x32xf32>
    %gt3A_22 = arith.constant 0.000000e+00 : f32
    %gt3A_23 = vector.broadcast %gt3A_22 : f32 to vector<8x32x1xf32>
    %gt3A_24 = arith.cmpf ogt, %div3A_15, %gt3A_23 : vector<8x32x1xf32>
    %and3A = vector.broadcast %gt3A_24 : vector<8x32x1xi1> to vector<8x32x32xi1>
    %and3A_25 = arith.andi %gt3A_21, %and3A : vector<8x32x32xi1>
    %gt3A_26 = arith.constant 0.000000e+00 : f32
    %gt3A_27 = vector.broadcast %gt3A_26 : f32 to vector<8x1x32xf32>
    %gt3A_28 = arith.cmpf ogt, %div3A_17, %gt3A_27 : vector<8x1x32xf32>
    %and3A_29 = vector.broadcast %gt3A_28 : vector<8x1x32xi1> to vector<8x32x32xi1>
    %and3A_30 = arith.andi %and3A_25, %and3A_29 : vector<8x32x32xi1>
    %jit3A = arith.constant 1.000000e+00 : f32
    %broadcast_in_dim3A_31 = vector.broadcast %jit3A : f32 to vector<8x32x32xf32>
    %select_n3A = arith.select %and3A_30, %mul3A_19, %broadcast_in_dim3A_31 : vector<8x32x32xi1>, vector<8x32x32xf32>
    %div3A_32 = arith.divf %div3A_13, %select_n3A : vector<8x32x32xf32>
    %jit3A_33 = arith.constant 1.000000e+00 : f32
    %broadcast_in_dim3A_34 = vector.broadcast %jit3A_33 : f32 to vector<8x32x32xf32>
    %select_n3A_35 = arith.select %and3A_30, %div3A_32, %broadcast_in_dim3A_34 : vector<8x32x32xi1>, vector<8x32x32xf32>
    %log3A = math.log %select_n3A_35 : vector<8x32x32xf32>
    %mul3A_36 = arith.mulf %div3A_13, %log3A : vector<8x32x32xf32>
    %jit3A_37 = arith.constant 0.000000e+00 : f32
    %broadcast_in_dim3A_38 = vector.broadcast %jit3A_37 : f32 to vector<8x32x32xf32>
    %select_n3A_39 = arith.select %and3A_30, %mul3A_36, %broadcast_in_dim3A_38 : vector<8x32x32xi1>, vector<8x32x32xf32>
    %reduce_sum3A_40 = vector.shape_cast %select_n3A_39 : vector<8x32x32xf32> to vector<1x8x32x32xf32>
    %reduce_sum3A_41 = arith.constant dense<0.000000e+00> : vector<1xf32>
    %reduce_sum3A_42 = vector.multi_reduction <add>, %reduce_sum3A_40, %reduce_sum3A_41 [1, 2, 3] : vector<1x8x32x32xf32> to vector<1xf32>
    %reduce_sum3A_43 = vector.shape_cast %reduce_sum3A_42 : vector<1xf32> to vector<1x1x1x1xf32>
    %reduce_sum3A_44 = vector.extract %reduce_sum3A_43[0, 0, 0, 0] : f32 from vector<1x1x1x1xf32>
    %neg3A = arith.constant 0.000000e+00 : f32
    %neg3A_45 = arith.subf %neg3A, %reduce_sum3A_44 : f32
    %div3A_46 = arith.constant 8.000000e+00 : f32
    %div3A_47 = arith.divf %neg3A_45, %div3A_46 : f32
    %swap3A = arith.constant 0 : index
    %swap3A_48 = arith.constant 0 : index
    %swap3A_49 = memref.load %arg1[%swap3A, %swap3A_48] : memref<1x1xf32, #tpu.memory_space<smem>>
    memref.store %div3A_47, %arg1[%swap3A, %swap3A_48] : memref<1x1xf32, #tpu.memory_space<smem>>
    return
  }
}

</mosaic_0001>

<sc_bundles>
// kernel: kernel.4.cloned.1.call-start
scs
__scs_entry_jumppad:
0x0: {  	(pc) =	sbr.rel $0x88, $3  }
0x1: {  	(tag) =	ssettag $0x0;
	lr =	simm.s32 $0x1  }
0x2: {  	[smem:$0x3F9F] =	sst lr;
	_ =	strace $0xD0000000  }
0x3: {  	_ = 	snop  }
0x4: {  	_ = 	snop  }
0x5: {  	_ = 	snop  }
0x6: {  	_ = 	snop  }
0x7: {  	_ = 	snop  }
__scs_overlays_trampoline_lowered:
0x8: {  	[smem:$0x3FAE] =	sst s0  }
0x9: {  	[smem:$0x3FAF] =	sst s1  }
0xa: {  	[smem:$0x3FB0] =	sst s2  }
0xb: {  	[smem:$0x3FB1] =	sst s3  }
0xc: {  	[smem:$0x3FB2] =	sst s4  }
0xd: {  	[smem:$0x3FB3] =	sst s5  }
0xe: {  	[smem:$0x3FB4] =	sst s6  }
0xf: {  	[smem:$0x3FB5] =	sst s7  }
0x10: {  	[smem:$0x3FB6] =	sst s8  }
0x11: {  	[smem:$0x3FB7] =	sst s9;
	s0 =	simm.s32 @!p0 $0x0  }
0x12: {  	s1 =	sld [smem:$0x3F9D];
	s0 =	simm.s32 @p0 $0x1  }
0x13: {  	[smem:$0x3FB8] =	sst s0;
	s0 =	simm.s32 @!p1 $0x0  }
0x14: {  	s2 =	sld [smem:$0x3F9C];
	s0 =	simm.s32 @p1 $0x1  }
0x15: {  	[smem:$0x3FB9] =	sst s0;
	s0 =	simm.s32 @!p2 $0x0  }
0x16: {  	s3 =	sld [smem:$0x3FDB];
	s0 =	simm.s32 @p2 $0x1  }
0x17: {  	s4 =	simm.s32 $0x1BF5;
	[smem:$0x3FBB] =	sst s0  }
0x18: {  	s0 =	sld [smem:$0x3F9E];
	_ =	swait.ge [sflag:s4], $0x0  }
0x19: {  	s7 =	sld [smem:$0x3F9F]  }
0x1a: {  	s8 =	sadd.s32 $0xFFFFE003, lr  }
0x1b: {  	s9 =	sadd.s32 $0xFFFFFEF7, lr;
	s5 =	simm.s32 $0xFFFFFFFF;
	p2 =	slt.u32 s8, $0xFFFFF086  }
0x1c: {  	p1 =	slt.u32 s9, $0xF7A;
	s5 =	simm.s32 @!p2 $0x0  }
0x1d: {  	s5 =	simm.s32 @p1 $0x1;
	p0 =	seq.s32 s7, s2  }
0x1e: {  	s7 =	smul.u32 @!p0 $0xF7A, s2;
	p2 =	seq.s32 @!p0 s5, $0x0  }
0x1f: {  	s9 =	smul.u32 $0xF7A, s1;
	s8 =	simm.s32 @!p0 $0x1BF5;
	p2 =	por !p2, p0  }
0x20: {  	[sflag:s8] =	ssyncset.s32 @!p0 $0xFFFFF086;
	s6 =	sadd.s32 @!p0 s3, s7;
	s7 =	simm.s32 @!p0 $0x108  }
0x21: {  	s3 =	sadd.s32 s3, s9;
	s6 =	sadd.s32 @!p0 $0x88, s6;
	s7 =	simm.s32 @p2 $0x1082  }
0x22: {  	[simem:s7], [sflag:s8] =	dma.local @!p0 [hbm:s6], $0xF7A  }
0x23: {  	s9 =	sor.u32 $0xD0000000, s2;
	s6 =	simm.s32 $0x108;
	_ =	swait.ge @!p0 [sflag:s8], $0x0  }
0x24: {  	s3 =	sadd.s32 $0x88, s3;
	s6 =	simm.s32 @!p1 $0x1082;
	[sflag:s4] =	ssyncset.s32 $0xFFFFF086  }
0x25: {  	[simem:s6], [sflag:s4] =	dma.local [hbm:s3], $0xF7A  }
0x26: {  	[smem:$0x3F9F] =	sst s1;
	(tag) =	ssettag s2;
	_ =	strace s9  }
0x27: {  	s1 =	sld [smem:$0x3FAF]  }
0x28: {  	s2 =	sld [smem:$0x3FB0]  }
0x29: {  	s4 =	sld [smem:$0x3FB2]  }
0x2a: {  	p0 =	seq.s32 s5, $0x0;
	s5 =	sld [smem:$0x3FB3]  }
0x2b: {  	s6 =	sld [smem:$0x3FB4]  }
0x2c: {  	s7 =	sld [smem:$0x3FB5]  }
0x2d: {  	s3 =	simm.s32 $0x108;
	s8 =	sld [smem:$0x3FB6]  }
0x2e: {  	s3 =	simm.s32 @!p0 $0x1082;
	s9 =	sld [smem:$0x3FB7]  }
0x2f: {  	lr =	sadd.s32 s0, s3;
	s0 =	sld [smem:$0x3FAE]  }
0x30: {  	s3 =	sld [smem:$0x3FB1]  }
0x31: {  	[smem:$0x3FBA] =	sst s10  }
0x32: {  	s10 =	sld [smem:$0x3FB8];
	_ =	sdelay $0x3  }
0x33: {  	p0 =	seq.s32 s10, $0x1;
	s10 =	sld [smem:$0x3FBA];
	_ =	sdelay $0x3  }
0x34: {  	[smem:$0x3FBA] =	sst s10  }
0x35: {  	s10 =	sld [smem:$0x3FB9];
	_ =	sdelay $0x3  }
0x36: {  	p1 =	seq.s32 s10, $0x1;
	s10 =	sld [smem:$0x3FBA];
	_ =	sdelay $0x3  }
0x37: {  	[smem:$0x3FBA] =	sst s10  }
0x38: {  	s10 =	sld [smem:$0x3FBB]  }
0x39: {  	_ = 	snop;
	(pc) =	sbr.ind lr, $3  }
0x3a: {  	_ = 	snop  }
0x3b: {  	_ = 	snop  }
0x3c: {  	p2 =	seq.s32 s10, $0x1;
	s10 =	sld [smem:$0x3FBA]  }
0x3d: {  	_ =	shalt  }
0x3e: {  	_ =	shalt  }
0x3f: {  	_ =	shalt  }
0x40: {  	_ =	shalt  }
0x41: {  	_ =	shalt  }
0x42: {  	_ =	shalt  }
0x43: {  	_ =	shalt  }
0x44: {  	_ =	shalt  }
0x45: {  	_ =	shalt  }
0x46: {  	_ =	shalt  }
0x47: {  	_ =	shalt  }
0x48: {  	_ =	shalt  }
0x49: {  	_ =	shalt  }
0x4a: {  	_ =	shalt  }
0x4b: {  	_ =	shalt  }
0x4c: {  	_ =	shalt  }
0x4d: {  	_ =	shalt  }
0x4e: {  	_ =	shalt  }
0x4f: {  	_ =	shalt  }
0x50: {  	_ =	shalt  }
0x51: {  	_ =	shalt  }
0x52: {  	_ =	shalt  }
0x53: {  	_ =	shalt  }
0x54: {  	_ =	shalt  }
0x55: {  	_ =	shalt  }
0x56: {  	_ =	shalt  }
0x57: {  	_ =	shalt  }
0x58: {  	_ =	shalt  }
0x59: {  	_ =	shalt  }
0x5a: {  	_ =	shalt  }
0x5b: {  	_ =	shalt  }
0x5c: {  	_ =	shalt  }
0x5d: {  	_ =	shalt  }
0x5e: {  	_ =	shalt  }
0x5f: {  	_ =	shalt  }
0x60: {  	_ =	shalt  }
0x61: {  	_ =	shalt  }
0x62: {  	_ =	shalt  }
0x63: {  	_ =	shalt  }
0x64: {  	_ =	shalt  }
0x65: {  	_ =	shalt  }
0x66: {  	_ =	shalt  }
0x67: {  	_ =	shalt  }
0x68: {  	_ =	shalt  }
0x69: {  	_ =	shalt  }
0x6a: {  	_ =	shalt  }
0x6b: {  	_ =	shalt  }
0x6c: {  	_ =	shalt  }
0x6d: {  	_ =	shalt  }
0x6e: {  	_ =	shalt  }
0x6f: {  	_ =	shalt  }
0x70: {  	_ =	shalt  }
0x71: {  	_ =	shalt  }
0x72: {  	_ =	shalt  }
0x73: {  	_ =	shalt  }
0x74: {  	_ =	shalt  }
0x75: {  	_ =	shalt  }
0x76: {  	_ =	shalt  }
0x77: {  	_ =	shalt  }
0x78: {  	_ =	shalt  }
0x79: {  	_ =	shalt  }
0x7a: {  	_ =	shalt  }
0x7b: {  	_ =	shalt  }
0x7c: {  	_ =	shalt  }
0x7d: {  	_ =	shalt  }
0x7e: {  	_ =	shalt  }
0x7f: {  	_ =	shalt  }
0x80: {  	_ =	shalt  }
0x81: {  	_ =	shalt  }
0x82: {  	_ =	shalt  }
0x83: {  	_ =	shalt  }
0x84: {  	_ =	shalt  }
0x85: {  	_ =	shalt  }
0x86: {  	_ =	shalt  }
0x87: {  	_ =	shalt  }
.Lfunc_end0:
.L_simem_size_0:
called_computation_lowered:
.L_overlay_start_0:
0x88: {  	s2 =	sld [smem:$0x3FD9]  }
0x89: {  	s3 =	sld [smem:$0x3FFE];
	_ =	sdelay $0x1  }
0x8a: {  	s1 =	srdreg.scid  }
0x8b: {  	s0 =	sand.u32 $0x1, s1  }
0x8c: {  	s17 =	sshll.u32 s0, $0xA;
	s2 =	sadd.s32 s3, s2  }
0x8d: {  	s2 =	sadd.s32 s2, s17  }
0x8e: {  	[smem:$0x3FC6] =	sst s2  }
0x8f: {  	_ = 	snop  }
0x90: {  	s2 =	sld [smem:$0x3FC9]  }
0x91: {  	s18 =	sld [smem:$0x3FC8];
	(tm) =	ssettm $0x1  }
0x92: {  	s4 =	sld [smem:$0x3FFB];
	_ =	sdelay $0x3  }
0x93: {  	_ =	strace s4  }
0x94: {  	s4 =	sld [smem:$0x3FFC];
	_ =	sdelay $0x3  }
0x95: {  	_ =	strace s4  }
0x96: {  	s4 =	sld [smem:$0x3FFD];
	_ =	sdelay $0x3  }
0x97: {  	_ =	strace s4  }
0x98: {  	_ =	strace $0x8FFFFFFF  }
0x99: {  	s19 =	sld [smem:$0x3FDB];
	_ =	sdelay $0x1  }
0x9a: {  	s5 =	simm.s32 $_scs_section_size  }
0x9b: {  	s6 =	simm.s32 $_size__tile_overlayer_lowered;
	s7 =	simm.s32 $_tile_overlayer_lowered  }
0x9c: {  	s22 =	simm.s32 $0x1BFF;
	s21 =	sshll.u32 s7, $0x1;
	s4 =	sadd.s32 s5, s19  }
0x9d: {  	s8 =	simm.s32 $0x0;
	s20 =	sshll.u32 s6, $0x1;
	s6 =	sadd.s32 s21, s4  }
0x9e: {  	[timem:s8], [sflag:s22] =	dma.local [hbm:s6], s20  }
0x9f: {  	_ =	swait.ge [sflag:s22], s20  }
0xa0: {  	s5 =	ssub.s32 $0x0, s20;
	[sflag:s22] =	ssyncset.done $0x0  }
0xa1: {  	[sflag:s22] =	ssyncadd.s32 s5;
	_ =	sdelay $0x1  }
0xa2: {  	s23 =	simm.s32 $0x1B8B  }
0xa3: {  	_ =	swait.ge [sflag:s23], $0x1  }
0xa4: {  	[sflag:s23] =	ssyncset.done $0x0  }
0xa5: {  	s25 =	simm.s32 $0x1B8E;
	s24 =	sld [smem:$0x3FFE];
	[sflag:s23] =	ssyncadd.s32 $0xFFFFFFFF  }
0xa6: {  	s26 =	simm.s32 $execute0_lowered;
	[smem:$0x3FD2] =	sst s25  }
0xa7: {  	s6 =	sshll.u32 s26, $0x1;
	_ =	strace $0x80000046;
	[dreg:$0x1] =	wrdreg $0xFFFFFFFF  }
0xa8: {  	s28 =	simm.s32 $_size_execute0_lowered;
	s4 =	sadd.s32 s4, s6;
	[dreg:$0x0] =	wrdreg $0x0  }
0xa9: {  	s6 =	sshll.u32 s28, $0x1;
	[dreg:$0x2] =	wrdreg s4  }
0xaa: {  	[dreg:$0x3] =	wrdreg s6  }
0xab: {  	[dreg:$0x4] =	wrdreg $0xC0  }
0xac: {  	_ =	task [dreg:s8], $0x5FFFF  }
0xad: {  	[dreg:$0x1] =	wrdreg $0xFFFFFFFF  }
0xae: {  	[dreg:$0x0] =	wrdreg $0x60  }
0xaf: {  	[dreg:$0x2] =	wrdreg s2  }
0xb0: {  	[dreg:$0x3] =	wrdreg s18  }
0xb1: {  	[dreg:$0x4] =	wrdreg s24  }
0xb2: {  	[dreg:$0x5] =	wrdreg $0x9  }
0xb3: {  	_ =	task.clear_ibuf [dreg:s8], $0x6FFFF;
	_ =	strace $0x90000046  }
0xb4: {  	s29 =	simm.s32 $0x9;
	_ =	strace $0x80000048  }
0xb5: {  	_ =	swait.ge [sflag:s29], $0x1  }
0xb6: {  	[sflag:s29] =	ssyncadd.s32 $0xFFFFFFFF  }
0xb7: {  	_ =	strace $0x90000048  }
0xb8: {  	_ =	sfence  }
0xb9: {  	s30 =	sld [smem:$0x0];
	_ =	sdelay $0x2  }
0xba: {  	s31 =	sshll.u32 s1, $0xD;
	s1 =	sshrl.u32 s1, $0x2  }
0xbb: {  	s3 =	sand.u32 $0x4000, s31;
	s1 =	sadd.s32 s1, s30  }
0xbc: {  	s0 =	sor.u32 s3, s0;
	s1 =	sshll.u32 s1, $0x11  }
0xbd: {  	s0 =	sor.u32 s1, s0  }
0xbe: {  	s0 =	sadd.s32 $0x8F2B, s0  }
0xbf: {  	[sflag:s0] =	ssyncadd.remote.s32 $0x1  }
0xc0: {  	_ =	sfence.sel $0xFFFF  }
0xc1: {  	[dreg:$0x0] =	wrdreg $0xFFFFFFFF;
	(pc) =	sbr.abs _section_cstart, $3  }
0xc2: {  	[dreg:$0x1] =	wrdreg $0xFFFFFFFF  }
0xc3: {  	_ =	task.clear_ibuf [dreg:s8], $0x2FFFF;
	_ =	strace $0x9FFFFFFF  }
0xc4: {  	(tm) =	ssettm $0x7FFFFFFF  }
0xc5: {  	_ =	shalt  }
tec
execute0_lowered:
.L_overlay_start_1:
0x0: {  	(tag) =	ssettag $0x1  }
0x1: {  	s0 =	rddreg [dreg:$0x0]  }
0x2: {  	s18 =	rddreg [dreg:$0x1]  }
0x3: {  	s3 =	rddreg [dreg:$0x2];
	s1 =	srdreg.scid  }
0x4: {  	s2 =	simm.s32 $0x0;
	s25 =	stileid.u32;
	s22 =	simm.s32 $0x1  }
0x5: {  	s23 =	simm.s32 $0x2;
	s24 =	simm.s32 $0x2000;
	s28 =	simm.s32 $0x3  }
0x6: {  	s29 =	simm.s32 $0x0;
	s4 =	sand.u32 $0x1, s1;
	[smem:$0x7FF] =	sst s2  }
0x7: {  	s5 =	sshll.u32 s4, $0x4;
	s4 =	ssub.s32 $0x2, s4;
	_ =	strace $0x80000047  }
0x8: {  	s5 =	sor.u32 s25, s5;
	s7 =	sshrl.u32 s4, $0x1;
	s25 =	simm.s32 $0x6000  }
0x9: {  	s6 =	sshll.u32 s5, $0xC;
	s20 =	ssub.s32 s4, s7;
	s17 =	sshll.u32 s5, $0xA  }
0xa: {  	s19 =	sadd.s32 s6, s3;
	s26 =	sadd.s32 s0, s17;
	s30 =	sadd.s32 s18, s17  }
0xb: {  	s31 =	sor.u32 $0x8000, s17;
	s8 =	sor.u32 $0x10000, s17;
	s10 =	sor.u32 $0x18000, s17  }
0xc: {  	s12 =	sor.u32 $0x20000, s17;
	s14 =	sor.u32 $0x28000, s17;
	s16 =	sor.u32 $0x30000, s17  }
0xd: {  	s21 =	sor.u32 $0x38000, s17;
	s20 =	smax.u32 s20, $0x1;
	[dreg:$0x4] =	wrdreg s26  }
0xe: {  	[dreg:$0x5] =	wrdreg s30;
	s5 =	sadd.s32 s0, s31;
	s6 =	sadd.s32 s18, s31  }
0xf: {  	s7 =	sadd.s32 s0, s8;
	s8 =	sadd.s32 s18, s8;
	s9 =	sadd.s32 s0, s10  }
0x10: {  	s10 =	sadd.s32 s18, s10;
	s11 =	sadd.s32 s0, s12;
	s12 =	sadd.s32 s18, s12  }
0x11: {  	s13 =	sadd.s32 s0, s14;
	s14 =	sadd.s32 s18, s14;
	s15 =	sadd.s32 s0, s16  }
0x12: {  	s16 =	sadd.s32 s18, s16;
	s17 =	sadd.s32 s0, s21;
	s18 =	sadd.s32 s18, s21  }
0x13: {  	v0 =	vimm.f32 $0.0e+00;
	v1 =	vimm.f32 $1.000000000e+00;
	s19 =	sadd.s32 $0x600, s19;
	s21 =	simm.s32 $0x4000;
	s26 =	simm.s32 $0x8000  }
.LBB2_1:
0x14: {  	s0 =	simm.s32 $0x8100  }
0x15: {  	[tilespmem:s0+$0xFFFFFF00] =	vst v0  }
0x16: {  	[tilespmem:s0+$0x90] =	vst v0  }
0x17: {  	[tilespmem:s0+$0x80] =	vst v0  }
0x18: {  	[tilespmem:s0+$0x10] =	vst v0  }
0x19: {  	[tilespmem:s0+$0x0] =	vst v0  }
0x1a: {  	[tilespmem:s0+$0xFFFFFF90] =	vst v0  }
0x1b: {  	s31 =	simm.s32 $0x0;
	[tilespmem:s0+$0xFFFFFF80] =	vst v0  }
.LBB2_2:
0x1c: {  	s31 =	sadd.s32 $0x8, s31;
	[tilespmem:s0+$0xFFFFFF10] =	vst v0;
	s0 =	sadd.s32 $0x200, s0;
	s30 =	simm.s32 $0x9190  }
0x1d: {  	[tilespmem:s0+$0xFFFFFF00] =	vst v0;
	p0 =	slt.u32 s31, $0x38  }
0x1e: {  	[tilespmem:s0+$0x90] =	vst v0  }
.Ltmp0:
0x1f: {  	[tilespmem:s0+$0x80] =	vst v0;
	(pc) =	sbr.rel @p0 .LBB2_2-.Ltmp0, $4  }
0x20: {  	[tilespmem:s0+$0x10] =	vst v0  }
0x21: {  	[tilespmem:s0+$0x0] =	vst v0  }
0x22: {  	[tilespmem:s0+$0xFFFFFF90] =	vst v0  }
0x23: {  	[tilespmem:s0+$0xFFFFFF80] =	vst v0  }
0x24: {  	[tilespmem:s0+$0xFFFFFF10] =	vst v0  }
0x25: {  	[tilespmem:s30+$0xFFFFFE70] =	vst v0  }
0x26: {  	[tilespmem:s30+$0x0] =	vst v0  }
0x27: {  	[tilespmem:s30+$0xFFFFFFF0] =	vst v0  }
0x28: {  	[tilespmem:s30+$0xFFFFFF80] =	vst v0  }
0x29: {  	[tilespmem:s30+$0xFFFFFF70] =	vst v0  }
0x2a: {  	[tilespmem:s30+$0xFFFFFF00] =	vst v0  }
0x2b: {  	s31 =	simm.s32 $0x0;
	s0 =	simm.s32 $0xA190;
	[tilespmem:s30+$0xFFFFFEF0] =	vst v0  }
.LBB2_4:
0x2c: {  	s31 =	sadd.s32 $0x8, s31;
	[tilespmem:s30+$0xFFFFFE80] =	vst v0;
	s30 =	sadd.s32 $0x200, s30  }
0x2d: {  	[tilespmem:s30+$0xFFFFFE70] =	vst v0;
	p0 =	slt.u32 s31, $0x38  }
0x2e: {  	[tilespmem:s30+$0x0] =	vst v0  }
.Ltmp1:
0x2f: {  	[tilespmem:s30+$0xFFFFFFF0] =	vst v0;
	(pc) =	sbr.rel @p0 .LBB2_4-.Ltmp1, $4  }
0x30: {  	[tilespmem:s30+$0xFFFFFF80] =	vst v0  }
0x31: {  	[tilespmem:s30+$0xFFFFFF70] =	vst v0  }
0x32: {  	[tilespmem:s30+$0xFFFFFF00] =	vst v0  }
0x33: {  	[tilespmem:s30+$0xFFFFFEF0] =	vst v0  }
0x34: {  	[tilespmem:s30+$0xFFFFFE80] =	vst v0  }
0x35: {  	[tilespmem:s0+$0xFFFFFE70] =	vst v0  }
0x36: {  	[tilespmem:s0+$0x0] =	vst v0  }
0x37: {  	[tilespmem:s0+$0xFFFFFFF0] =	vst v0  }
0x38: {  	[tilespmem:s0+$0xFFFFFF80] =	vst v0  }
0x39: {  	[tilespmem:s0+$0xFFFFFF70] =	vst v0  }
0x3a: {  	[tilespmem:s0+$0xFFFFFF00] =	vst v0  }
0x3b: {  	s31 =	simm.s32 $0x0;
	[tilespmem:s0+$0xFFFFFEF0] =	vst v0  }
.LBB2_6:
0x3c: {  	s31 =	sadd.s32 $0x8, s31;
	[tilespmem:s0+$0xFFFFFE80] =	vst v0;
	s0 =	sadd.s32 $0x200, s0;
	s30 =	simm.s32 $0xB190  }
0x3d: {  	[tilespmem:s0+$0xFFFFFE70] =	vst v0;
	p0 =	slt.u32 s31, $0x38  }
0x3e: {  	[tilespmem:s0+$0x0] =	vst v0  }
.Ltmp2:
0x3f: {  	[tilespmem:s0+$0xFFFFFFF0] =	vst v0;
	(pc) =	sbr.rel @p0 .LBB2_6-.Ltmp2, $4  }
0x40: {  	[tilespmem:s0+$0xFFFFFF80] =	vst v0  }
0x41: {  	[tilespmem:s0+$0xFFFFFF70] =	vst v0  }
0x42: {  	[tilespmem:s0+$0xFFFFFF00] =	vst v0  }
0x43: {  	[tilespmem:s0+$0xFFFFFEF0] =	vst v0  }
0x44: {  	[tilespmem:s0+$0xFFFFFE80] =	vst v0  }
0x45: {  	[tilespmem:s30+$0xFFFFFE70] =	vst v0  }
0x46: {  	[tilespmem:s30+$0x0] =	vst v0  }
0x47: {  	[tilespmem:s30+$0xFFFFFFF0] =	vst v0  }
0x48: {  	[tilespmem:s30+$0xFFFFFF80] =	vst v0  }
0x49: {  	[tilespmem:s30+$0xFFFFFF70] =	vst v0  }
0x4a: {  	[tilespmem:s30+$0xFFFFFF00] =	vst v0  }
0x4b: {  	s31 =	simm.s32 $0x0;
	s0 =	simm.s32 $0xC190;
	[tilespmem:s30+$0xFFFFFEF0] =	vst v0  }
.LBB2_8:
0x4c: {  	s31 =	sadd.s32 $0x8, s31;
	[tilespmem:s30+$0xFFFFFE80] =	vst v0;
	s30 =	sadd.s32 $0x200, s30  }
0x4d: {  	[tilespmem:s30+$0xFFFFFE70] =	vst v0;
	p0 =	slt.u32 s31, $0x38  }
0x4e: {  	[tilespmem:s30+$0x0] =	vst v0  }
.Ltmp3:
0x4f: {  	[tilespmem:s30+$0xFFFFFFF0] =	vst v0;
	(pc) =	sbr.rel @p0 .LBB2_8-.Ltmp3, $4  }
0x50: {  	[tilespmem:s30+$0xFFFFFF80] =	vst v0  }
0x51: {  	[tilespmem:s30+$0xFFFFFF70] =	vst v0  }
0x52: {  	[tilespmem:s30+$0xFFFFFF00] =	vst v0  }
0x53: {  	[tilespmem:s30+$0xFFFFFEF0] =	vst v0  }
0x54: {  	[tilespmem:s30+$0xFFFFFE80] =	vst v0  }
0x55: {  	[tilespmem:s0+$0xFFFFFE70] =	vst v0  }
0x56: {  	[tilespmem:s0+$0x0] =	vst v0  }
0x57: {  	[tilespmem:s0+$0xFFFFFFF0] =	vst v0  }
0x58: {  	[tilespmem:s0+$0xFFFFFF80] =	vst v0  }
0x59: {  	[tilespmem:s0+$0xFFFFFF70] =	vst v0  }
0x5a: {  	[tilespmem:s0+$0xFFFFFF00] =	vst v0  }
0x5b: {  	s31 =	simm.s32 $0x0;
	[tilespmem:s0+$0xFFFFFEF0] =	vst v0  }
.LBB2_10:
0x5c: {  	s31 =	sadd.s32 $0x8, s31;
	[tilespmem:s0+$0xFFFFFE80] =	vst v0;
	s0 =	sadd.s32 $0x200, s0;
	s30 =	simm.s32 $0xD190  }
0x5d: {  	[tilespmem:s0+$0xFFFFFE70] =	vst v0;
	p0 =	slt.u32 s31, $0x38  }
0x5e: {  	[tilespmem:s0+$0x0] =	vst v0  }
.Ltmp4:
0x5f: {  	[tilespmem:s0+$0xFFFFFFF0] =	vst v0;
	(pc) =	sbr.rel @p0 .LBB2_10-.Ltmp4, $4  }
0x60: {  	[tilespmem:s0+$0xFFFFFF80] =	vst v0  }
0x61: {  	[tilespmem:s0+$0xFFFFFF70] =	vst v0  }
0x62: {  	[tilespmem:s0+$0xFFFFFF00] =	vst v0  }
0x63: {  	[tilespmem:s0+$0xFFFFFEF0] =	vst v0  }
0x64: {  	[tilespmem:s0+$0xFFFFFE80] =	vst v0  }
0x65: {  	[tilespmem:s30+$0xFFFFFE70] =	vst v0  }
0x66: {  	[tilespmem:s30+$0x0] =	vst v0  }
0x67: {  	[tilespmem:s30+$0xFFFFFFF0] =	vst v0  }
0x68: {  	[tilespmem:s30+$0xFFFFFF80] =	vst v0  }
0x69: {  	[tilespmem:s30+$0xFFFFFF70] =	vst v0  }
0x6a: {  	[tilespmem:s30+$0xFFFFFF00] =	vst v0  }
0x6b: {  	s31 =	simm.s32 $0x0;
	s0 =	simm.s32 $0xE190;
	[tilespmem:s30+$0xFFFFFEF0] =	vst v0  }
.LBB2_12:
0x6c: {  	s31 =	sadd.s32 $0x8, s31;
	[tilespmem:s30+$0xFFFFFE80] =	vst v0;
	s30 =	sadd.s32 $0x200, s30  }
0x6d: {  	[tilespmem:s30+$0xFFFFFE70] =	vst v0;
	p0 =	slt.u32 s31, $0x38  }
0x6e: {  	[tilespmem:s30+$0x0] =	vst v0  }
.Ltmp5:
0x6f: {  	[tilespmem:s30+$0xFFFFFFF0] =	vst v0;
	(pc) =	sbr.rel @p0 .LBB2_12-.Ltmp5, $4  }
0x70: {  	[tilespmem:s30+$0xFFFFFF80] =	vst v0  }
0x71: {  	[tilespmem:s30+$0xFFFFFF70] =	vst v0  }
0x72: {  	[tilespmem:s30+$0xFFFFFF00] =	vst v0  }
0x73: {  	[tilespmem:s30+$0xFFFFFEF0] =	vst v0  }
0x74: {  	[tilespmem:s30+$0xFFFFFE80] =	vst v0  }
0x75: {  	[tilespmem:s0+$0xFFFFFE70] =	vst v0  }
0x76: {  	[tilespmem:s0+$0x0] =	vst v0  }
0x77: {  	[tilespmem:s0+$0xFFFFFFF0] =	vst v0  }
0x78: {  	[tilespmem:s0+$0xFFFFFF80] =	vst v0  }
0x79: {  	[tilespmem:s0+$0xFFFFFF70] =	vst v0  }
0x7a: {  	[tilespmem:s0+$0xFFFFFF00] =	vst v0  }
0x7b: {  	s31 =	simm.s32 $0x0;
	[tilespmem:s0+$0xFFFFFEF0] =	vst v0  }
.LBB2_14:
0x7c: {  	s31 =	sadd.s32 $0x8, s31;
	[tilespmem:s0+$0xFFFFFE80] =	vst v0;
	s0 =	sadd.s32 $0x200, s0;
	s30 =	simm.s32 $0xF190  }
0x7d: {  	[tilespmem:s0+$0xFFFFFE70] =	vst v0;
	p0 =	slt.u32 s31, $0x38  }
0x7e: {  	[tilespmem:s0+$0x0] =	vst v0  }
.Ltmp6:
0x7f: {  	[tilespmem:s0+$0xFFFFFFF0] =	vst v0;
	(pc) =	sbr.rel @p0 .LBB2_14-.Ltmp6, $4  }
0x80: {  	[tilespmem:s0+$0xFFFFFF80] =	vst v0  }
0x81: {  	[tilespmem:s0+$0xFFFFFF70] =	vst v0  }
0x82: {  	[tilespmem:s0+$0xFFFFFF00] =	vst v0  }
0x83: {  	[tilespmem:s0+$0xFFFFFEF0] =	vst v0  }
0x84: {  	[tilespmem:s0+$0xFFFFFE80] =	vst v0  }
0x85: {  	[tilespmem:s30+$0xFFFFFE70] =	vst v0  }
0x86: {  	[tilespmem:s30+$0x0] =	vst v0  }
0x87: {  	[tilespmem:s30+$0xFFFFFFF0] =	vst v0  }
0x88: {  	[tilespmem:s30+$0xFFFFFF80] =	vst v0  }
0x89: {  	[tilespmem:s30+$0xFFFFFF70] =	vst v0  }
0x8a: {  	[tilespmem:s30+$0xFFFFFF00] =	vst v0  }
0x8b: {  	s0 =	simm.s32 $0x0;
	[tilespmem:s30+$0xFFFFFEF0] =	vst v0  }
.LBB2_16:
0x8c: {  	s0 =	sadd.s32 $0x8, s0;
	[tilespmem:s30+$0xFFFFFE80] =	vst v0;
	s30 =	sadd.s32 $0x200, s30  }
0x8d: {  	[tilespmem:s30+$0xFFFFFE70] =	vst v0;
	p0 =	slt.u32 s0, $0x38  }
0x8e: {  	[tilespmem:s30+$0x0] =	vst v0  }
.Ltmp7:
0x8f: {  	[tilespmem:s30+$0xFFFFFFF0] =	vst v0;
	(pc) =	sbr.rel @p0 .LBB2_16-.Ltmp7, $4  }
0x90: {  	[tilespmem:s30+$0xFFFFFF80] =	vst v0  }
0x91: {  	[tilespmem:s30+$0xFFFFFF70] =	vst v0  }
0x92: {  	[tilespmem:s30+$0xFFFFFF00] =	vst v0  }
0x93: {  	[tilespmem:s30+$0xFFFFFEF0] =	vst v0  }
0x94: {  	[tilespmem:s30+$0xFFFFFE80] =	vst v0  }
0x95: {  	s30 =	simm.s32 $0x0;
	s0 =	rddreg [dreg:$0x4]  }
0x96: {  	[tilespmem:s30], [sflag:$0x1] =	stream.linear.gather [hbm4b:s0+s30], $0x2000, $0x38;
	[tilespmem:$0x10000] =	vst v63  }
0x97: {  	s3 =	rddreg [dreg:$0x5]  }
0x98: {  	[tilespmem:s21], [sflag:$0x2] =	stream.linear.gather [hbm4b:s3+s30], $0x2000, $0x38;
	[tilespmem:$0x10000] =	vst v63  }
0x99: {  	_ =	swait.ge [sflag:s22], $0x2000  }
0x9a: {  	[sflag:s22] =	ssyncset.done $0x0  }
0x9b: {  	s4 =	simm.s32 $0x0;
	s1 =	simm.s32 $0x0;
	[sflag:s22] =	ssyncadd.s32 $0xFFFFE000  }
0x9c: {  	s31 =	sand.u32 $0xC00, s30;
	s0 =	sand.u32 $0x1000, s4;
	_ =	swait.ge [sflag:s23], $0x2000  }
0x9d: {  	s1 =	sand.u32 $0x380, s1;
	s0 =	sor.u32 s31, s0;
	[sflag:s23] =	ssyncset.done $0x0  }
0x9e: {  	s31 =	sand.u32 $0x40, s30;
	s0 =	sor.u32 s1, s0;
	[sflag:s23] =	ssyncadd.s32 $0xFFFFE000  }
0x9f: {  	[tilespmem:s24], [sflag:$0x1] =	stream.linear.gather [hbm4b:s5+s30], $0x2000, $0x38;
	[tilespmem:$0x10000] =	vst v63  }
0xa0: {  	s0 =	sor.u32 s31, s0  }
0xa1: {  	[tilespmem:s25], [sflag:$0x2] =	stream.linear.gather [hbm4b:s6+s30], $0x2000, $0x38;
	[tilespmem:$0x10000] =	vst v63  }
0xa2: {  	v2 =	vld [tilespmem:s0+$0x30]  }
0xa3: {  	v3 =	vld [tilespmem:s0+$0x4030]  }
0xa4: {  	v4 =	vld [tilespmem:s0+$0x0]  }
0xa5: {  	v5 =	vld [tilespmem:s0+$0x4000]  }
0xa6: {  	v6 =	vld [tilespmem:s0+$0x10]  }
0xa7: {  	v8 =	vld [tilespmem:s0+$0x20]  }
0xa8: {  	v7 =	vld [tilespmem:s0+$0x4010]  }
0xa9: {  	v2 =	vmul.f32 $1.600000000e+01, v2;
	v3 =	vmul.f32 $1.600000000e+01, v3  }
0xaa: {  	v4 =	vmul.f32 $1.600000000e+01, v4  }
0xab: {  	v9 =	vld [tilespmem:s0+$0x4020];
	v5 =	vmul.f32 $1.600000000e+01, v5;
	v10 =	vadd.f32 $1.600000000e+01, v2;
	v3 =	vadd.f32 $1.600000000e+01, v3  }
0xac: {  	v8 =	vmul.f32 $1.600000000e+01, v8;
	v2 =	vadd.f32 $1.600000000e+01, v4;
	v4 =	vmul.f32 $1.600000000e+01, v6  }
0xad: {  	v6 =	vmul.f32 $1.600000000e+01, v7;
	v7 =	vmin.f32 v10, $3.100000000e+01;
	v11 =	vmin.f32 v3, $3.100000000e+01  }
0xae: {  	v7 =	vtrunc.f32 v7;
	v11 =	vtrunc.f32 v11  }
0xaf: {  	v5 =	vadd.f32 $1.600000000e+01, v5;
	v7 =	vcvt.f32.s32 v7;
	v11 =	vcvt.f32.s32 v11  }
0xb0: {  	v9 =	vmul.f32 $1.600000000e+01, v9;
	v4 =	vadd.f32 $1.600000000e+01, v4;
	v6 =	vadd.f32 $1.600000000e+01, v6  }
0xb1: {  	v3 =	vmax.u32 v10, v3;
	v10 =	vand.u32 $0xFFFFFF80, v11;
	v7 =	vshll.u32 v7, $0x7  }
0xb2: {  	vm0 =	vlt.u32 v3, $0x42000001;
	v3 =	vand.u32 $0x7F, v11;
	v10 =	vadd.s32 v7, v10  }
0xb3: {  	s31 =	simm.s32 $0x0;
	s0 =	simm.s32 $0x0;
	v7 =	vadd.f32 $1.600000000e+01, v8;
	v8 =	vadd.f32 $1.600000000e+01, v9;
	v3 =	vor.u32 v3, v10  }
.LBB2_18:
0xb4: {  	s0 =	sadd.s32 $0x4, s0;
	v9 =	vmin.f32 v2, $3.100000000e+01;
	v10 =	vmin.f32 v5, $3.100000000e+01;
	v11 =	vmin.f32 v4, $3.100000000e+01  }
0xb5: {  	v12 =	vmin.f32 v6, $3.100000000e+01;
	s30 =	sadd.s32 $0x200, s30;
	s1 =	sshll.u32 s0, $0x4;
	p0 =	slt.u32 s0, $0x1FC;
	v13 =	vmin.f32 v7, $3.100000000e+01;
	v14 =	vmin.f32 v8, $3.100000000e+01  }
0xb6: {  	v2 =	vmax.u32 v2, v5;
	s2 =	sand.u32 $0xC00, s30;
	s3 =	sshll.u32 s0, $0x2;
	v5 =	vtrunc.f32 v9;
	v9 =	vtrunc.f32 v10;
	s1 =	sand.u32 $0x1000, s1  }
0xb7: {  	v4 =	vmax.u32 v4, v6;
	s31 =	sadd.s32 $0x40, s31;
	v6 =	vtrunc.f32 v11;
	v10 =	vtrunc.f32 v12;
	s1 =	sor.u32 s2, s1;
	s2 =	sand.u32 $0x380, s3  }
0xb8: {  	v7 =	vmax.u32 v7, v8;
	v8 =	vtrunc.f32 v13;
	v11 =	vtrunc.f32 v14;
	s3 =	sand.u32 $0x40, s31;
	s1 =	sor.u32 s2, s1;
	[tilespmem:v3+s26+$0x0] =	vst.idx.add.f32.msk vm0, v1  }
0xb9: {  	vm0 =	vlt.u32 v2, $0x42000001;
	v2 =	vcvt.f32.s32 v5;
	v3 =	vcvt.f32.s32 v9;
	s1 =	sor.u32 s3, s1  }
0xba: {  	vm1 =	vlt.u32 v4, $0x42000001;
	v4 =	vcvt.f32.s32 v6;
	v6 =	vcvt.f32.s32 v10;
	v5 =	vld [tilespmem:s1+$0x30]  }
0xbb: {  	v8 =	vcvt.f32.s32 v8;
	v11 =	vcvt.f32.s32 v11;
	v10 =	vand.u32 $0xFFFFFF80, v3;
	v9 =	vld [tilespmem:s1+$0x4030]  }
0xbc: {  	v13 =	vand.u32 $0xFFFFFF80, v6;
	v4 =	vshll.u32 v4, $0x7;
	v2 =	vshll.u32 v2, $0x7;
	v12 =	vld [tilespmem:s1+$0x0]  }
0xbd: {  	v8 =	vshll.u32 v8, $0x7;
	v2 =	vadd.s32 v2, v10;
	v10 =	vand.u32 $0xFFFFFF80, v11;
	v14 =	vld [tilespmem:s1+$0x4000]  }
0xbe: {  	v4 =	vadd.s32 v4, v13;
	v3 =	vand.u32 $0x7F, v3;
	v8 =	vadd.s32 v8, v10;
	v15 =	vld [tilespmem:s1+$0x10]  }
0xbf: {  	v3 =	vor.u32 v3, v2;
	v2 =	vand.u32 $0x7F, v6;
	v6 =	vand.u32 $0x7F, v11;
	v10 =	vld [tilespmem:s1+$0x4010]  }
0xc0: {  	v4 =	vor.u32 v2, v4;
	v5 =	vmul.f32 $1.600000000e+01, v5;
	v11 =	vld [tilespmem:s1+$0x20];
	v9 =	vmul.f32 $1.600000000e+01, v9  }
0xc1: {  	vm2 =	vlt.u32 v7, $0x42000001;
	v7 =	vor.u32 v6, v8;
	v2 =	vmul.f32 $1.600000000e+01, v12;
	v12 =	vld [tilespmem:s1+$0x4020]  }
0xc2: {  	v8 =	vadd.f32 $1.600000000e+01, v5;
	v6 =	vmul.f32 $1.600000000e+01, v14;
	v9 =	vadd.f32 $1.600000000e+01, v9  }
0xc3: {  	v2 =	vadd.f32 $1.600000000e+01, v2;
	v13 =	vmul.f32 $1.600000000e+01, v15  }
0xc4: {  	v14 =	vmin.f32 v8, $3.100000000e+01;
	v10 =	vmul.f32 $1.600000000e+01, v10;
	v15 =	vmin.f32 v9, $3.100000000e+01;
	[tilespmem:v3+s26+$0x0] =	vst.idx.add.f32.msk vm0, v1  }
0xc5: {  	v5 =	vadd.f32 $1.600000000e+01, v6;
	v3 =	vtrunc.f32 v14;
	v6 =	vtrunc.f32 v15;
	[tilespmem:v4+s26+$0x0] =	vst.idx.add.f32.msk vm1, v1  }
.Ltmp8:
0xc6: {  	v4 =	vadd.f32 $1.600000000e+01, v13;
	v3 =	vcvt.f32.s32 v3;
	v13 =	vcvt.f32.s32 v6;
	(pc) =	sbr.rel @p0 .LBB2_18-.Ltmp8, $4  }
0xc7: {  	v6 =	vadd.f32 $1.600000000e+01, v10;
	v10 =	vmul.f32 $1.600000000e+01, v11;
	v11 =	vmul.f32 $1.600000000e+01, v12;
	[tilespmem:v7+s26+$0x0] =	vst.idx.add.f32.msk vm2, v1  }
0xc8: {  	v7 =	vmax.u32 v8, v9;
	v3 =	vshll.u32 v3, $0x7;
	v8 =	vand.u32 $0xFFFFFF80, v13  }
0xc9: {  	vm0 =	vlt.u32 v7, $0x42000001;
	v9 =	vand.u32 $0x7F, v13;
	v3 =	vadd.s32 v3, v8  }
0xca: {  	v7 =	vadd.f32 $1.600000000e+01, v10;
	v8 =	vadd.f32 $1.600000000e+01, v11;
	v3 =	vor.u32 v9, v3  }
0xcb: {  	v9 =	vmin.f32 v2, $3.100000000e+01;
	v10 =	vmin.f32 v5, $3.100000000e+01  }
0xcc: {  	v11 =	vmin.f32 v4, $3.100000000e+01;
	v12 =	vmin.f32 v6, $3.100000000e+01;
	v2 =	vmax.u32 v2, v5  }
0xcd: {  	v4 =	vmax.u32 v4, v6;
	v13 =	vmin.f32 v7, $3.100000000e+01;
	v5 =	vtrunc.f32 v9  }
0xce: {  	v14 =	vmin.f32 v8, $3.100000000e+01;
	v9 =	vtrunc.f32 v10;
	v6 =	vtrunc.f32 v11  }
0xcf: {  	v10 =	vtrunc.f32 v12;
	v7 =	vmax.u32 v7, v8;
	v8 =	vtrunc.f32 v13  }
0xd0: {  	vm1 =	vlt.u32 v2, $0x42000001;
	v11 =	vtrunc.f32 v14;
	v2 =	vcvt.f32.s32 v9  }
0xd1: {  	vm2 =	vlt.u32 v4, $0x42000001;
	v5 =	vcvt.f32.s32 v5;
	v4 =	vcvt.f32.s32 v10  }
0xd2: {  	v6 =	vcvt.f32.s32 v6;
	vm3 =	vlt.u32 v7, $0x42000001;
	v10 =	vcvt.f32.s32 v11  }
0xd3: {  	v8 =	vcvt.f32.s32 v8;
	v9 =	vand.u32 $0xFFFFFF80, v2;
	v5 =	vshll.u32 v5, $0x7  }
0xd4: {  	v11 =	vand.u32 $0xFFFFFF80, v4;
	v6 =	vshll.u32 v6, $0x7;
	v2 =	vand.u32 $0x7F, v2  }
0xd5: {  	v4 =	vand.u32 $0x7F, v4;
	v5 =	vadd.s32 v5, v9;
	v9 =	vand.u32 $0xFFFFFF80, v10  }
0xd6: {  	v8 =	vshll.u32 v8, $0x7;
	v6 =	vadd.s32 v6, v11;
	v2 =	vor.u32 v2, v5  }
0xd7: {  	v8 =	vadd.s32 v8, v9;
	v5 =	vand.u32 $0x7F, v10;
	v4 =	vor.u32 v4, v6  }
0xd8: {  	v5 =	vor.u32 v5, v8;
	_ =	sdelay $0x1  }
0xd9: {  	[tilespmem:v3+s26+$0x0] =	vst.idx.add.f32.msk vm0, v1  }
0xda: {  	[tilespmem:v2+s26+$0x0] =	vst.idx.add.f32.msk vm1, v1  }
0xdb: {  	[tilespmem:v4+s26+$0x0] =	vst.idx.add.f32.msk vm2, v1  }
0xdc: {  	[tilespmem:v5+s26+$0x0] =	vst.idx.add.f32.msk vm3, v1  }
0xdd: {  	_ =	swait.ge [sflag:s22], $0x2000  }
0xde: {  	s30 =	simm.s32 $0x0;
	[sflag:s22] =	ssyncset.done $0x0  }
0xdf: {  	s1 =	simm.s32 $0x0;
	s3 =	simm.s32 $0x0;
	[sflag:s22] =	ssyncadd.s32 $0xFFFFE000  }
0xe0: {  	s0 =	sand.u32 $0x40, s30;
	s2 =	sand.u32 $0xC00, s30;
	_ =	swait.ge [sflag:s23], $0x2000  }
0xe1: {  	s1 =	sand.u32 $0x1000, s1;
	s0 =	sor.u32 s2, s0;
	[sflag:s23] =	ssyncset.done $0x0  }
0xe2: {  	s4 =	sand.u32 $0x380, s3;
	s0 =	sor.u32 s1, s0;
	[sflag:s23] =	ssyncadd.s32 $0xFFFFE000  }
0xe3: {  	[tilespmem:s30], [sflag:$0x1] =	stream.linear.gather [hbm4b:s7+s30], $0x2000, $0x38;
	[tilespmem:$0x10000] =	vst v63  }
0xe4: {  	s0 =	sor.u32 s4, s0  }
0xe5: {  	[tilespmem:s21], [sflag:$0x2] =	stream.linear.gather [hbm4b:s8+s30], $0x2000, $0x38;
	[tilespmem:$0x10000] =	vst v63  }
0xe6: {  	v2 =	vld [tilespmem:s0+$0x2030]  }
0xe7: {  	v3 =	vld [tilespmem:s0+$0x6030]  }
0xe8: {  	v4 =	vld [tilespmem:s0+$0x2000]  }
0xe9: {  	v5 =	vld [tilespmem:s0+$0x6000]  }
0xea: {  	v6 =	vld [tilespmem:s0+$0x2010]  }
0xeb: {  	v7 =	vld [tilespmem:s0+$0x6010]  }
0xec: {  	v2 =	vmul.f32 $1.600000000e+01, v2;
	v3 =	vmul.f32 $1.600000000e+01, v3  }
0xed: {  	v4 =	vmul.f32 $1.600000000e+01, v4  }
0xee: {  	v8 =	vld [tilespmem:s0+$0x2020];
	v10 =	vadd.f32 $1.600000000e+01, v2;
	v11 =	vadd.f32 $1.600000000e+01, v3  }
0xef: {  	v3 =	vmul.f32 $1.600000000e+01, v5;
	v2 =	vadd.f32 $1.600000000e+01, v4;
	v4 =	vmul.f32 $1.600000000e+01, v6  }
0xf0: {  	v9 =	vld [tilespmem:s0+$0x6020];
	v6 =	vmul.f32 $1.600000000e+01, v7;
	v7 =	vmin.f32 v10, $3.100000000e+01;
	v12 =	vmin.f32 v11, $3.100000000e+01  }
0xf1: {  	v5 =	vadd.f32 $1.600000000e+01, v3;
	v7 =	vtrunc.f32 v7;
	v12 =	vtrunc.f32 v12  }
0xf2: {  	v3 =	vadd.f32 $1.600000000e+01, v4;
	v4 =	vcvt.f32.s32 v7;
	v7 =	vcvt.f32.s32 v12  }
0xf3: {  	v8 =	vmul.f32 $1.600000000e+01, v8;
	v6 =	vadd.f32 $1.600000000e+01, v6;
	v10 =	vmax.u32 v10, v11  }
0xf4: {  	vm0 =	vlt.u32 v10, $0x42000001;
	v13 =	vand.u32 $0xFFFFFF80, v7;
	v4 =	vshll.u32 v4, $0x7  }
0xf5: {  	v12 =	vmul.f32 $1.600000000e+01, v9;
	v11 =	vand.u32 $0x7F, v7;
	v4 =	vadd.s32 v13, v4  }
0xf6: {  	v9 =	vmin.f32 v2, $3.100000000e+01;
	v7 =	vadd.f32 $1.600000000e+01, v8;
	v4 =	vor.u32 v11, v4  }
0xf7: {  	v8 =	vadd.f32 $1.600000000e+01, v12;
	v12 =	vmin.f32 v6, $3.100000000e+01;
	v4 =	vadd.s32 $0x1000, v4  }
0xf8: {  	s31 =	simm.s32 $0x0;
	s0 =	simm.s32 $0x0;
	v13 =	vmin.f32 v5, $3.100000000e+01;
	v11 =	vmin.f32 v3, $3.100000000e+01;
	v10 =	vmin.f32 v7, $3.100000000e+01  }
.LBB2_20:
0xf9: {  	s31 =	sadd.s32 $0x4, s31;
	v9 =	vtrunc.f32 v9;
	v13 =	vtrunc.f32 v13;
	v14 =	vmin.f32 v8, $3.100000000e+01;
	s30 =	sadd.s32 $0x40, s30;
	s0 =	sadd.s32 $0x200, s0  }
0xfa: {  	v2 =	vmax.u32 v2, v5;
	v5 =	vtrunc.f32 v11;
	v11 =	vtrunc.f32 v12;
	s1 =	sand.u32 $0x40, s30;
	s2 =	sshll.u32 s31, $0x4;
	s3 =	sand.u32 $0xC00, s0  }
0xfb: {  	v3 =	vmax.u32 v3, v6;
	v6 =	vtrunc.f32 v10;
	s4 =	sshll.u32 s31, $0x2;
	v10 =	vtrunc.f32 v14;
	s2 =	sand.u32 $0x1000, s2;
	s1 =	sor.u32 s3, s1  }
0xfc: {  	v7 =	vmax.u32 v7, v8;
	p0 =	slt.u32 s31, $0x1FC;
	v9 =	vcvt.f32.s32 v9;
	v12 =	vcvt.f32.s32 v13;
	s3 =	sand.u32 $0x380, s4;
	s1 =	sor.u32 s2, s1;
	[tilespmem:v4+s26+$0x0] =	vst.idx.add.f32.msk vm0, v1  }
0xfd: {  	vm0 =	vlt.u32 v2, $0x42000001;
	v2 =	vcvt.f32.s32 v5;
	v4 =	vcvt.f32.s32 v11;
	s1 =	sor.u32 s3, s1  }
0xfe: {  	v6 =	vcvt.f32.s32 v6;
	v10 =	vcvt.f32.s32 v10;
	v8 =	vand.u32 $0xFFFFFF80, v12;
	v5 =	vld [tilespmem:s1+$0x2030]  }
0xff: {  	v9 =	vshll.u32 v9, $0x7;
	v13 =	vand.u32 $0xFFFFFF80, v4;
	v2 =	vshll.u32 v2, $0x7;
	v11 =	vld [tilespmem:s1+$0x6030]  }
0x100: {  	v6 =	vshll.u32 v6, $0x7;
	v8 =	vadd.s32 v8, v9;
	v9 =	vand.u32 $0xFFFFFF80, v10;
	v14 =	vld [tilespmem:s1+$0x2000]  }
0x101: {  	v12 =	vand.u32 $0x7F, v12;
	v6 =	vadd.s32 v9, v6;
	v2 =	vadd.s32 v13, v2;
	v15 =	vld [tilespmem:s1+$0x6000]  }
0x102: {  	v10 =	vand.u32 $0x7F, v10;
	v8 =	vor.u32 v12, v8;
	v4 =	vand.u32 $0x7F, v4;
	v9 =	vld [tilespmem:s1+$0x2010]  }
0x103: {  	v8 =	vadd.s32 $0x1000, v8;
	v2 =	vor.u32 v4, v2;
	v4 =	vor.u32 v10, v6;
	v12 =	vld [tilespmem:s1+$0x6010]  }
0x104: {  	v5 =	vmul.f32 $1.600000000e+01, v5;
	v10 =	vld [tilespmem:s1+$0x2020];
	v6 =	vmul.f32 $1.600000000e+01, v11;
	v11 =	vadd.s32 $0x1000, v2  }
0x105: {  	vm1 =	vlt.u32 v3, $0x42000001;
	v4 =	vadd.s32 $0x1000, v4;
	v2 =	vmul.f32 $1.600000000e+01, v14;
	v13 =	vld [tilespmem:s1+$0x6020]  }
0x106: {  	v14 =	vadd.f32 $1.600000000e+01, v5;
	v3 =	vmul.f32 $1.600000000e+01, v15;
	v15 =	vadd.f32 $1.600000000e+01, v6  }
0x107: {  	vm2 =	vlt.u32 v7, $0x42000001;
	v2 =	vadd.f32 $1.600000000e+01, v2;
	v6 =	vmul.f32 $1.600000000e+01, v9  }
0x108: {  	v9 =	vmin.f32 v14, $3.100000000e+01;
	v7 =	vmul.f32 $1.600000000e+01, v12;
	v12 =	vmin.f32 v15, $3.100000000e+01;
	[tilespmem:v8+s26+$0x0] =	vst.idx.add.f32.msk vm0, v1  }
0x109: {  	v5 =	vadd.f32 $1.600000000e+01, v3;
	v8 =	vtrunc.f32 v9;
	v9 =	vtrunc.f32 v12  }
0x10a: {  	v3 =	vadd.f32 $1.600000000e+01, v6;
	v8 =	vcvt.f32.s32 v8;
	v12 =	vcvt.f32.s32 v9  }
0x10b: {  	v6 =	vadd.f32 $1.600000000e+01, v7;
	v7 =	vmul.f32 $1.600000000e+01, v10;
	v10 =	vmul.f32 $1.600000000e+01, v13;
	[tilespmem:v11+s26+$0x0] =	vst.idx.add.f32.msk vm1, v1  }
.Ltmp9:
0x10c: {  	v9 =	vmin.f32 v2, $3.100000000e+01;
	v8 =	vshll.u32 v8, $0x7;
	v11 =	vand.u32 $0xFFFFFF80, v12;
	(pc) =	sbr.rel @p0 .LBB2_20-.Ltmp9, $4  }
0x10d: {  	v13 =	vmax.u32 v14, v15;
	v12 =	vand.u32 $0x7F, v12;
	v8 =	vadd.s32 v11, v8;
	[tilespmem:v4+s26+$0x0] =	vst.idx.add.f32.msk vm2, v1  }
0x10e: {  	vm0 =	vlt.u32 v13, $0x42000001;
	v7 =	vadd.f32 $1.600000000e+01, v7;
	v4 =	vor.u32 v12, v8  }
0x10f: {  	v13 =	vmin.f32 v5, $3.100000000e+01;
	v8 =	vadd.f32 $1.600000000e+01, v10;
	v4 =	vadd.s32 $0x1000, v4  }
0x110: {  	v11 =	vmin.f32 v3, $3.100000000e+01;
	v12 =	vmin.f32 v6, $3.100000000e+01;
	v10 =	vmin.f32 v7, $3.100000000e+01  }
0x111: {  	v9 =	vtrunc.f32 v9;
	v13 =	vtrunc.f32 v13;
	v14 =	vmin.f32 v8, $3.100000000e+01  }
0x112: {  	v2 =	vmax.u32 v2, v5;
	v5 =	vtrunc.f32 v11;
	v11 =	vtrunc.f32 v12  }
0x113: {  	v3 =	vmax.u32 v3, v6;
	v6 =	vtrunc.f32 v10;
	v10 =	vtrunc.f32 v14  }
0x114: {  	v7 =	vmax.u32 v7, v8;
	v9 =	vcvt.f32.s32 v9;
	v60 =	vcvt.f32.s32 v13  }
0x115: {  	vm1 =	vlt.u32 v2, $0x42000001;
	v2 =	vcvt.f32.s32 v5;
	v5 =	vcvt.f32.s32 v11  }
0x116: {  	v6 =	vcvt.f32.s32 v6;
	vm2 =	vlt.u32 v3, $0x42000001;
	v10 =	vcvt.f32.s32 v10  }
0x117: {  	v8 =	vand.u32 $0xFFFFFF80, v60;
	v9 =	vshll.u32 v9, $0x7;
	v11 =	vand.u32 $0xFFFFFF80, v5  }
0x118: {  	v2 =	vshll.u32 v2, $0x7;
	v6 =	vshll.u32 v6, $0x7;
	v12 =	vand.u32 $0x7F, v60  }
0x119: {  	v5 =	vand.u32 $0x7F, v5;
	v8 =	vadd.s32 v8, v9;
	v9 =	vand.u32 $0xFFFFFF80, v10  }
0x11a: {  	v2 =	vadd.s32 v11, v2;
	v6 =	vadd.s32 v9, v6;
	v8 =	vor.u32 v12, v8  }
0x11b: {  	v9 =	vand.u32 $0x7F, v10;
	v2 =	vor.u32 v5, v2;
	v8 =	vadd.s32 $0x1000, v8  }
0x11c: {  	vm3 =	vlt.u32 v7, $0x42000001;
	v3 =	vor.u32 v9, v6;
	v2 =	vadd.s32 $0x1000, v2  }
0x11d: {  	v3 =	vadd.s32 $0x1000, v3;
	_ =	sdelay $0x1  }
0x11e: {  	[tilespmem:v4+s26+$0x0] =	vst.idx.add.f32.msk vm0, v1  }
0x11f: {  	[tilespmem:v8+s26+$0x0] =	vst.idx.add.f32.msk vm1, v1  }
0x120: {  	[tilespmem:v2+s26+$0x0] =	vst.idx.add.f32.msk vm2, v1  }
0x121: {  	[tilespmem:v3+s26+$0x0] =	vst.idx.add.f32.msk vm3, v1  }
0x122: {  	_ =	swait.ge [sflag:s22], $0x2000  }
0x123: {  	s30 =	simm.s32 $0x0;
	[sflag:s22] =	ssyncset.done $0x0  }
0x124: {  	s0 =	simm.s32 $0x0;
	s2 =	simm.s32 $0x0;
	[sflag:s22] =	ssyncadd.s32 $0xFFFFE000  }
0x125: {  	s0 =	sand.u32 $0x1000, s0;
	s1 =	sand.u32 $0xC00, s30;
	_ =	swait.ge [sflag:s23], $0x2000  }
0x126: {  	s3 =	sand.u32 $0x380, s2;
	s0 =	sor.u32 s1, s0;
	[sflag:s23] =	ssyncset.done $0x0  }
0x127: {  	s4 =	sand.u32 $0x40, s30;
	s0 =	sor.u32 s3, s0;
	[sflag:s23] =	ssyncadd.s32 $0xFFFFE000  }
0x128: {  	[tilespmem:s24], [sflag:$0x1] =	stream.linear.gather [hbm4b:s9+s30], $0x2000, $0x38;
	[tilespmem:$0x10000] =	vst v63  }
0x129: {  	s0 =	sor.u32 s4, s0  }
0x12a: {  	[tilespmem:s25], [sflag:$0x2] =	stream.linear.gather [hbm4b:s10+s30], $0x2000, $0x38;
	[tilespmem:$0x10000] =	vst v63  }
0x12b: {  	v2 =	vld [tilespmem:s0+$0x30]  }
0x12c: {  	v3 =	vld [tilespmem:s0+$0x4030]  }
0x12d: {  	v4 =	vld [tilespmem:s0+$0x0]  }
0x12e: {  	v5 =	vld [tilespmem:s0+$0x4000]  }
0x12f: {  	v6 =	vld [tilespmem:s0+$0x10]  }
0x130: {  	v7 =	vld [tilespmem:s0+$0x4010]  }
0x131: {  	v2 =	vmul.f32 $1.600000000e+01, v2;
	v3 =	vmul.f32 $1.600000000e+01, v3  }
0x132: {  	v8 =	vld [tilespmem:s0+$0x20];
	v4 =	vmul.f32 $1.600000000e+01, v4  }
0x133: {  	v9 =	vld [tilespmem:s0+$0x4020];
	v10 =	vadd.f32 $1.600000000e+01, v2;
	v11 =	vadd.f32 $1.600000000e+01, v3  }
0x134: {  	v3 =	vmul.f32 $1.600000000e+01, v5;
	v2 =	vadd.f32 $1.600000000e+01, v4;
	v4 =	vmul.f32 $1.600000000e+01, v6  }
0x135: {  	v6 =	vmul.f32 $1.600000000e+01, v7;
	v7 =	vmin.f32 v10, $3.100000000e+01;
	v61 =	vmin.f32 v11, $3.100000000e+01  }
0x136: {  	v5 =	vadd.f32 $1.600000000e+01, v3;
	v7 =	vtrunc.f32 v7;
	v12 =	vtrunc.f32 v61  }
0x137: {  	v3 =	vadd.f32 $1.600000000e+01, v4;
	v4 =	vcvt.f32.s32 v7;
	v7 =	vcvt.f32.s32 v12  }
0x138: {  	v8 =	vmul.f32 $1.600000000e+01, v8;
	v62 =	vmul.f32 $1.600000000e+01, v9;
	v6 =	vadd.f32 $1.600000000e+01, v6  }
0x139: {  	v9 =	vmin.f32 v2, $3.100000000e+01;
	v63 =	vand.u32 $0xFFFFFF80, v7;
	v4 =	vshll.u32 v4, $0x7  }
0x13a: {  	v10 =	vmax.u32 v10, v11;
	v11 =	vand.u32 $0x7F, v7;
	v4 =	vadd.s32 v63, v4  }
0x13b: {  	vm0 =	vlt.u32 v10, $0x42000001;
	v7 =	vadd.f32 $1.600000000e+01, v8;
	v4 =	vor.u32 v11, v4  }
0x13c: {  	s31 =	simm.s32 $0x0;
	s0 =	simm.s32 $0x0;
	v10 =	vmin.f32 v5, $3.100000000e+01;
	v8 =	vadd.f32 $1.600000000e+01, v62;
	v4 =	vadd.s32 $0x2000, v4  }
.LBB2_22:
0x13d: {  	s31 =	sadd.s32 $0x4, s31;
	v11 =	vmin.f32 v3, $3.100000000e+01;
	v12 =	vmin.f32 v6, $3.100000000e+01;
	v13 =	vmin.f32 v7, $3.100000000e+01  }
0x13e: {  	v9 =	vtrunc.f32 v9;
	v10 =	vtrunc.f32 v10;
	s30 =	sadd.s32 $0x200, s30;
	s1 =	sshll.u32 s31, $0x4;
	p0 =	slt.u32 s31, $0x1FC;
	v14 =	vmin.f32 v8, $3.100000000e+01  }
0x13f: {  	v2 =	vmax.u32 v2, v5;
	s2 =	sand.u32 $0xC00, s30;
	s3 =	sshll.u32 s31, $0x2;
	v5 =	vtrunc.f32 v11;
	v11 =	vtrunc.f32 v12;
	s1 =	sand.u32 $0x1000, s1  }
0x140: {  	v3 =	vmax.u32 v3, v6;
	s0 =	sadd.s32 $0x40, s0;
	v6 =	vtrunc.f32 v13;
	v12 =	vtrunc.f32 v14;
	s1 =	sor.u32 s2, s1;
	s2 =	sand.u32 $0x380, s3  }
0x141: {  	v9 =	vcvt.f32.s32 v9;
	v10 =	vcvt.f32.s32 v10;
	v7 =	vmax.u32 v7, v8;
	s3 =	sand.u32 $0x40, s0;
	s1 =	sor.u32 s2, s1;
	[tilespmem:v4+s26+$0x0] =	vst.idx.add.f32.msk vm0, v1  }
0x142: {  	vm0 =	vlt.u32 v2, $0x42000001;
	v2 =	vcvt.f32.s32 v5;
	v4 =	vcvt.f32.s32 v11;
	s1 =	sor.u32 s3, s1  }
0x143: {  	v6 =	vcvt.f32.s32 v6;
	v8 =	vand.u32 $0xFFFFFF80, v10;
	v11 =	vcvt.f32.s32 v12;
	v5 =	vld [tilespmem:s1+$0x30]  }
0x144: {  	v9 =	vshll.u32 v9, $0x7;
	v13 =	vand.u32 $0xFFFFFF80, v4;
	v2 =	vshll.u32 v2, $0x7;
	v12 =	vld [tilespmem:s1+$0x4030]  }
0x145: {  	v8 =	vadd.s32 v8, v9;
	v6 =	vshll.u32 v6, $0x7;
	v9 =	vand.u32 $0xFFFFFF80, v11;
	v14 =	vld [tilespmem:s1+$0x0]  }
0x146: {  	v10 =	vand.u32 $0x7F, v10;
	v2 =	vadd.s32 v13, v2;
	v6 =	vadd.s32 v9, v6;
	v15 =	vld [tilespmem:s1+$0x4000]  }
0x147: {  	v8 =	vor.u32 v10, v8;
	v4 =	vand.u32 $0x7F, v4;
	v10 =	vand.u32 $0x7F, v11;
	v9 =	vld [tilespmem:s1+$0x10]  }
0x148: {  	v8 =	vadd.s32 $0x2000, v8;
	v2 =	vor.u32 v4, v2;
	v4 =	vor.u32 v10, v6;
	v11 =	vld [tilespmem:s1+$0x4010]  }
0x149: {  	v5 =	vmul.f32 $1.600000000e+01, v5;
	v10 =	vld [tilespmem:s1+$0x20];
	v6 =	vmul.f32 $1.600000000e+01, v12;
	v12 =	vadd.s32 $0x2000, v2  }
0x14a: {  	vm1 =	vlt.u32 v3, $0x42000001;
	v4 =	vadd.s32 $0x2000, v4;
	v2 =	vmul.f32 $1.600000000e+01, v14;
	v13 =	vld [tilespmem:s1+$0x4020]  }
0x14b: {  	v14 =	vadd.f32 $1.600000000e+01, v5;
	v3 =	vmul.f32 $1.600000000e+01, v15;
	v15 =	vadd.f32 $1.600000000e+01, v6  }
0x14c: {  	vm2 =	vlt.u32 v7, $0x42000001;
	v2 =	vadd.f32 $1.600000000e+01, v2;
	v6 =	vmul.f32 $1.600000000e+01, v9  }
0x14d: {  	v9 =	vmin.f32 v14, $3.100000000e+01;
	v7 =	vmul.f32 $1.600000000e+01, v11;
	v11 =	vmin.f32 v15, $3.100000000e+01;
	[tilespmem:v8+s26+$0x0] =	vst.idx.add.f32.msk vm0, v1  }
0x14e: {  	v5 =	vadd.f32 $1.600000000e+01, v3;
	v8 =	vtrunc.f32 v9;
	v9 =	vtrunc.f32 v11  }
0x14f: {  	v3 =	vadd.f32 $1.600000000e+01, v6;
	v8 =	vcvt.f32.s32 v8;
	v11 =	vcvt.f32.s32 v9  }
.Ltmp10:
0x150: {  	v6 =	vadd.f32 $1.600000000e+01, v7;
	v7 =	vmul.f32 $1.600000000e+01, v10;
	v13 =	vmul.f32 $1.600000000e+01, v13;
	[tilespmem:v12+s26+$0x0] =	vst.idx.add.f32.msk vm1, v1;
	(pc) =	sbr.rel @p0 .LBB2_22-.Ltmp10, $4  }
0x151: {  	v9 =	vmin.f32 v2, $3.100000000e+01;
	v8 =	vshll.u32 v8, $0x7;
	v10 =	vand.u32 $0xFFFFFF80, v11  }
0x152: {  	v12 =	vmax.u32 v14, v15;
	v11 =	vand.u32 $0x7F, v11;
	v8 =	vadd.s32 v10, v8;
	[tilespmem:v4+s26+$0x0] =	vst.idx.add.f32.msk vm2, v1  }
0x153: {  	v7 =	vadd.f32 $1.600000000e+01, v7;
	vm0 =	vlt.u32 v12, $0x42000001;
	v4 =	vor.u32 v11, v8  }
0x154: {  	v10 =	vmin.f32 v5, $3.100000000e+01;
	v8 =	vadd.f32 $1.600000000e+01, v13;
	v4 =	vadd.s32 $0x2000, v4  }
0x155: {  	v11 =	vmin.f32 v3, $3.100000000e+01;
	v12 =	vmin.f32 v6, $3.100000000e+01;
	v13 =	vmin.f32 v7, $3.100000000e+01  }
0x156: {  	v9 =	vtrunc.f32 v9;
	v10 =	vtrunc.f32 v10;
	v2 =	vmax.u32 v2, v5  }
0x157: {  	v3 =	vmax.u32 v3, v6;
	v5 =	vtrunc.f32 v11;
	v11 =	vtrunc.f32 v12  }
0x158: {  	v14 =	vmin.f32 v8, $3.100000000e+01;
	v6 =	vtrunc.f32 v13;
	v9 =	vcvt.f32.s32 v9  }
0x159: {  	v10 =	vcvt.f32.s32 v10;
	v7 =	vmax.u32 v7, v8;
	vm1 =	vlt.u32 v2, $0x42000001  }
0x15a: {  	vm2 =	vlt.u32 v3, $0x42000001;
	v12 =	vtrunc.f32 v14;
	v2 =	vcvt.f32.s32 v5  }
0x15b: {  	v5 =	vcvt.f32.s32 v11;
	v6 =	vcvt.f32.s32 v6;
	v8 =	vand.u32 $0xFFFFFF80, v10  }
0x15c: {  	v11 =	vcvt.f32.s32 v12;
	v9 =	vshll.u32 v9, $0x7;
	v10 =	vand.u32 $0x7F, v10  }
0x15d: {  	v12 =	vand.u32 $0xFFFFFF80, v5;
	v2 =	vshll.u32 v2, $0x7;
	v8 =	vadd.s32 v8, v9  }
0x15e: {  	v6 =	vshll.u32 v6, $0x7;
	v5 =	vand.u32 $0x7F, v5;
	v9 =	vand.u32 $0xFFFFFF80, v11  }
0x15f: {  	v2 =	vadd.s32 v12, v2;
	v8 =	vor.u32 v10, v8;
	v6 =	vadd.s32 v9, v6  }
0x160: {  	v9 =	vand.u32 $0x7F, v11;
	v8 =	vadd.s32 $0x2000, v8;
	v2 =	vor.u32 v5, v2  }
0x161: {  	vm3 =	vlt.u32 v7, $0x42000001;
	v3 =	vor.u32 v9, v6;
	v2 =	vadd.s32 $0x2000, v2  }
0x162: {  	v3 =	vadd.s32 $0x2000, v3;
	_ =	sdelay $0x1  }
0x163: {  	[tilespmem:v4+s26+$0x0] =	vst.idx.add.f32.msk vm0, v1  }
0x164: {  	[tilespmem:v8+s26+$0x0] =	vst.idx.add.f32.msk vm1, v1  }
0x165: {  	[tilespmem:v2+s26+$0x0] =	vst.idx.add.f32.msk vm2, v1  }
0x166: {  	[tilespmem:v3+s26+$0x0] =	vst.idx.add.f32.msk vm3, v1  }
0x167: {  	_ =	swait.ge [sflag:s22], $0x2000  }
0x168: {  	s30 =	simm.s32 $0x0;
	[sflag:s22] =	ssyncset.done $0x0  }
0x169: {  	s1 =	simm.s32 $0x0;
	s3 =	simm.s32 $0x0;
	[sflag:s22] =	ssyncadd.s32 $0xFFFFE000  }
0x16a: {  	s0 =	sand.u32 $0x40, s30;
	s2 =	sand.u32 $0xC00, s30;
	_ =	swait.ge [sflag:s23], $0x2000  }
0x16b: {  	s1 =	sand.u32 $0x1000, s1;
	s0 =	sor.u32 s2, s0;
	[sflag:s23] =	ssyncset.done $0x0  }
0x16c: {  	s4 =	sand.u32 $0x380, s3;
	s0 =	sor.u32 s1, s0;
	[sflag:s23] =	ssyncadd.s32 $0xFFFFE000  }
0x16d: {  	[tilespmem:s30], [sflag:$0x1] =	stream.linear.gather [hbm4b:s11+s30], $0x2000, $0x38;
	[tilespmem:$0x10000] =	vst v63  }
0x16e: {  	s0 =	sor.u32 s4, s0  }
0x16f: {  	[tilespmem:s21], [sflag:$0x2] =	stream.linear.gather [hbm4b:s12+s30], $0x2000, $0x38;
	[tilespmem:$0x10000] =	vst v63  }
0x170: {  	v2 =	vld [tilespmem:s0+$0x2030]  }
0x171: {  	v3 =	vld [tilespmem:s0+$0x6030]  }
0x172: {  	v4 =	vld [tilespmem:s0+$0x2000]  }
0x173: {  	v5 =	vld [tilespmem:s0+$0x6000]  }
0x174: {  	v6 =	vld [tilespmem:s0+$0x2010]  }
0x175: {  	v7 =	vld [tilespmem:s0+$0x6010]  }
0x176: {  	v2 =	vmul.f32 $1.600000000e+01, v2;
	v3 =	vmul.f32 $1.600000000e+01, v3  }
0x177: {  	v4 =	vmul.f32 $1.600000000e+01, v4  }
0x178: {  	v8 =	vld [tilespmem:s0+$0x2020];
	v10 =	vadd.f32 $1.600000000e+01, v2;
	v11 =	vadd.f32 $1.600000000e+01, v3  }
0x179: {  	v3 =	vmul.f32 $1.600000000e+01, v5;
	v2 =	vadd.f32 $1.600000000e+01, v4;
	v4 =	vmul.f32 $1.600000000e+01, v6  }
0x17a: {  	v9 =	vld [tilespmem:s0+$0x6020];
	v6 =	vmul.f32 $1.600000000e+01, v7;
	v7 =	vmin.f32 v10, $3.100000000e+01;
	v12 =	vmin.f32 v11, $3.100000000e+01  }
0x17b: {  	v5 =	vadd.f32 $1.600000000e+01, v3;
	v7 =	vtrunc.f32 v7;
	v12 =	vtrunc.f32 v12  }
0x17c: {  	v3 =	vadd.f32 $1.600000000e+01, v4;
	v4 =	vcvt.f32.s32 v7;
	v7 =	vcvt.f32.s32 v12  }
0x17d: {  	v8 =	vmul.f32 $1.600000000e+01, v8;
	v6 =	vadd.f32 $1.600000000e+01, v6;
	v10 =	vmax.u32 v10, v11  }
0x17e: {  	vm0 =	vlt.u32 v10, $0x42000001;
	v13 =	vand.u32 $0xFFFFFF80, v7;
	v4 =	vshll.u32 v4, $0x7  }
0x17f: {  	v12 =	vmul.f32 $1.600000000e+01, v9;
	v11 =	vand.u32 $0x7F, v7;
	v4 =	vadd.s32 v13, v4  }
0x180: {  	v9 =	vmin.f32 v2, $3.100000000e+01;
	v7 =	vadd.f32 $1.600000000e+01, v8;
	v4 =	vor.u32 v11, v4  }
0x181: {  	v8 =	vadd.f32 $1.600000000e+01, v12;
	v12 =	vmin.f32 v6, $3.100000000e+01;
	v4 =	vadd.s32 $0x3000, v4  }
0x182: {  	s31 =	simm.s32 $0x0;
	s0 =	simm.s32 $0x0;
	v13 =	vmin.f32 v5, $3.100000000e+01;
	v11 =	vmin.f32 v3, $3.100000000e+01;
	v10 =	vmin.f32 v7, $3.100000000e+01  }
.LBB2_24:
0x183: {  	s31 =	sadd.s32 $0x4, s31;
	v9 =	vtrunc.f32 v9;
	v13 =	vtrunc.f32 v13;
	v14 =	vmin.f32 v8, $3.100000000e+01;
	s30 =	sadd.s32 $0x40, s30;
	s0 =	sadd.s32 $0x200, s0  }
0x184: {  	v2 =	vmax.u32 v2, v5;
	v5 =	vtrunc.f32 v11;
	v11 =	vtrunc.f32 v12;
	s1 =	sand.u32 $0x40, s30;
	s2 =	sshll.u32 s31, $0x4;
	s3 =	sand.u32 $0xC00, s0  }
0x185: {  	v3 =	vmax.u32 v3, v6;
	v6 =	vtrunc.f32 v10;
	s4 =	sshll.u32 s31, $0x2;
	v10 =	vtrunc.f32 v14;
	s2 =	sand.u32 $0x1000, s2;
	s1 =	sor.u32 s3, s1  }
0x186: {  	v7 =	vmax.u32 v7, v8;
	p0 =	slt.u32 s31, $0x1FC;
	v9 =	vcvt.f32.s32 v9;
	v12 =	vcvt.f32.s32 v13;
	s3 =	sand.u32 $0x380, s4;
	s1 =	sor.u32 s2, s1;
	[tilespmem:v4+s26+$0x0] =	vst.idx.add.f32.msk vm0, v1  }
0x187: {  	vm0 =	vlt.u32 v2, $0x42000001;
	v2 =	vcvt.f32.s32 v5;
	v4 =	vcvt.f32.s32 v11;
	s1 =	sor.u32 s3, s1  }
0x188: {  	v6 =	vcvt.f32.s32 v6;
	v10 =	vcvt.f32.s32 v10;
	v8 =	vand.u32 $0xFFFFFF80, v12;
	v5 =	vld [tilespmem:s1+$0x2030]  }
0x189: {  	v9 =	vshll.u32 v9, $0x7;
	v13 =	vand.u32 $0xFFFFFF80, v4;
	v2 =	vshll.u32 v2, $0x7;
	v11 =	vld [tilespmem:s1+$0x6030]  }
0x18a: {  	v6 =	vshll.u32 v6, $0x7;
	v8 =	vadd.s32 v8, v9;
	v9 =	vand.u32 $0xFFFFFF80, v10;
	v14 =	vld [tilespmem:s1+$0x2000]  }
0x18b: {  	v12 =	vand.u32 $0x7F, v12;
	v6 =	vadd.s32 v9, v6;
	v2 =	vadd.s32 v13, v2;
	v15 =	vld [tilespmem:s1+$0x6000]  }
0x18c: {  	v10 =	vand.u32 $0x7F, v10;
	v8 =	vor.u32 v12, v8;
	v4 =	vand.u32 $0x7F, v4;
	v9 =	vld [tilespmem:s1+$0x2010]  }
0x18d: {  	v8 =	vadd.s32 $0x3000, v8;
	v2 =	vor.u32 v4, v2;
	v4 =	vor.u32 v10, v6;
	v12 =	vld [tilespmem:s1+$0x6010]  }
0x18e: {  	v5 =	vmul.f32 $1.600000000e+01, v5;
	v10 =	vld [tilespmem:s1+$0x2020];
	v6 =	vmul.f32 $1.600000000e+01, v11;
	v11 =	vadd.s32 $0x3000, v2  }
0x18f: {  	vm1 =	vlt.u32 v3, $0x42000001;
	v4 =	vadd.s32 $0x3000, v4;
	v2 =	vmul.f32 $1.600000000e+01, v14;
	v13 =	vld [tilespmem:s1+$0x6020]  }
0x190: {  	v14 =	vadd.f32 $1.600000000e+01, v5;
	v3 =	vmul.f32 $1.600000000e+01, v15;
	v15 =	vadd.f32 $1.600000000e+01, v6  }
0x191: {  	vm2 =	vlt.u32 v7, $0x42000001;
	v2 =	vadd.f32 $1.600000000e+01, v2;
	v6 =	vmul.f32 $1.600000000e+01, v9  }
0x192: {  	v9 =	vmin.f32 v14, $3.100000000e+01;
	v7 =	vmul.f32 $1.600000000e+01, v12;
	v12 =	vmin.f32 v15, $3.100000000e+01;
	[tilespmem:v8+s26+$0x0] =	vst.idx.add.f32.msk vm0, v1  }
0x193: {  	v5 =	vadd.f32 $1.600000000e+01, v3;
	v8 =	vtrunc.f32 v9;
	v9 =	vtrunc.f32 v12  }
0x194: {  	v3 =	vadd.f32 $1.600000000e+01, v6;
	v8 =	vcvt.f32.s32 v8;
	v12 =	vcvt.f32.s32 v9  }
0x195: {  	v6 =	vadd.f32 $1.600000000e+01, v7;
	v7 =	vmul.f32 $1.600000000e+01, v10;
	v10 =	vmul.f32 $1.600000000e+01, v13;
	[tilespmem:v11+s26+$0x0] =	vst.idx.add.f32.msk vm1, v1  }
.Ltmp11:
0x196: {  	v9 =	vmin.f32 v2, $3.100000000e+01;
	v8 =	vshll.u32 v8, $0x7;
	v11 =	vand.u32 $0xFFFFFF80, v12;
	(pc) =	sbr.rel @p0 .LBB2_24-.Ltmp11, $4  }
0x197: {  	v13 =	vmax.u32 v14, v15;
	v12 =	vand.u32 $0x7F, v12;
	v8 =	vadd.s32 v11, v8;
	[tilespmem:v4+s26+$0x0] =	vst.idx.add.f32.msk vm2, v1  }
0x198: {  	vm0 =	vlt.u32 v13, $0x42000001;
	v7 =	vadd.f32 $1.600000000e+01, v7;
	v4 =	vor.u32 v12, v8  }
0x199: {  	v13 =	vmin.f32 v5, $3.100000000e+01;
	v8 =	vadd.f32 $1.600000000e+01, v10;
	v4 =	vadd.s32 $0x3000, v4  }
0x19a: {  	v11 =	vmin.f32 v3, $3.100000000e+01;
	v12 =	vmin.f32 v6, $3.100000000e+01;
	v10 =	vmin.f32 v7, $3.100000000e+01  }
0x19b: {  	v9 =	vtrunc.f32 v9;
	v13 =	vtrunc.f32 v13;
	v14 =	vmin.f32 v8, $3.100000000e+01  }
0x19c: {  	v2 =	vmax.u32 v2, v5;
	v5 =	vtrunc.f32 v11;
	v11 =	vtrunc.f32 v12  }
0x19d: {  	v3 =	vmax.u32 v3, v6;
	v6 =	vtrunc.f32 v10;
	v10 =	vtrunc.f32 v14  }
0x19e: {  	v7 =	vmax.u32 v7, v8;
	v9 =	vcvt.f32.s32 v9;
	v60 =	vcvt.f32.s32 v13  }
0x19f: {  	vm1 =	vlt.u32 v2, $0x42000001;
	v2 =	vcvt.f32.s32 v5;
	v5 =	vcvt.f32.s32 v11  }
0x1a0: {  	v6 =	vcvt.f32.s32 v6;
	vm2 =	vlt.u32 v3, $0x42000001;
	v10 =	vcvt.f32.s32 v10  }
0x1a1: {  	v8 =	vand.u32 $0xFFFFFF80, v60;
	v9 =	vshll.u32 v9, $0x7;
	v11 =	vand.u32 $0xFFFFFF80, v5  }
0x1a2: {  	v2 =	vshll.u32 v2, $0x7;
	v6 =	vshll.u32 v6, $0x7;
	v12 =	vand.u32 $0x7F, v60  }
0x1a3: {  	v5 =	vand.u32 $0x7F, v5;
	v8 =	vadd.s32 v8, v9;
	v9 =	vand.u32 $0xFFFFFF80, v10  }
0x1a4: {  	v2 =	vadd.s32 v11, v2;
	v6 =	vadd.s32 v9, v6;
	v8 =	vor.u32 v12, v8  }
0x1a5: {  	v9 =	vand.u32 $0x7F, v10;
	v2 =	vor.u32 v5, v2;
	v8 =	vadd.s32 $0x3000, v8  }
0x1a6: {  	vm3 =	vlt.u32 v7, $0x42000001;
	v3 =	vor.u32 v9, v6;
	v2 =	vadd.s32 $0x3000, v2  }
0x1a7: {  	v3 =	vadd.s32 $0x3000, v3;
	_ =	sdelay $0x1  }
0x1a8: {  	[tilespmem:v4+s26+$0x0] =	vst.idx.add.f32.msk vm0, v1  }
0x1a9: {  	[tilespmem:v8+s26+$0x0] =	vst.idx.add.f32.msk vm1, v1  }
0x1aa: {  	[tilespmem:v2+s26+$0x0] =	vst.idx.add.f32.msk vm2, v1  }
0x1ab: {  	[tilespmem:v3+s26+$0x0] =	vst.idx.add.f32.msk vm3, v1  }
0x1ac: {  	_ =	swait.ge [sflag:s22], $0x2000  }
0x1ad: {  	s30 =	simm.s32 $0x0;
	[sflag:s22] =	ssyncset.done $0x0  }
0x1ae: {  	s0 =	simm.s32 $0x0;
	s2 =	simm.s32 $0x0;
	[sflag:s22] =	ssyncadd.s32 $0xFFFFE000  }
0x1af: {  	s0 =	sand.u32 $0x1000, s0;
	s1 =	sand.u32 $0xC00, s30;
	_ =	swait.ge [sflag:s23], $0x2000  }
0x1b0: {  	s3 =	sand.u32 $0x380, s2;
	s0 =	sor.u32 s1, s0;
	[sflag:s23] =	ssyncset.done $0x0  }
0x1b1: {  	s4 =	sand.u32 $0x40, s30;
	s0 =	sor.u32 s3, s0;
	[sflag:s23] =	ssyncadd.s32 $0xFFFFE000  }
0x1b2: {  	[tilespmem:s24], [sflag:$0x1] =	stream.linear.gather [hbm4b:s13+s30], $0x2000, $0x38;
	[tilespmem:$0x10000] =	vst v63  }
0x1b3: {  	s0 =	sor.u32 s4, s0  }
0x1b4: {  	[tilespmem:s25], [sflag:$0x2] =	stream.linear.gather [hbm4b:s14+s30], $0x2000, $0x38;
	[tilespmem:$0x10000] =	vst v63  }
0x1b5: {  	v2 =	vld [tilespmem:s0+$0x30]  }
0x1b6: {  	v3 =	vld [tilespmem:s0+$0x4030]  }
0x1b7: {  	v4 =	vld [tilespmem:s0+$0x0]  }
0x1b8: {  	v5 =	vld [tilespmem:s0+$0x4000]  }
0x1b9: {  	v6 =	vld [tilespmem:s0+$0x10]  }
0x1ba: {  	v7 =	vld [tilespmem:s0+$0x4010]  }
0x1bb: {  	v2 =	vmul.f32 $1.600000000e+01, v2;
	v3 =	vmul.f32 $1.600000000e+01, v3  }
0x1bc: {  	v8 =	vld [tilespmem:s0+$0x20];
	v4 =	vmul.f32 $1.600000000e+01, v4  }
0x1bd: {  	v9 =	vld [tilespmem:s0+$0x4020];
	v10 =	vadd.f32 $1.600000000e+01, v2;
	v11 =	vadd.f32 $1.600000000e+01, v3  }
0x1be: {  	v3 =	vmul.f32 $1.600000000e+01, v5;
	v2 =	vadd.f32 $1.600000000e+01, v4;
	v4 =	vmul.f32 $1.600000000e+01, v6  }
0x1bf: {  	v6 =	vmul.f32 $1.600000000e+01, v7;
	v7 =	vmin.f32 v10, $3.100000000e+01;
	v61 =	vmin.f32 v11, $3.100000000e+01  }
0x1c0: {  	v5 =	vadd.f32 $1.600000000e+01, v3;
	v7 =	vtrunc.f32 v7;
	v12 =	vtrunc.f32 v61  }
0x1c1: {  	v3 =	vadd.f32 $1.600000000e+01, v4;
	v4 =	vcvt.f32.s32 v7;
	v7 =	vcvt.f32.s32 v12  }
0x1c2: {  	v8 =	vmul.f32 $1.600000000e+01, v8;
	v62 =	vmul.f32 $1.600000000e+01, v9;
	v6 =	vadd.f32 $1.600000000e+01, v6  }
0x1c3: {  	v9 =	vmin.f32 v2, $3.100000000e+01;
	v63 =	vand.u32 $0xFFFFFF80, v7;
	v4 =	vshll.u32 v4, $0x7  }
0x1c4: {  	v10 =	vmax.u32 v10, v11;
	v11 =	vand.u32 $0x7F, v7;
	v4 =	vadd.s32 v63, v4  }
0x1c5: {  	vm0 =	vlt.u32 v10, $0x42000001;
	v7 =	vadd.f32 $1.600000000e+01, v8;
	v4 =	vor.u32 v11, v4  }
0x1c6: {  	s31 =	simm.s32 $0x0;
	s0 =	simm.s32 $0x0;
	v10 =	vmin.f32 v5, $3.100000000e+01;
	v8 =	vadd.f32 $1.600000000e+01, v62;
	v4 =	vadd.s32 $0x4000, v4  }
.LBB2_26:
0x1c7: {  	s31 =	sadd.s32 $0x4, s31;
	v11 =	vmin.f32 v3, $3.100000000e+01;
	v12 =	vmin.f32 v6, $3.100000000e+01;
	v13 =	vmin.f32 v7, $3.100000000e+01  }
0x1c8: {  	v9 =	vtrunc.f32 v9;
	v10 =	vtrunc.f32 v10;
	s30 =	sadd.s32 $0x200, s30;
	s1 =	sshll.u32 s31, $0x4;
	p0 =	slt.u32 s31, $0x1FC;
	v14 =	vmin.f32 v8, $3.100000000e+01  }
0x1c9: {  	v2 =	vmax.u32 v2, v5;
	s2 =	sand.u32 $0xC00, s30;
	s3 =	sshll.u32 s31, $0x2;
	v5 =	vtrunc.f32 v11;
	v11 =	vtrunc.f32 v12;
	s1 =	sand.u32 $0x1000, s1  }
0x1ca: {  	v3 =	vmax.u32 v3, v6;
	s0 =	sadd.s32 $0x40, s0;
	v6 =	vtrunc.f32 v13;
	v12 =	vtrunc.f32 v14;
	s1 =	sor.u32 s2, s1;
	s2 =	sand.u32 $0x380, s3  }
0x1cb: {  	v9 =	vcvt.f32.s32 v9;
	v10 =	vcvt.f32.s32 v10;
	v7 =	vmax.u32 v7, v8;
	s3 =	sand.u32 $0x40, s0;
	s1 =	sor.u32 s2, s1;
	[tilespmem:v4+s26+$0x0] =	vst.idx.add.f32.msk vm0, v1  }
0x1cc: {  	vm0 =	vlt.u32 v2, $0x42000001;
	v2 =	vcvt.f32.s32 v5;
	v4 =	vcvt.f32.s32 v11;
	s1 =	sor.u32 s3, s1  }
0x1cd: {  	v6 =	vcvt.f32.s32 v6;
	v8 =	vand.u32 $0xFFFFFF80, v10;
	v11 =	vcvt.f32.s32 v12;
	v5 =	vld [tilespmem:s1+$0x30]  }
0x1ce: {  	v9 =	vshll.u32 v9, $0x7;
	v13 =	vand.u32 $0xFFFFFF80, v4;
	v2 =	vshll.u32 v2, $0x7;
	v12 =	vld [tilespmem:s1+$0x4030]  }
0x1cf: {  	v8 =	vadd.s32 v8, v9;
	v6 =	vshll.u32 v6, $0x7;
	v9 =	vand.u32 $0xFFFFFF80, v11;
	v14 =	vld [tilespmem:s1+$0x0]  }
0x1d0: {  	v10 =	vand.u32 $0x7F, v10;
	v2 =	vadd.s32 v13, v2;
	v6 =	vadd.s32 v9, v6;
	v15 =	vld [tilespmem:s1+$0x4000]  }
0x1d1: {  	v8 =	vor.u32 v10, v8;
	v4 =	vand.u32 $0x7F, v4;
	v10 =	vand.u32 $0x7F, v11;
	v9 =	vld [tilespmem:s1+$0x10]  }
0x1d2: {  	v8 =	vadd.s32 $0x4000, v8;
	v2 =	vor.u32 v4, v2;
	v4 =	vor.u32 v10, v6;
	v11 =	vld [tilespmem:s1+$0x4010]  }
0x1d3: {  	v5 =	vmul.f32 $1.600000000e+01, v5;
	v10 =	vld [tilespmem:s1+$0x20];
	v6 =	vmul.f32 $1.600000000e+01, v12;
	v12 =	vadd.s32 $0x4000, v2  }
0x1d4: {  	vm1 =	vlt.u32 v3, $0x42000001;
	v4 =	vadd.s32 $0x4000, v4;
	v2 =	vmul.f32 $1.600000000e+01, v14;
	v13 =	vld [tilespmem:s1+$0x4020]  }
0x1d5: {  	v14 =	vadd.f32 $1.600000000e+01, v5;
	v3 =	vmul.f32 $1.600000000e+01, v15;
	v15 =	vadd.f32 $1.600000000e+01, v6  }
0x1d6: {  	vm2 =	vlt.u32 v7, $0x42000001;
	v2 =	vadd.f32 $1.600000000e+01, v2;
	v6 =	vmul.f32 $1.600000000e+01, v9  }
0x1d7: {  	v9 =	vmin.f32 v14, $3.100000000e+01;
	v7 =	vmul.f32 $1.600000000e+01, v11;
	v11 =	vmin.f32 v15, $3.100000000e+01;
	[tilespmem:v8+s26+$0x0] =	vst.idx.add.f32.msk vm0, v1  }
0x1d8: {  	v5 =	vadd.f32 $1.600000000e+01, v3;
	v8 =	vtrunc.f32 v9;
	v9 =	vtrunc.f32 v11  }
0x1d9: {  	v3 =	vadd.f32 $1.600000000e+01, v6;
	v8 =	vcvt.f32.s32 v8;
	v11 =	vcvt.f32.s32 v9  }
.Ltmp12:
0x1da: {  	v6 =	vadd.f32 $1.600000000e+01, v7;
	v7 =	vmul.f32 $1.600000000e+01, v10;
	v13 =	vmul.f32 $1.600000000e+01, v13;
	[tilespmem:v12+s26+$0x0] =	vst.idx.add.f32.msk vm1, v1;
	(pc) =	sbr.rel @p0 .LBB2_26-.Ltmp12, $4  }
0x1db: {  	v9 =	vmin.f32 v2, $3.100000000e+01;
	v8 =	vshll.u32 v8, $0x7;
	v10 =	vand.u32 $0xFFFFFF80, v11  }
0x1dc: {  	v12 =	vmax.u32 v14, v15;
	v11 =	vand.u32 $0x7F, v11;
	v8 =	vadd.s32 v10, v8;
	[tilespmem:v4+s26+$0x0] =	vst.idx.add.f32.msk vm2, v1  }
0x1dd: {  	v7 =	vadd.f32 $1.600000000e+01, v7;
	vm0 =	vlt.u32 v12, $0x42000001;
	v4 =	vor.u32 v11, v8  }
0x1de: {  	v10 =	vmin.f32 v5, $3.100000000e+01;
	v8 =	vadd.f32 $1.600000000e+01, v13;
	v4 =	vadd.s32 $0x4000, v4  }
0x1df: {  	v11 =	vmin.f32 v3, $3.100000000e+01;
	v12 =	vmin.f32 v6, $3.100000000e+01;
	v13 =	vmin.f32 v7, $3.100000000e+01  }
0x1e0: {  	v9 =	vtrunc.f32 v9;
	v10 =	vtrunc.f32 v10;
	v2 =	vmax.u32 v2, v5  }
0x1e1: {  	v3 =	vmax.u32 v3, v6;
	v5 =	vtrunc.f32 v11;
	v11 =	vtrunc.f32 v12  }
0x1e2: {  	v14 =	vmin.f32 v8, $3.100000000e+01;
	v6 =	vtrunc.f32 v13;
	v9 =	vcvt.f32.s32 v9  }
0x1e3: {  	v10 =	vcvt.f32.s32 v10;
	v7 =	vmax.u32 v7, v8;
	vm1 =	vlt.u32 v2, $0x42000001  }
0x1e4: {  	vm2 =	vlt.u32 v3, $0x42000001;
	v12 =	vtrunc.f32 v14;
	v2 =	vcvt.f32.s32 v5  }
0x1e5: {  	v5 =	vcvt.f32.s32 v11;
	v6 =	vcvt.f32.s32 v6;
	v8 =	vand.u32 $0xFFFFFF80, v10  }
0x1e6: {  	v11 =	vcvt.f32.s32 v12;
	v9 =	vshll.u32 v9, $0x7;
	v10 =	vand.u32 $0x7F, v10  }
0x1e7: {  	v12 =	vand.u32 $0xFFFFFF80, v5;
	v2 =	vshll.u32 v2, $0x7;
	v8 =	vadd.s32 v8, v9  }
0x1e8: {  	v6 =	vshll.u32 v6, $0x7;
	v5 =	vand.u32 $0x7F, v5;
	v9 =	vand.u32 $0xFFFFFF80, v11  }
0x1e9: {  	v2 =	vadd.s32 v12, v2;
	v8 =	vor.u32 v10, v8;
	v6 =	vadd.s32 v9, v6  }
0x1ea: {  	v9 =	vand.u32 $0x7F, v11;
	v8 =	vadd.s32 $0x4000, v8;
	v2 =	vor.u32 v5, v2  }
0x1eb: {  	vm3 =	vlt.u32 v7, $0x42000001;
	v3 =	vor.u32 v9, v6;
	v2 =	vadd.s32 $0x4000, v2  }
0x1ec: {  	v3 =	vadd.s32 $0x4000, v3;
	_ =	sdelay $0x1  }
0x1ed: {  	[tilespmem:v4+s26+$0x0] =	vst.idx.add.f32.msk vm0, v1  }
0x1ee: {  	[tilespmem:v8+s26+$0x0] =	vst.idx.add.f32.msk vm1, v1  }
0x1ef: {  	[tilespmem:v2+s26+$0x0] =	vst.idx.add.f32.msk vm2, v1  }
0x1f0: {  	[tilespmem:v3+s26+$0x0] =	vst.idx.add.f32.msk vm3, v1  }
0x1f1: {  	_ =	swait.ge [sflag:s22], $0x2000  }
0x1f2: {  	s30 =	simm.s32 $0x0;
	[sflag:s22] =	ssyncset.done $0x0  }
0x1f3: {  	s1 =	simm.s32 $0x0;
	s3 =	simm.s32 $0x0;
	[sflag:s22] =	ssyncadd.s32 $0xFFFFE000  }
0x1f4: {  	s0 =	sand.u32 $0x40, s30;
	s2 =	sand.u32 $0xC00, s30;
	_ =	swait.ge [sflag:s23], $0x2000  }
0x1f5: {  	s1 =	sand.u32 $0x1000, s1;
	s0 =	sor.u32 s2, s0;
	[sflag:s23] =	ssyncset.done $0x0  }
0x1f6: {  	s4 =	sand.u32 $0x380, s3;
	s0 =	sor.u32 s1, s0;
	[sflag:s23] =	ssyncadd.s32 $0xFFFFE000  }
0x1f7: {  	[tilespmem:s30], [sflag:$0x1] =	stream.linear.gather [hbm4b:s15+s30], $0x2000, $0x38;
	[tilespmem:$0x10000] =	vst v63  }
0x1f8: {  	s0 =	sor.u32 s4, s0  }
0x1f9: {  	[tilespmem:s21], [sflag:$0x2] =	stream.linear.gather [hbm4b:s16+s30], $0x2000, $0x38;
	[tilespmem:$0x10000] =	vst v63  }
0x1fa: {  	v2 =	vld [tilespmem:s0+$0x2030]  }
0x1fb: {  	v3 =	vld [tilespmem:s0+$0x6030]  }
0x1fc: {  	v4 =	vld [tilespmem:s0+$0x2000]  }
0x1fd: {  	v5 =	vld [tilespmem:s0+$0x6000]  }
0x1fe: {  	v6 =	vld [tilespmem:s0+$0x2010]  }
0x1ff: {  	v7 =	vld [tilespmem:s0+$0x6010]  }
0x200: {  	v2 =	vmul.f32 $1.600000000e+01, v2;
	v3 =	vmul.f32 $1.600000000e+01, v3  }
0x201: {  	v4 =	vmul.f32 $1.600000000e+01, v4  }
0x202: {  	v8 =	vld [tilespmem:s0+$0x2020];
	v10 =	vadd.f32 $1.600000000e+01, v2;
	v11 =	vadd.f32 $1.600000000e+01, v3  }
0x203: {  	v3 =	vmul.f32 $1.600000000e+01, v5;
	v2 =	vadd.f32 $1.600000000e+01, v4;
	v4 =	vmul.f32 $1.600000000e+01, v6  }
0x204: {  	v9 =	vld [tilespmem:s0+$0x6020];
	v6 =	vmul.f32 $1.600000000e+01, v7;
	v7 =	vmin.f32 v10, $3.100000000e+01;
	v12 =	vmin.f32 v11, $3.100000000e+01  }
0x205: {  	v5 =	vadd.f32 $1.600000000e+01, v3;
	v7 =	vtrunc.f32 v7;
	v12 =	vtrunc.f32 v12  }
0x206: {  	v3 =	vadd.f32 $1.600000000e+01, v4;
	v4 =	vcvt.f32.s32 v7;
	v7 =	vcvt.f32.s32 v12  }
0x207: {  	v8 =	vmul.f32 $1.600000000e+01, v8;
	v6 =	vadd.f32 $1.600000000e+01, v6;
	v10 =	vmax.u32 v10, v11  }
0x208: {  	vm0 =	vlt.u32 v10, $0x42000001;
	v13 =	vand.u32 $0xFFFFFF80, v7;
	v4 =	vshll.u32 v4, $0x7  }
0x209: {  	v12 =	vmul.f32 $1.600000000e+01, v9;
	v11 =	vand.u32 $0x7F, v7;
	v4 =	vadd.s32 v13, v4  }
0x20a: {  	v9 =	vmin.f32 v2, $3.100000000e+01;
	v7 =	vadd.f32 $1.600000000e+01, v8;
	v4 =	vor.u32 v11, v4  }
0x20b: {  	v8 =	vadd.f32 $1.600000000e+01, v12;
	v12 =	vmin.f32 v6, $3.100000000e+01;
	v4 =	vadd.s32 $0x5000, v4  }
0x20c: {  	s31 =	simm.s32 $0x0;
	s0 =	simm.s32 $0x0;
	v13 =	vmin.f32 v5, $3.100000000e+01;
	v11 =	vmin.f32 v3, $3.100000000e+01;
	v10 =	vmin.f32 v7, $3.100000000e+01  }
.LBB2_28:
0x20d: {  	s31 =	sadd.s32 $0x4, s31;
	v9 =	vtrunc.f32 v9;
	v13 =	vtrunc.f32 v13;
	v14 =	vmin.f32 v8, $3.100000000e+01;
	s30 =	sadd.s32 $0x40, s30;
	s0 =	sadd.s32 $0x200, s0  }
0x20e: {  	v2 =	vmax.u32 v2, v5;
	v5 =	vtrunc.f32 v11;
	v11 =	vtrunc.f32 v12;
	s1 =	sand.u32 $0x40, s30;
	s2 =	sshll.u32 s31, $0x4;
	s3 =	sand.u32 $0xC00, s0  }
0x20f: {  	v3 =	vmax.u32 v3, v6;
	v6 =	vtrunc.f32 v10;
	s4 =	sshll.u32 s31, $0x2;
	v10 =	vtrunc.f32 v14;
	s2 =	sand.u32 $0x1000, s2;
	s1 =	sor.u32 s3, s1  }
0x210: {  	v7 =	vmax.u32 v7, v8;
	p0 =	slt.u32 s31, $0x1FC;
	v9 =	vcvt.f32.s32 v9;
	v12 =	vcvt.f32.s32 v13;
	s3 =	sand.u32 $0x380, s4;
	s1 =	sor.u32 s2, s1;
	[tilespmem:v4+s26+$0x0] =	vst.idx.add.f32.msk vm0, v1  }
0x211: {  	vm0 =	vlt.u32 v2, $0x42000001;
	v2 =	vcvt.f32.s32 v5;
	v4 =	vcvt.f32.s32 v11;
	s1 =	sor.u32 s3, s1  }
0x212: {  	v6 =	vcvt.f32.s32 v6;
	v10 =	vcvt.f32.s32 v10;
	v8 =	vand.u32 $0xFFFFFF80, v12;
	v5 =	vld [tilespmem:s1+$0x2030]  }
0x213: {  	v9 =	vshll.u32 v9, $0x7;
	v13 =	vand.u32 $0xFFFFFF80, v4;
	v2 =	vshll.u32 v2, $0x7;
	v11 =	vld [tilespmem:s1+$0x6030]  }
0x214: {  	v6 =	vshll.u32 v6, $0x7;
	v8 =	vadd.s32 v8, v9;
	v9 =	vand.u32 $0xFFFFFF80, v10;
	v14 =	vld [tilespmem:s1+$0x2000]  }
0x215: {  	v12 =	vand.u32 $0x7F, v12;
	v6 =	vadd.s32 v9, v6;
	v2 =	vadd.s32 v13, v2;
	v15 =	vld [tilespmem:s1+$0x6000]  }
0x216: {  	v10 =	vand.u32 $0x7F, v10;
	v8 =	vor.u32 v12, v8;
	v4 =	vand.u32 $0x7F, v4;
	v9 =	vld [tilespmem:s1+$0x2010]  }
0x217: {  	v8 =	vadd.s32 $0x5000, v8;
	v2 =	vor.u32 v4, v2;
	v4 =	vor.u32 v10, v6;
	v12 =	vld [tilespmem:s1+$0x6010]  }
0x218: {  	v5 =	vmul.f32 $1.600000000e+01, v5;
	v10 =	vld [tilespmem:s1+$0x2020];
	v6 =	vmul.f32 $1.600000000e+01, v11;
	v11 =	vadd.s32 $0x5000, v2  }
0x219: {  	vm1 =	vlt.u32 v3, $0x42000001;
	v4 =	vadd.s32 $0x5000, v4;
	v2 =	vmul.f32 $1.600000000e+01, v14;
	v13 =	vld [tilespmem:s1+$0x6020]  }
0x21a: {  	v14 =	vadd.f32 $1.600000000e+01, v5;
	v3 =	vmul.f32 $1.600000000e+01, v15;
	v15 =	vadd.f32 $1.600000000e+01, v6  }
0x21b: {  	vm2 =	vlt.u32 v7, $0x42000001;
	v2 =	vadd.f32 $1.600000000e+01, v2;
	v6 =	vmul.f32 $1.600000000e+01, v9  }
0x21c: {  	v9 =	vmin.f32 v14, $3.100000000e+01;
	v7 =	vmul.f32 $1.600000000e+01, v12;
	v12 =	vmin.f32 v15, $3.100000000e+01;
	[tilespmem:v8+s26+$0x0] =	vst.idx.add.f32.msk vm0, v1  }
0x21d: {  	v5 =	vadd.f32 $1.600000000e+01, v3;
	v8 =	vtrunc.f32 v9;
	v9 =	vtrunc.f32 v12  }
0x21e: {  	v3 =	vadd.f32 $1.600000000e+01, v6;
	v8 =	vcvt.f32.s32 v8;
	v12 =	vcvt.f32.s32 v9  }
0x21f: {  	v6 =	vadd.f32 $1.600000000e+01, v7;
	v7 =	vmul.f32 $1.600000000e+01, v10;
	v10 =	vmul.f32 $1.600000000e+01, v13;
	[tilespmem:v11+s26+$0x0] =	vst.idx.add.f32.msk vm1, v1  }
.Ltmp13:
0x220: {  	v9 =	vmin.f32 v2, $3.100000000e+01;
	v8 =	vshll.u32 v8, $0x7;
	v11 =	vand.u32 $0xFFFFFF80, v12;
	(pc) =	sbr.rel @p0 .LBB2_28-.Ltmp13, $4  }
0x221: {  	v13 =	vmax.u32 v14, v15;
	v12 =	vand.u32 $0x7F, v12;
	v8 =	vadd.s32 v11, v8;
	[tilespmem:v4+s26+$0x0] =	vst.idx.add.f32.msk vm2, v1  }
0x222: {  	vm0 =	vlt.u32 v13, $0x42000001;
	v7 =	vadd.f32 $1.600000000e+01, v7;
	v4 =	vor.u32 v12, v8  }
0x223: {  	v13 =	vmin.f32 v5, $3.100000000e+01;
	v8 =	vadd.f32 $1.600000000e+01, v10;
	v4 =	vadd.s32 $0x5000, v4  }
0x224: {  	v11 =	vmin.f32 v3, $3.100000000e+01;
	v12 =	vmin.f32 v6, $3.100000000e+01;
	v10 =	vmin.f32 v7, $3.100000000e+01  }
0x225: {  	v9 =	vtrunc.f32 v9;
	v13 =	vtrunc.f32 v13;
	v14 =	vmin.f32 v8, $3.100000000e+01  }
0x226: {  	v2 =	vmax.u32 v2, v5;
	v5 =	vtrunc.f32 v11;
	v11 =	vtrunc.f32 v12  }
0x227: {  	v3 =	vmax.u32 v3, v6;
	v6 =	vtrunc.f32 v10;
	v10 =	vtrunc.f32 v14  }
0x228: {  	v7 =	vmax.u32 v7, v8;
	v9 =	vcvt.f32.s32 v9;
	v60 =	vcvt.f32.s32 v13  }
0x229: {  	vm1 =	vlt.u32 v2, $0x42000001;
	v2 =	vcvt.f32.s32 v5;
	v5 =	vcvt.f32.s32 v11  }
0x22a: {  	v6 =	vcvt.f32.s32 v6;
	vm2 =	vlt.u32 v3, $0x42000001;
	v10 =	vcvt.f32.s32 v10  }
0x22b: {  	v8 =	vand.u32 $0xFFFFFF80, v60;
	v9 =	vshll.u32 v9, $0x7;
	v11 =	vand.u32 $0xFFFFFF80, v5  }
0x22c: {  	v2 =	vshll.u32 v2, $0x7;
	v6 =	vshll.u32 v6, $0x7;
	v12 =	vand.u32 $0x7F, v60  }
0x22d: {  	v5 =	vand.u32 $0x7F, v5;
	v8 =	vadd.s32 v8, v9;
	v9 =	vand.u32 $0xFFFFFF80, v10  }
0x22e: {  	v2 =	vadd.s32 v11, v2;
	v6 =	vadd.s32 v9, v6;
	v8 =	vor.u32 v12, v8  }
0x22f: {  	v9 =	vand.u32 $0x7F, v10;
	v2 =	vor.u32 v5, v2;
	v8 =	vadd.s32 $0x5000, v8  }
0x230: {  	vm3 =	vlt.u32 v7, $0x42000001;
	v3 =	vor.u32 v9, v6;
	v2 =	vadd.s32 $0x5000, v2  }
0x231: {  	v3 =	vadd.s32 $0x5000, v3;
	_ =	sdelay $0x1  }
0x232: {  	[tilespmem:v4+s26+$0x0] =	vst.idx.add.f32.msk vm0, v1  }
0x233: {  	[tilespmem:v8+s26+$0x0] =	vst.idx.add.f32.msk vm1, v1  }
0x234: {  	[tilespmem:v2+s26+$0x0] =	vst.idx.add.f32.msk vm2, v1  }
0x235: {  	[tilespmem:v3+s26+$0x0] =	vst.idx.add.f32.msk vm3, v1  }
0x236: {  	_ =	swait.ge [sflag:s22], $0x2000  }
0x237: {  	s30 =	simm.s32 $0x0;
	[sflag:s22] =	ssyncset.done $0x0  }
0x238: {  	s0 =	simm.s32 $0x0;
	s2 =	simm.s32 $0x0;
	[sflag:s22] =	ssyncadd.s32 $0xFFFFE000  }
0x239: {  	s0 =	sand.u32 $0x1000, s0;
	s1 =	sand.u32 $0xC00, s30;
	_ =	swait.ge [sflag:s23], $0x2000  }
0x23a: {  	s3 =	sand.u32 $0x380, s2;
	s0 =	sor.u32 s1, s0;
	[sflag:s23] =	ssyncset.done $0x0  }
0x23b: {  	s4 =	sand.u32 $0x40, s30;
	s0 =	sor.u32 s3, s0;
	[sflag:s23] =	ssyncadd.s32 $0xFFFFE000  }
0x23c: {  	[tilespmem:s24], [sflag:$0x1] =	stream.linear.gather [hbm4b:s17+s30], $0x2000, $0x38;
	[tilespmem:$0x10000] =	vst v63  }
0x23d: {  	s0 =	sor.u32 s4, s0  }
0x23e: {  	[tilespmem:s25], [sflag:$0x2] =	stream.linear.gather [hbm4b:s18+s30], $0x2000, $0x38;
	[tilespmem:$0x10000] =	vst v63  }
0x23f: {  	v2 =	vld [tilespmem:s0+$0x30]  }
0x240: {  	v3 =	vld [tilespmem:s0+$0x4030]  }
0x241: {  	v4 =	vld [tilespmem:s0+$0x0]  }
0x242: {  	v5 =	vld [tilespmem:s0+$0x4000]  }
0x243: {  	v6 =	vld [tilespmem:s0+$0x10]  }
0x244: {  	v7 =	vld [tilespmem:s0+$0x4010]  }
0x245: {  	v2 =	vmul.f32 $1.600000000e+01, v2;
	v3 =	vmul.f32 $1.600000000e+01, v3  }
0x246: {  	v8 =	vld [tilespmem:s0+$0x20];
	v4 =	vmul.f32 $1.600000000e+01, v4  }
0x247: {  	v9 =	vld [tilespmem:s0+$0x4020];
	v10 =	vadd.f32 $1.600000000e+01, v2;
	v11 =	vadd.f32 $1.600000000e+01, v3  }
0x248: {  	v3 =	vmul.f32 $1.600000000e+01, v5;
	v2 =	vadd.f32 $1.600000000e+01, v4;
	v4 =	vmul.f32 $1.600000000e+01, v6  }
0x249: {  	v6 =	vmul.f32 $1.600000000e+01, v7;
	v7 =	vmin.f32 v10, $3.100000000e+01;
	v61 =	vmin.f32 v11, $3.100000000e+01  }
0x24a: {  	v5 =	vadd.f32 $1.600000000e+01, v3;
	v7 =	vtrunc.f32 v7;
	v12 =	vtrunc.f32 v61  }
0x24b: {  	v3 =	vadd.f32 $1.600000000e+01, v4;
	v4 =	vcvt.f32.s32 v7;
	v7 =	vcvt.f32.s32 v12  }
0x24c: {  	v8 =	vmul.f32 $1.600000000e+01, v8;
	v62 =	vmul.f32 $1.600000000e+01, v9;
	v6 =	vadd.f32 $1.600000000e+01, v6  }
0x24d: {  	v9 =	vmin.f32 v2, $3.100000000e+01;
	v63 =	vand.u32 $0xFFFFFF80, v7;
	v4 =	vshll.u32 v4, $0x7  }
0x24e: {  	v10 =	vmax.u32 v10, v11;
	v11 =	vand.u32 $0x7F, v7;
	v4 =	vadd.s32 v63, v4  }
0x24f: {  	vm0 =	vlt.u32 v10, $0x42000001;
	v7 =	vadd.f32 $1.600000000e+01, v8;
	v4 =	vor.u32 v11, v4  }
0x250: {  	s31 =	simm.s32 $0x0;
	s0 =	simm.s32 $0x0;
	v10 =	vmin.f32 v5, $3.100000000e+01;
	v8 =	vadd.f32 $1.600000000e+01, v62;
	v4 =	vadd.s32 $0x6000, v4  }
.LBB2_30:
0x251: {  	s31 =	sadd.s32 $0x4, s31;
	v11 =	vmin.f32 v3, $3.100000000e+01;
	v12 =	vmin.f32 v6, $3.100000000e+01;
	v13 =	vmin.f32 v7, $3.100000000e+01  }
0x252: {  	v9 =	vtrunc.f32 v9;
	v10 =	vtrunc.f32 v10;
	s30 =	sadd.s32 $0x200, s30;
	s1 =	sshll.u32 s31, $0x4;
	p0 =	slt.u32 s31, $0x1FC;
	v14 =	vmin.f32 v8, $3.100000000e+01  }
0x253: {  	v2 =	vmax.u32 v2, v5;
	s2 =	sand.u32 $0xC00, s30;
	s3 =	sshll.u32 s31, $0x2;
	v5 =	vtrunc.f32 v11;
	v11 =	vtrunc.f32 v12;
	s1 =	sand.u32 $0x1000, s1  }
0x254: {  	v3 =	vmax.u32 v3, v6;
	s0 =	sadd.s32 $0x40, s0;
	v6 =	vtrunc.f32 v13;
	v12 =	vtrunc.f32 v14;
	s1 =	sor.u32 s2, s1;
	s2 =	sand.u32 $0x380, s3  }
0x255: {  	v9 =	vcvt.f32.s32 v9;
	v10 =	vcvt.f32.s32 v10;
	v7 =	vmax.u32 v7, v8;
	s3 =	sand.u32 $0x40, s0;
	s1 =	sor.u32 s2, s1;
	[tilespmem:v4+s26+$0x0] =	vst.idx.add.f32.msk vm0, v1  }
0x256: {  	vm0 =	vlt.u32 v2, $0x42000001;
	v2 =	vcvt.f32.s32 v5;
	v4 =	vcvt.f32.s32 v11;
	s1 =	sor.u32 s3, s1  }
0x257: {  	v6 =	vcvt.f32.s32 v6;
	v8 =	vand.u32 $0xFFFFFF80, v10;
	v11 =	vcvt.f32.s32 v12;
	v5 =	vld [tilespmem:s1+$0x30]  }
0x258: {  	v9 =	vshll.u32 v9, $0x7;
	v13 =	vand.u32 $0xFFFFFF80, v4;
	v2 =	vshll.u32 v2, $0x7;
	v12 =	vld [tilespmem:s1+$0x4030]  }
0x259: {  	v8 =	vadd.s32 v8, v9;
	v6 =	vshll.u32 v6, $0x7;
	v9 =	vand.u32 $0xFFFFFF80, v11;
	v14 =	vld [tilespmem:s1+$0x0]  }
0x25a: {  	v10 =	vand.u32 $0x7F, v10;
	v2 =	vadd.s32 v13, v2;
	v6 =	vadd.s32 v9, v6;
	v15 =	vld [tilespmem:s1+$0x4000]  }
0x25b: {  	v8 =	vor.u32 v10, v8;
	v4 =	vand.u32 $0x7F, v4;
	v10 =	vand.u32 $0x7F, v11;
	v9 =	vld [tilespmem:s1+$0x10]  }
0x25c: {  	v8 =	vadd.s32 $0x6000, v8;
	v2 =	vor.u32 v4, v2;
	v4 =	vor.u32 v10, v6;
	v11 =	vld [tilespmem:s1+$0x4010]  }
0x25d: {  	v5 =	vmul.f32 $1.600000000e+01, v5;
	v10 =	vld [tilespmem:s1+$0x20];
	v6 =	vmul.f32 $1.600000000e+01, v12;
	v12 =	vadd.s32 $0x6000, v2  }
0x25e: {  	vm1 =	vlt.u32 v3, $0x42000001;
	v4 =	vadd.s32 $0x6000, v4;
	v2 =	vmul.f32 $1.600000000e+01, v14;
	v13 =	vld [tilespmem:s1+$0x4020]  }
0x25f: {  	v14 =	vadd.f32 $1.600000000e+01, v5;
	v3 =	vmul.f32 $1.600000000e+01, v15;
	v15 =	vadd.f32 $1.600000000e+01, v6  }
0x260: {  	vm2 =	vlt.u32 v7, $0x42000001;
	v2 =	vadd.f32 $1.600000000e+01, v2;
	v6 =	vmul.f32 $1.600000000e+01, v9  }
0x261: {  	v9 =	vmin.f32 v14, $3.100000000e+01;
	v7 =	vmul.f32 $1.600000000e+01, v11;
	v11 =	vmin.f32 v15, $3.100000000e+01;
	[tilespmem:v8+s26+$0x0] =	vst.idx.add.f32.msk vm0, v1  }
0x262: {  	v5 =	vadd.f32 $1.600000000e+01, v3;
	v8 =	vtrunc.f32 v9;
	v9 =	vtrunc.f32 v11  }
0x263: {  	v3 =	vadd.f32 $1.600000000e+01, v6;
	v8 =	vcvt.f32.s32 v8;
	v11 =	vcvt.f32.s32 v9  }
.Ltmp14:
0x264: {  	v6 =	vadd.f32 $1.600000000e+01, v7;
	v7 =	vmul.f32 $1.600000000e+01, v10;
	v13 =	vmul.f32 $1.600000000e+01, v13;
	[tilespmem:v12+s26+$0x0] =	vst.idx.add.f32.msk vm1, v1;
	(pc) =	sbr.rel @p0 .LBB2_30-.Ltmp14, $4  }
0x265: {  	v9 =	vmin.f32 v2, $3.100000000e+01;
	v8 =	vshll.u32 v8, $0x7;
	v10 =	vand.u32 $0xFFFFFF80, v11  }
0x266: {  	v12 =	vmax.u32 v14, v15;
	v11 =	vand.u32 $0x7F, v11;
	v8 =	vadd.s32 v10, v8;
	[tilespmem:v4+s26+$0x0] =	vst.idx.add.f32.msk vm2, v1  }
0x267: {  	v7 =	vadd.f32 $1.600000000e+01, v7;
	vm0 =	vlt.u32 v12, $0x42000001;
	v4 =	vor.u32 v11, v8  }
0x268: {  	v10 =	vmin.f32 v5, $3.100000000e+01;
	v8 =	vadd.f32 $1.600000000e+01, v13;
	v4 =	vadd.s32 $0x6000, v4  }
0x269: {  	v11 =	vmin.f32 v3, $3.100000000e+01;
	v12 =	vmin.f32 v6, $3.100000000e+01;
	v13 =	vmin.f32 v7, $3.100000000e+01  }
0x26a: {  	v9 =	vtrunc.f32 v9;
	v10 =	vtrunc.f32 v10;
	v2 =	vmax.u32 v2, v5  }
0x26b: {  	v3 =	vmax.u32 v3, v6;
	v5 =	vtrunc.f32 v11;
	v11 =	vtrunc.f32 v12  }
0x26c: {  	v14 =	vmin.f32 v8, $3.100000000e+01;
	v6 =	vtrunc.f32 v13;
	v9 =	vcvt.f32.s32 v9  }
0x26d: {  	v10 =	vcvt.f32.s32 v10;
	v7 =	vmax.u32 v7, v8;
	vm1 =	vlt.u32 v2, $0x42000001  }
0x26e: {  	vm2 =	vlt.u32 v3, $0x42000001;
	v12 =	vtrunc.f32 v14;
	v2 =	vcvt.f32.s32 v5  }
0x26f: {  	v5 =	vcvt.f32.s32 v11;
	v6 =	vcvt.f32.s32 v6;
	v8 =	vand.u32 $0xFFFFFF80, v10  }
0x270: {  	v11 =	vcvt.f32.s32 v12;
	v9 =	vshll.u32 v9, $0x7;
	v10 =	vand.u32 $0x7F, v10  }
0x271: {  	v12 =	vand.u32 $0xFFFFFF80, v5;
	v2 =	vshll.u32 v2, $0x7;
	v8 =	vadd.s32 v8, v9  }
0x272: {  	v6 =	vshll.u32 v6, $0x7;
	v5 =	vand.u32 $0x7F, v5;
	v9 =	vand.u32 $0xFFFFFF80, v11  }
0x273: {  	v2 =	vadd.s32 v12, v2;
	v8 =	vor.u32 v10, v8;
	v6 =	vadd.s32 v9, v6  }
0x274: {  	v9 =	vand.u32 $0x7F, v11;
	v8 =	vadd.s32 $0x6000, v8;
	v2 =	vor.u32 v5, v2  }
0x275: {  	vm3 =	vlt.u32 v7, $0x42000001;
	v3 =	vor.u32 v9, v6;
	v2 =	vadd.s32 $0x6000, v2  }
0x276: {  	v3 =	vadd.s32 $0x6000, v3;
	_ =	sdelay $0x1  }
0x277: {  	[tilespmem:v4+s26+$0x0] =	vst.idx.add.f32.msk vm0, v1  }
0x278: {  	[tilespmem:v8+s26+$0x0] =	vst.idx.add.f32.msk vm1, v1  }
0x279: {  	[tilespmem:v2+s26+$0x0] =	vst.idx.add.f32.msk vm2, v1  }
0x27a: {  	[tilespmem:v3+s26+$0x0] =	vst.idx.add.f32.msk vm3, v1  }
0x27b: {  	s30 =	simm.s32 $0x0;
	_ =	swait.ge [sflag:s22], $0x2000  }
0x27c: {  	s1 =	simm.s32 $0x0;
	s3 =	simm.s32 $0x0;
	[sflag:s22] =	ssyncset.done $0x0  }
0x27d: {  	s0 =	sand.u32 $0x40, s30;
	s2 =	sand.u32 $0xC00, s30;
	[sflag:s22] =	ssyncadd.s32 $0xFFFFE000  }
0x27e: {  	s1 =	sand.u32 $0x1000, s1;
	s0 =	sor.u32 s2, s0;
	_ =	swait.ge [sflag:s23], $0x2000  }
0x27f: {  	s4 =	sand.u32 $0x380, s3;
	s0 =	sor.u32 s1, s0;
	[sflag:s23] =	ssyncset.done $0x0  }
0x280: {  	s0 =	sor.u32 s4, s0;
	[sflag:s23] =	ssyncadd.s32 $0xFFFFE000  }
0x281: {  	v2 =	vld [tilespmem:s0+$0x2030]  }
0x282: {  	v3 =	vld [tilespmem:s0+$0x6030]  }
0x283: {  	v4 =	vld [tilespmem:s0+$0x2000]  }
0x284: {  	v5 =	vld [tilespmem:s0+$0x6000]  }
0x285: {  	v6 =	vld [tilespmem:s0+$0x2010]  }
0x286: {  	v7 =	vld [tilespmem:s0+$0x6010]  }
0x287: {  	v2 =	vmul.f32 $1.600000000e+01, v2;
	v3 =	vmul.f32 $1.600000000e+01, v3  }
0x288: {  	v4 =	vmul.f32 $1.600000000e+01, v4  }
0x289: {  	v8 =	vld [tilespmem:s0+$0x2020];
	v10 =	vadd.f32 $1.600000000e+01, v2;
	v11 =	vadd.f32 $1.600000000e+01, v3  }
0x28a: {  	v3 =	vmul.f32 $1.600000000e+01, v5;
	v2 =	vadd.f32 $1.600000000e+01, v4;
	v4 =	vmul.f32 $1.600000000e+01, v6  }
0x28b: {  	v9 =	vld [tilespmem:s0+$0x6020];
	v6 =	vmul.f32 $1.600000000e+01, v7;
	v7 =	vmin.f32 v10, $3.100000000e+01;
	v12 =	vmin.f32 v11, $3.100000000e+01  }
0x28c: {  	v5 =	vadd.f32 $1.600000000e+01, v3;
	v7 =	vtrunc.f32 v7;
	v12 =	vtrunc.f32 v12  }
0x28d: {  	v3 =	vadd.f32 $1.600000000e+01, v4;
	v4 =	vcvt.f32.s32 v7;
	v7 =	vcvt.f32.s32 v12  }
0x28e: {  	v8 =	vmul.f32 $1.600000000e+01, v8;
	v6 =	vadd.f32 $1.600000000e+01, v6;
	v10 =	vmax.u32 v10, v11  }
0x28f: {  	vm0 =	vlt.u32 v10, $0x42000001;
	v13 =	vand.u32 $0xFFFFFF80, v7;
	v4 =	vshll.u32 v4, $0x7  }
0x290: {  	v12 =	vmul.f32 $1.600000000e+01, v9;
	v11 =	vand.u32 $0x7F, v7;
	v4 =	vadd.s32 v13, v4  }
0x291: {  	v9 =	vmin.f32 v2, $3.100000000e+01;
	v7 =	vadd.f32 $1.600000000e+01, v8;
	v4 =	vor.u32 v11, v4  }
0x292: {  	v8 =	vadd.f32 $1.600000000e+01, v12;
	v12 =	vmin.f32 v6, $3.100000000e+01;
	v4 =	vadd.s32 $0x7000, v4  }
0x293: {  	s31 =	simm.s32 $0x0;
	s0 =	simm.s32 $0x0;
	v13 =	vmin.f32 v5, $3.100000000e+01;
	v11 =	vmin.f32 v3, $3.100000000e+01;
	v10 =	vmin.f32 v7, $3.100000000e+01  }
.LBB2_32:
0x294: {  	s31 =	sadd.s32 $0x4, s31;
	v9 =	vtrunc.f32 v9;
	v13 =	vtrunc.f32 v13;
	v14 =	vmin.f32 v8, $3.100000000e+01;
	s30 =	sadd.s32 $0x40, s30;
	s0 =	sadd.s32 $0x200, s0  }
0x295: {  	v2 =	vmax.u32 v2, v5;
	v5 =	vtrunc.f32 v11;
	v11 =	vtrunc.f32 v12;
	s1 =	sand.u32 $0x40, s30;
	s2 =	sshll.u32 s31, $0x4;
	s3 =	sand.u32 $0xC00, s0  }
0x296: {  	v3 =	vmax.u32 v3, v6;
	v6 =	vtrunc.f32 v10;
	s4 =	sshll.u32 s31, $0x2;
	v10 =	vtrunc.f32 v14;
	s2 =	sand.u32 $0x1000, s2;
	s1 =	sor.u32 s3, s1  }
0x297: {  	v7 =	vmax.u32 v7, v8;
	p0 =	slt.u32 s31, $0x1FC;
	v9 =	vcvt.f32.s32 v9;
	v12 =	vcvt.f32.s32 v13;
	s3 =	sand.u32 $0x380, s4;
	s1 =	sor.u32 s2, s1;
	[tilespmem:v4+s26+$0x0] =	vst.idx.add.f32.msk vm0, v1  }
0x298: {  	vm0 =	vlt.u32 v2, $0x42000001;
	v2 =	vcvt.f32.s32 v5;
	v4 =	vcvt.f32.s32 v11;
	s1 =	sor.u32 s3, s1  }
0x299: {  	v6 =	vcvt.f32.s32 v6;
	v10 =	vcvt.f32.s32 v10;
	v8 =	vand.u32 $0xFFFFFF80, v12;
	v5 =	vld [tilespmem:s1+$0x2030]  }
0x29a: {  	v9 =	vshll.u32 v9, $0x7;
	v13 =	vand.u32 $0xFFFFFF80, v4;
	v2 =	vshll.u32 v2, $0x7;
	v11 =	vld [tilespmem:s1+$0x6030]  }
0x29b: {  	v6 =	vshll.u32 v6, $0x7;
	v8 =	vadd.s32 v8, v9;
	v9 =	vand.u32 $0xFFFFFF80, v10;
	v14 =	vld [tilespmem:s1+$0x2000]  }
0x29c: {  	v12 =	vand.u32 $0x7F, v12;
	v6 =	vadd.s32 v9, v6;
	v2 =	vadd.s32 v13, v2;
	v15 =	vld [tilespmem:s1+$0x6000]  }
0x29d: {  	v10 =	vand.u32 $0x7F, v10;
	v8 =	vor.u32 v12, v8;
	v4 =	vand.u32 $0x7F, v4;
	v9 =	vld [tilespmem:s1+$0x2010]  }
0x29e: {  	v8 =	vadd.s32 $0x7000, v8;
	v2 =	vor.u32 v4, v2;
	v4 =	vor.u32 v10, v6;
	v12 =	vld [tilespmem:s1+$0x6010]  }
0x29f: {  	v5 =	vmul.f32 $1.600000000e+01, v5;
	v10 =	vld [tilespmem:s1+$0x2020];
	v6 =	vmul.f32 $1.600000000e+01, v11;
	v11 =	vadd.s32 $0x7000, v2  }
0x2a0: {  	vm1 =	vlt.u32 v3, $0x42000001;
	v4 =	vadd.s32 $0x7000, v4;
	v2 =	vmul.f32 $1.600000000e+01, v14;
	v13 =	vld [tilespmem:s1+$0x6020]  }
0x2a1: {  	v14 =	vadd.f32 $1.600000000e+01, v5;
	v3 =	vmul.f32 $1.600000000e+01, v15;
	v15 =	vadd.f32 $1.600000000e+01, v6  }
0x2a2: {  	vm2 =	vlt.u32 v7, $0x42000001;
	v2 =	vadd.f32 $1.600000000e+01, v2;
	v6 =	vmul.f32 $1.600000000e+01, v9  }
0x2a3: {  	v9 =	vmin.f32 v14, $3.100000000e+01;
	v7 =	vmul.f32 $1.600000000e+01, v12;
	v12 =	vmin.f32 v15, $3.100000000e+01;
	[tilespmem:v8+s26+$0x0] =	vst.idx.add.f32.msk vm0, v1  }
0x2a4: {  	v5 =	vadd.f32 $1.600000000e+01, v3;
	v8 =	vtrunc.f32 v9;
	v9 =	vtrunc.f32 v12  }
0x2a5: {  	v3 =	vadd.f32 $1.600000000e+01, v6;
	v8 =	vcvt.f32.s32 v8;
	v12 =	vcvt.f32.s32 v9  }
0x2a6: {  	v6 =	vadd.f32 $1.600000000e+01, v7;
	v7 =	vmul.f32 $1.600000000e+01, v10;
	v10 =	vmul.f32 $1.600000000e+01, v13;
	[tilespmem:v11+s26+$0x0] =	vst.idx.add.f32.msk vm1, v1  }
.Ltmp15:
0x2a7: {  	v9 =	vmin.f32 v2, $3.100000000e+01;
	v8 =	vshll.u32 v8, $0x7;
	v11 =	vand.u32 $0xFFFFFF80, v12;
	(pc) =	sbr.rel @p0 .LBB2_32-.Ltmp15, $4  }
0x2a8: {  	v13 =	vmax.u32 v14, v15;
	v12 =	vand.u32 $0x7F, v12;
	v8 =	vadd.s32 v11, v8;
	[tilespmem:v4+s26+$0x0] =	vst.idx.add.f32.msk vm2, v1  }
0x2a9: {  	vm0 =	vlt.u32 v13, $0x42000001;
	v7 =	vadd.f32 $1.600000000e+01, v7;
	v4 =	vor.u32 v12, v8  }
0x2aa: {  	v13 =	vmin.f32 v5, $3.100000000e+01;
	v8 =	vadd.f32 $1.600000000e+01, v10;
	v4 =	vadd.s32 $0x7000, v4  }
0x2ab: {  	v11 =	vmin.f32 v3, $3.100000000e+01;
	v12 =	vmin.f32 v6, $3.100000000e+01;
	v10 =	vmin.f32 v7, $3.100000000e+01  }
0x2ac: {  	v9 =	vtrunc.f32 v9;
	v13 =	vtrunc.f32 v13;
	v14 =	vmin.f32 v8, $3.100000000e+01  }
0x2ad: {  	v2 =	vmax.u32 v2, v5;
	v55 =	vtrunc.f32 v11;
	v56 =	vtrunc.f32 v12  }
0x2ae: {  	v3 =	vmax.u32 v3, v6;
	v57 =	vtrunc.f32 v10;
	v58 =	vtrunc.f32 v14  }
0x2af: {  	v7 =	vmax.u32 v7, v8;
	v9 =	vcvt.f32.s32 v9;
	v59 =	vcvt.f32.s32 v13  }
0x2b0: {  	vm1 =	vlt.u32 v2, $0x42000001;
	v2 =	vcvt.f32.s32 v55;
	v60 =	vcvt.f32.s32 v56  }
0x2b1: {  	v6 =	vcvt.f32.s32 v57;
	vm2 =	vlt.u32 v3, $0x42000001;
	v10 =	vcvt.f32.s32 v58  }
0x2b2: {  	v61 =	vand.u32 $0xFFFFFF80, v59;
	v9 =	vshll.u32 v9, $0x7;
	v11 =	vand.u32 $0xFFFFFF80, v60  }
0x2b3: {  	v2 =	vshll.u32 v2, $0x7;
	v6 =	vshll.u32 v6, $0x7;
	v12 =	vand.u32 $0x7F, v59  }
0x2b4: {  	v5 =	vand.u32 $0x7F, v60;
	v8 =	vadd.s32 v61, v9;
	v62 =	vand.u32 $0xFFFFFF80, v10  }
0x2b5: {  	v2 =	vadd.s32 v11, v2;
	v63 =	vand.u32 $0x7F, v10;
	v8 =	vor.u32 v12, v8  }
0x2b6: {  	v6 =	vadd.s32 v62, v6;
	v2 =	vor.u32 v5, v2;
	v8 =	vadd.s32 $0x7000, v8  }
0x2b7: {  	vm3 =	vlt.u32 v7, $0x42000001;
	v3 =	vor.u32 v63, v6;
	v2 =	vadd.s32 $0x7000, v2  }
0x2b8: {  	v3 =	vadd.s32 $0x7000, v3;
	_ =	sdelay $0x1  }
0x2b9: {  	[tilespmem:v4+s26+$0x0] =	vst.idx.add.f32.msk vm0, v1  }
0x2ba: {  	s29 =	sadd.s32 $0x1, s29;
	[tilespmem:v8+s26+$0x0] =	vst.idx.add.f32.msk vm1, v1  }
0x2bb: {  	p0 =	sne.s32 s29, s20;
	[tilespmem:v2+s26+$0x0] =	vst.idx.add.f32.msk vm2, v1  }
.Ltmp16:
0x2bc: {  	s0 =	simm.s32 $0x0;
	[tilespmem:v3+s26+$0x0] =	vst.idx.add.f32.msk vm3, v1;
	(pc) =	sbr.rel @p0 .LBB2_1-.Ltmp16, $4  }
0x2bd: {  	[hbm4b:s19+s0] =	stream.linear.scatter [tilespmem:s26], [sflag:$0x3], $0x8000, $0x38;
	[tilespmem:$0x10000] =	vst v63  }
0x2be: {  	_ =	swait.ge [sflag:s28], $0x8000  }
0x2bf: {  	[sflag:s28] =	ssyncset.done $0x0  }
0x2c0: {  	[sflag:s28] =	ssyncadd.s32 $0xFFFF8000  }
0x2c1: {  	_ =	sfence.sel $0x180000  }
0x2c2: {  	[bflag:$0x0] =	sbarrier.arrive $0xFFFF  }
0x2c3: {  	_ =	strace $0x90000047  }
0x2c4: {  	s0 =	stileid.u32;
	[bflag:$0x2] =	sbarrier.arrive $0xFFFF  }
0x2c5: {  	p0 =	sne.s32 s0, $0x0;
	s0 =	rddreg [dreg:$0x3]  }
0x2c6: {  	s0 =	sadd.s32 @!p0 $0x100000, s0  }
0x2c7: {  	[sflag:s0] =	ssyncadd.tile.s32 @!p0 $0x1;
	_ =	shalt  }
.Lfunc_end2:
_tile_overlayer_lowered:
.L_overlay_start_2:
0x2c8: {  	(tag) =	ssettag $0x2  }
0x2c9: {  	s0 =	rddreg [dreg:$0x0];
	s2 =	stileid.u32  }
0x2ca: {  	s1 =	rddreg [dreg:$0x1];
	p0 =	sne.s32 s2, $0x0  }
0x2cb: {  	s3 =	rddreg [dreg:$0x2];
	[bflag:$0x3] =	sbarrier.arrive $0xFFFF;
	s2 =	simm.s32 @!p0 $0x1C03  }
0x2cc: {  	[timem:s3], [sflag:s2] =	dma.local @!p0 [hbm:s0], s1  }
0x2cd: {  	s0 =	simm.s32 @!p0 $0x3  }
0x2ce: {  	_ =	swait.ge @!p0 [sflag:s0], s1  }
0x2cf: {  	s1 =	ssub.s32 @!p0 $0x0, s1;
	[sflag:s0] =	ssyncset.done @!p0 $0x0  }
0x2d0: {  	[sflag:s0] =	ssyncadd.s32 @!p0 s1  }
0x2d1: {  	[bflag:$0x3] =	sbarrier.arrive $0xFFFF  }
0x2d2: {  	_ =	shalt  }

</sc_bundles>
